<compile_context>
chip_gen: v7x
topology: tpu7x:2x2x1
jax: 0.10.2.dev20260603
libtpu: 0.0.44.dev20260713+nightly
codegen_flags: <defaults>
</compile_context>

<pallas_src>
import functools

import jax
import jax.numpy as jnp
from jax import lax
from jax.experimental import pallas as pl
from jax.experimental.pallas import tpu as pltpu
from jax.experimental.pallas import tpu_sc as plsc

N_NODES = 10000
N_EDGES = 320000
NUM_GRAPHS = 64
D = 42
H = 6
HP = 48
S2S = 84

NUM_SUBCORES = 16
EDGES_PER_SUBCORE = N_EDGES // NUM_SUBCORES
CHUNK = 80
NCHUNKS = EDGES_PER_SUBCORE // CHUNK
NP = 10240



def _prep_body(x_ref, w_ref, al_ref, ar_ref,
               f0_ref, f1_ref, el_ref, er_ref, xp_ref):
    x = x_ref[...]
    feat = jnp.dot(x, w_ref[...], preferred_element_type=jnp.float32)
    r = x.shape[0]
    ones = jnp.ones((r, 1), jnp.float32)
    zer5 = jnp.zeros((r, 5), jnp.float32)
    al = al_ref[...]
    ar = ar_ref[...]
    blocks, els, ers = [], [], []
    for h in range(H):
        fh = feat[:, D * h:D * (h + 1)]
        els.append(jnp.sum(fh * al[h][None, :], axis=1, keepdims=True))
        ers.append(jnp.sum(fh * ar[h][None, :], axis=1, keepdims=True))
        blocks.append(jnp.concatenate([fh, ones, zer5], axis=1))
    f0_ref[...] = jnp.concatenate(blocks[:3], axis=1)
    f1_ref[...] = jnp.concatenate(blocks[3:], axis=1)
    pad10 = jnp.zeros((r, 10), jnp.float32)
    el_ref[...] = jnp.concatenate(els + [pad10], axis=1)
    er_ref[...] = jnp.concatenate(ers + [pad10], axis=1)
    xp_ref[...] = jnp.concatenate([x, ones, zer5], axis=1)


def _prep(x, gat_W, gat_al, gat_ar):
    rb = 1000
    grid = N_NODES // rb
    return pl.pallas_call(
        _prep_body,
        grid=(grid,),
        in_specs=[
            pl.BlockSpec((rb, D), lambda i: (i, 0)),
            pl.BlockSpec((D, H * D), lambda i: (0, 0)),
            pl.BlockSpec((H, D), lambda i: (0, 0)),
            pl.BlockSpec((H, D), lambda i: (0, 0)),
        ],
        out_specs=[
            pl.BlockSpec((rb, 3 * HP), lambda i: (i, 0)),
            pl.BlockSpec((rb, 3 * HP), lambda i: (i, 0)),
            pl.BlockSpec((rb, 16), lambda i: (i, 0)),
            pl.BlockSpec((rb, 16), lambda i: (i, 0)),
            pl.BlockSpec((rb, HP), lambda i: (i, 0)),
        ],
        out_shape=[
            jax.ShapeDtypeStruct((N_NODES, 3 * HP), jnp.float32),
            jax.ShapeDtypeStruct((N_NODES, 3 * HP), jnp.float32),
            jax.ShapeDtypeStruct((N_NODES, 16), jnp.float32),
            jax.ShapeDtypeStruct((N_NODES, 16), jnp.float32),
            jax.ShapeDtypeStruct((N_NODES, HP), jnp.float32),
        ],
    )(x, gat_W, gat_al, gat_ar)



def _sc_gat_body(src_hbm, dst_hbm, elp_hbm, erp_hbm, fcat_hbm, z144_hbm,
                 outcat_hbm,
                 srcva, dstva, adja, srcvb, dstvb, adjb,
                 elsa, ersa, elsb, ersb, featsa, featsb,
                 out_sh, g1a, g2a, g3a, g1b, g2b, g3b, ssa, ssb):
    cid = lax.axis_index("c")
    sid = lax.axis_index("s")

    rows = NP // NUM_SUBCORES
    r0 = sid * rows
    pltpu.sync_copy(z144_hbm.at[pl.ds(r0, rows)], out_sh.at[pl.ds(r0, rows)])
    plsc.subcore_barrier()

    h0 = 3 * cid
    zero16 = jnp.zeros((16,), jnp.int32)
    hidx = [(zero16 + (h0 + hh))[:, None] for hh in range(3)]
    dnums = lax.GatherDimensionNumbers(
        offset_dims=(), collapsed_slice_dims=(0,), start_index_map=(0,))
    row_off = cid * N_NODES
    out_off = cid * NP

    base_e = sid * EDGES_PER_SUBCORE

    def fire_gathers(cb, srcv, dstv, adj, els, ers, feats, s1, s2, s3):
        pltpu.sync_copy(src_hbm.at[pl.ds(cb, CHUNK)], srcv)
        pltpu.sync_copy(dst_hbm.at[pl.ds(cb, CHUNK)], dstv)
        for i in range(CHUNK // 16):
            adj[pl.ds(i * 16, 16)] = srcv[pl.ds(i * 16, 16)] + row_off
        cp1 = pltpu.async_copy(fcat_hbm.at[adj], feats, s1)
        cp2 = pltpu.async_copy(elp_hbm.at[srcv], els, s2)
        cp3 = pltpu.async_copy(erp_hbm.at[dstv], ers, s3)
        return cp1, cp2, cp3

    def compute(els, ers, feats):
        def edge_body(i4, c2):
            for u in range(4):
                i = 4 * i4 + u
                e = els[i] + ers[i]
                e = jnp.where(e >= 0.0, e, 0.2 * e)
                ex = jnp.exp(e)
                exb = [lax.gather(ex, hidx[hh], dnums, slice_sizes=(1,),
                                  mode=lax.GatherScatterMode.PROMISE_IN_BOUNDS)
                       for hh in range(3)]
                for j in range(9):
                    feats[i, pl.ds(16 * j, 16)] = (
                        exb[j // 3] * feats[i, pl.ds(16 * j, 16)])
            return c2

        lax.fori_loop(0, CHUNK // 4, edge_body, 0)

    def pair_body(k, carry):
        cb = base_e + 2 * k * CHUNK
        cpa = fire_gathers(cb, srcva, dstva, adja, elsa, ersa, featsa,
                           g1a, g2a, g3a)
        cpb = fire_gathers(cb + CHUNK, srcvb, dstvb, adjb, elsb, ersb, featsb,
                           g1b, g2b, g3b)
        for cp in cpa:
            cp.wait()
        compute(elsa, ersa, featsa)
        sa = pltpu.async_copy(featsa, out_sh.at[dstva], ssa, add=True)
        for cp in cpb:
            cp.wait()
        compute(elsb, ersb, featsb)
        sb = pltpu.async_copy(featsb, out_sh.at[dstvb], ssb, add=True)
        sa.wait()
        sb.wait()
        return carry

    lax.fori_loop(0, NCHUNKS // 2, pair_body, 0)
    plsc.subcore_barrier()

    pltpu.sync_copy(out_sh.at[pl.ds(r0, rows)],
                    outcat_hbm.at[pl.ds(out_off + r0, rows)])


def _sc_gin_body(src_hbm, dst_hbm, xp_hbm, z48_hbm,
                 agg_hbm,
                 srcva, dstva, xsa, srcvb, dstvb, xsb,
                 agg_sh, ga, gb, ssa, ssb):
    cid = lax.axis_index("c")
    sid = lax.axis_index("s")

    rows = NP // NUM_SUBCORES
    r0 = sid * rows
    pltpu.sync_copy(z48_hbm.at[pl.ds(r0, rows)], agg_sh.at[pl.ds(r0, rows)])
    plsc.subcore_barrier()

    half = N_EDGES // 2
    ept = half // NUM_SUBCORES
    base_e = cid * half + sid * ept
    out_off = cid * NP

    def pair_body(k, carry):
        cb = base_e + 2 * k * CHUNK
        pltpu.sync_copy(src_hbm.at[pl.ds(cb, CHUNK)], srcva)
        pltpu.sync_copy(dst_hbm.at[pl.ds(cb, CHUNK)], dstva)
        cpa = pltpu.async_copy(xp_hbm.at[srcva], xsa, ga)
        pltpu.sync_copy(src_hbm.at[pl.ds(cb + CHUNK, CHUNK)], srcvb)
        pltpu.sync_copy(dst_hbm.at[pl.ds(cb + CHUNK, CHUNK)], dstvb)
        cpb = pltpu.async_copy(xp_hbm.at[srcvb], xsb, gb)
        cpa.wait()
        sa = pltpu.async_copy(xsa, agg_sh.at[dstva], ssa, add=True)
        cpb.wait()
        sb = pltpu.async_copy(xsb, agg_sh.at[dstvb], ssb, add=True)
        sa.wait()
        sb.wait()
        return carry

    npairs = ept // (2 * CHUNK)
    lax.fori_loop(0, npairs, pair_body, 0)
    tb = base_e + 2 * npairs * CHUNK
    pltpu.sync_copy(src_hbm.at[pl.ds(tb, CHUNK)], srcva)
    pltpu.sync_copy(dst_hbm.at[pl.ds(tb, CHUNK)], dstva)
    pltpu.async_copy(xp_hbm.at[srcva], xsa, ga).wait()
    pltpu.sync_copy(xsa, agg_sh.at[dstva], add=True)
    plsc.subcore_barrier()

    pltpu.sync_copy(agg_sh.at[pl.ds(r0, rows)],
                    agg_hbm.at[pl.ds(out_off + r0, rows)])


def _sc_edge(src, dst, elp, erp, fcat, xp, z144, z48):
    mesh = plsc.VectorSubcoreMesh(core_axis_name="c", subcore_axis_name="s")
    gat = functools.partial(
        pl.kernel,
        mesh=mesh,
        compiler_params=pltpu.CompilerParams(use_tc_tiling_on_sc=False),
        out_type=jax.ShapeDtypeStruct((2 * NP, 3 * HP), jnp.float32),
        scratch_types=(
            [pltpu.VMEM((CHUNK,), jnp.int32)] * 6
            + [pltpu.VMEM((CHUNK, 16), jnp.float32)] * 4
            + [pltpu.VMEM((CHUNK, 3 * HP), jnp.float32)] * 2
            + [pltpu.VMEM_SHARED((NP, 3 * HP), jnp.float32)]
            + [pltpu.SemaphoreType.DMA] * 8
        ),
    )(_sc_gat_body)
    gin = functools.partial(
        pl.kernel,
        mesh=mesh,
        compiler_params=pltpu.CompilerParams(use_tc_tiling_on_sc=False),
        out_type=jax.ShapeDtypeStruct((2 * NP, HP), jnp.float32),
        scratch_types=(
            [pltpu.VMEM((CHUNK,), jnp.int32)] * 2
            + [pltpu.VMEM((CHUNK, HP), jnp.float32)]
            + [pltpu.VMEM((CHUNK,), jnp.int32)] * 2
            + [pltpu.VMEM((CHUNK, HP), jnp.float32)]
            + [pltpu.VMEM_SHARED((NP, HP), jnp.float32)]
            + [pltpu.SemaphoreType.DMA] * 4
        ),
    )(_sc_gin_body)
    outcat = gat(src, dst, elp, erp, fcat, z144)
    aggcat = gin(src, dst, xp, z48)
    return outcat, aggcat



def _nodes_body(x_ref, agg_ref, out0_ref, out1_ref, ginw_ref, ginb_ref,
                gatb_ref, z_ref):
    x = x_ref[...]
    agg = agg_ref[...]
    deg = agg[:, D:D + 1]
    mean = jnp.where(deg > 0.0, agg[:, :D] / jnp.maximum(deg, 1.0), 0.0)
    gin = jnp.dot(x + mean, ginw_ref[...],
                  preferred_element_type=jnp.float32) + ginb_ref[...][None, :]
    gatb = gatb_ref[...]
    for t in range(H):
        oref = out0_ref if t < 3 else out1_ref
        c0 = HP * (t % 3)
        blk = oref[:, c0:c0 + HP]
        denom = jnp.maximum(blk[:, D:D + 1], 1e-9)
        gat = blk[:, :D] / denom + gatb[t][None, :]
        z_ref[t] = jnp.concatenate([gin, gat], axis=1)


def _nodes(x, agg, out0, out1, gin_W, gin_b, gat_b):
    rb = 1000
    return pl.pallas_call(
        _nodes_body,
        grid=(N_NODES // rb,),
        in_specs=[
            pl.BlockSpec((rb, D), lambda i: (i, 0)),
            pl.BlockSpec((rb, HP), lambda i: (i, 0)),
            pl.BlockSpec((rb, 3 * HP), lambda i: (i, 0)),
            pl.BlockSpec((rb, 3 * HP), lambda i: (i, 0)),
            pl.BlockSpec((D, D), lambda i: (0, 0)),
            pl.BlockSpec((D,), lambda i: (0,)),
            pl.BlockSpec((H, D), lambda i: (0, 0)),
        ],
        out_specs=pl.BlockSpec((H, rb, 2 * D), lambda i: (0, i, 0)),
        out_shape=jax.ShapeDtypeStruct((H, N_NODES, 2 * D), jnp.float32),
    )(x, agg, out0, out1, gin_W, gin_b, gat_b)


def _pool_body(z_ref, gid_col_ref, gid_row_ref,
               wih_ref, whh_ref, bih_ref, bhh_ref,
               tw1_ref, tb1_ref, tw2_ref, tb2_ref, tw3_ref, tb3_ref,
               y_ref):
    z = z_ref[0]
    gid_col = gid_col_ref[...]
    gid_row = gid_row_ref[...]
    oh_b = lax.broadcasted_iota(jnp.int32, (N_NODES, NUM_GRAPHS), 1) == gid_col
    oh = oh_b.astype(jnp.float32)
    oht = (lax.broadcasted_iota(jnp.int32, (NUM_GRAPHS, N_NODES), 0)
           == gid_row).astype(jnp.float32)

    wih = wih_ref[...]
    whh = whh_ref[...]
    bih = bih_ref[...][None, :]
    bhh = bhh_ref[...][None, :]
    neg_inf = jnp.float32(-jnp.inf)

    h = jnp.zeros((NUM_GRAPHS, S2S), jnp.float32)
    c = jnp.zeros((NUM_GRAPHS, S2S), jnp.float32)
    q_star = jnp.zeros((NUM_GRAPHS, 2 * S2S), jnp.float32)
    for _ in range(2):
        gates = (lax.dot_general(q_star, wih, (((1,), (1,)), ((), ())),
                                 preferred_element_type=jnp.float32)
                 + bih
                 + lax.dot_general(h, whh, (((1,), (1,)), ((), ())),
                                   preferred_element_type=jnp.float32)
                 + bhh)
        ig = jax.nn.sigmoid(gates[:, :S2S])
        fg = jax.nn.sigmoid(gates[:, S2S:2 * S2S])
        gg = jnp.tanh(gates[:, 2 * S2S:3 * S2S])
        og = jax.nn.sigmoid(gates[:, 3 * S2S:])
        c = fg * c + ig * gg
        h = og * jnp.tanh(c)
        q = h
        e1 = lax.dot_general(z, q, (((1,), (1,)), ((), ())),
                             preferred_element_type=jnp.float32)
        e = jnp.sum(e1 * oh, axis=1, keepdims=True)
        m = jnp.max(jnp.where(oh_b, e1, neg_inf), axis=0,
                    keepdims=True)
        m = jnp.where(jnp.isfinite(m), m, 0.0)
        mgid = jnp.sum(oh * m, axis=1, keepdims=True)
        ex = jnp.exp(e - mgid)
        s = jnp.sum(oh * ex, axis=0, keepdims=True)
        sgid = jnp.sum(oh * s, axis=1, keepdims=True)
        alpha = ex / jnp.maximum(sgid, 1e-9)
        r = jnp.dot(oht, alpha * z,
                    preferred_element_type=jnp.float32)
        q_star = jnp.concatenate([q, r], axis=1)

    h1 = q_star @ tw1_ref[0] + tb1_ref[0]
    h1 = jnp.where(h1 > 0.0, h1, jnp.exp(jnp.minimum(h1, 0.0)) - 1.0)
    h2 = h1 @ tw2_ref[0] + tb2_ref[0]
    h2 = jnp.where(h2 > 0.0, h2, jnp.exp(jnp.minimum(h2, 0.0)) - 1.0)
    y_ref[0] = h2 @ tw3_ref[0] + tb3_ref[0]


def _pool(zstack, gid_col, gid_row, lstm_Wih, lstm_Whh, lstm_bih, lstm_bhh,
          tw1, tb1, tw2, tb2, tw3, tb3):
    full = lambda *s: pl.BlockSpec(s, lambda t: tuple(0 for _ in s))
    per_task = lambda *s: pl.BlockSpec((1,) + s, lambda t: (t,) + tuple(
        0 for _ in s))
    return pl.pallas_call(
        _pool_body,
        grid=(H,),
        in_specs=[
            per_task(N_NODES, 2 * D),
            full(N_NODES, 1),
            full(1, N_NODES),
            full(4 * S2S, 2 * S2S),
            full(4 * S2S, S2S),
            full(4 * S2S),
            full(4 * S2S),
            per_task(2 * S2S, 32),
            per_task(1, 32),
            per_task(32, 16),
            per_task(1, 16),
            per_task(16, 1),
            per_task(1, 1),
        ],
        out_specs=per_task(NUM_GRAPHS, 1),
        out_shape=jax.ShapeDtypeStruct((H, NUM_GRAPHS, 1), jnp.float32),
    )(zstack, gid_col, gid_row, lstm_Wih, lstm_Whh, lstm_bih, lstm_bhh,
      tw1, tb1, tw2, tb2, tw3, tb3)



def kernel(x, edge_index, node_graph_ids, gin_W, gin_b, gat_W, gat_al, gat_ar,
           gat_b, lstm_Wih, lstm_Whh, lstm_bih, lstm_bhh,
           tw1, tb1, tw2, tb2, tw3, tb3):
    src = edge_index[0]
    dst = edge_index[1]
    f0, f1, elp, erp, xp = _prep(x, gat_W, gat_al, gat_ar)
    fcat = jnp.concatenate([f0, f1], axis=0)
    z144 = jnp.zeros((NP, 3 * HP), jnp.float32)
    z48 = jnp.zeros((NP, HP), jnp.float32)
    outcat, aggcat = _sc_edge(src, dst, elp, erp, fcat, xp, z144, z48)
    out0 = outcat[:N_NODES]
    out1 = outcat[NP:NP + N_NODES]
    agg = aggcat[:N_NODES] + aggcat[NP:NP + N_NODES]
    gid_col = node_graph_ids.reshape(N_NODES, 1)
    gid_row = node_graph_ids.reshape(1, N_NODES)
    zstack = _nodes(x, agg, out0, out1, gin_W, gin_b, gat_b)
    y = _pool(zstack, gid_col, gid_row, lstm_Wih, lstm_Whh, lstm_bih,
              lstm_bhh, tw1, tb1.reshape(H, 1, 32), tw2, tb2.reshape(H, 1, 16),
              tw3, tb3.reshape(H, 1, 1))
    return y.reshape(H * NUM_GRAPHS, 1)

# --- scband reference (transcript-rebuilt; emitter-appended) ---
"""Pipeline reference for scband-d4-mp-87540023427815 (READ-ONLY COPY).

The authoritative reference and input builder live on the scoring server;
editing this copy changes nothing except your own understanding.
"""

import jax, jax.numpy as jnp
import numpy as np

N_NODES = 10000
N_EDGES = 320000
NUM_GRAPHS = 64
D_IN = 42
D_HID = 42
NTASKS = 6
N_ITERS = 2
S2S_DIM = 2 * D_HID  # 84; Set2Set output dim = 168 = 4*node_input_dim


def setup_inputs(seed: int = 0) -> dict:
    key = jax.random.key(seed)
    ks = jax.random.split(key, 16)
    sc = 0.1
    inp = {}
    inp["x"] = jax.random.normal(ks[0], (N_NODES, D_IN), dtype=jnp.float32)
    inp["edge_index"] = jax.random.randint(ks[1], (2, N_EDGES), 0, N_NODES, dtype=jnp.int32)
    inp["node_graph_ids"] = jnp.sort(jax.random.randint(ks[2], (N_NODES,), 0, NUM_GRAPHS, dtype=jnp.int32))
    # GINConv apply_func linear
    inp["gin_W"] = jax.random.normal(ks[3], (D_IN, D_HID), dtype=jnp.float32) * sc
    inp["gin_b"] = jnp.zeros((D_HID,), jnp.float32)
    # GATConv (num_heads=NTASKS)
    inp["gat_W"] = jax.random.normal(ks[4], (D_IN, NTASKS * D_HID), dtype=jnp.float32) * sc
    inp["gat_al"] = jax.random.normal(ks[5], (NTASKS, D_HID), dtype=jnp.float32) * sc
    inp["gat_ar"] = jax.random.normal(ks[6], (NTASKS, D_HID), dtype=jnp.float32) * sc
    inp["gat_b"] = jnp.zeros((NTASKS, D_HID), jnp.float32)
    # Set2Set LSTM (input 2*S2S_DIM=168, hidden S2S_DIM=84), PyTorch gate order i,f,g,o
    inp["lstm_Wih"] = jax.random.normal(ks[7], (4 * S2S_DIM, 2 * S2S_DIM), dtype=jnp.float32) * sc
    inp["lstm_Whh"] = jax.random.normal(ks[8], (4 * S2S_DIM, S2S_DIM), dtype=jnp.float32) * sc
    inp["lstm_bih"] = jnp.zeros((4 * S2S_DIM,), jnp.float32)
    inp["lstm_bhh"] = jnp.zeros((4 * S2S_DIM,), jnp.float32)
    # per-task MLP heads: Linear(168,32) ELU Linear(32,16) ELU Linear(16,1)
    inp["tw1"] = jax.random.normal(ks[9], (NTASKS, 2 * S2S_DIM, 32), dtype=jnp.float32) * sc
    inp["tb1"] = jnp.zeros((NTASKS, 32), jnp.float32)
    inp["tw2"] = jax.random.normal(ks[10], (NTASKS, 32, 16), dtype=jnp.float32) * sc
    inp["tb2"] = jnp.zeros((NTASKS, 16), jnp.float32)
    inp["tw3"] = jax.random.normal(ks[11], (NTASKS, 16, 1), dtype=jnp.float32) * sc
    inp["tb3"] = jnp.zeros((NTASKS, 1), jnp.float32)
    return inp


def _set2set(z, gid, Wih, Whh, bih, bhh):
    # DGL Set2Set with n_iters=2, n_layers=1
    D = S2S_DIM
    B = NUM_GRAPHS
    h = jnp.zeros((B, D), z.dtype)
    c = jnp.zeros((B, D), z.dtype)
    q_star = jnp.zeros((B, 2 * D), z.dtype)
    for _ in range(N_ITERS):
        gates = q_star @ Wih.T + bih + h @ Whh.T + bhh
        ig, fg, gg, og = jnp.split(gates, 4, axis=1)
        ig = jax.nn.sigmoid(ig)
        fg = jax.nn.sigmoid(fg)
        gg = jnp.tanh(gg)
        og = jax.nn.sigmoid(og)
        c = fg * c + ig * gg
        h = og * jnp.tanh(c)
        q = h  # [B, D]
        e = jnp.sum(z * q[gid], axis=-1)  # [N]
        m = jax.ops.segment_max(e, gid, num_segments=B)
        m = jnp.where(jnp.isfinite(m), m, 0.0)
        ex = jnp.exp(e - m[gid])
        s = jax.ops.segment_sum(ex, gid, num_segments=B)
        alpha = ex / jnp.maximum(s[gid], 1e-9)
        r = jax.ops.segment_sum(alpha[:, None] * z, gid, num_segments=B)
        q_star = jnp.concatenate([q, r], axis=1)
    return q_star  # [B, 2*D]


def _forward(x, gin_W, gin_b, gat_W, gat_al, gat_ar, gat_b,
             lstm_Wih, lstm_Whh, lstm_bih, lstm_bhh,
             tw1, tb1, tw2, tb2, tw3, tb3, edge_index, node_graph_ids):
    src = edge_index[0]
    dst = edge_index[1]
    # GINConv aggregator_type='mean', eps=0: linear((1+eps)*x + mean_{u->v} x_u)
    agg = jax.ops.segment_sum(x[src], dst, num_segments=N_NODES)
    deg = jax.ops.segment_sum(jnp.ones((N_EDGES, 1), x.dtype), dst, num_segments=N_NODES)
    mean_agg = jnp.where(deg > 0, agg / jnp.maximum(deg, 1.0), 0.0)
    gin_out = (x + mean_agg) @ gin_W + gin_b  # [N, 42]
    # GATConv, num_heads=6, allow_zero_in_degree=True
    feat = (x @ gat_W).reshape(N_NODES, NTASKS, D_HID)
    el = jnp.sum(feat * gat_al[None], axis=-1)  # [N, H]
    er = jnp.sum(feat * gat_ar[None], axis=-1)  # [N, H]
    e = jax.nn.leaky_relu(el[src] + er[dst], negative_slope=0.2)  # [E, H]
    m = jax.ops.segment_max(e, dst, num_segments=N_NODES)
    m = jnp.where(jnp.isfinite(m), m, 0.0)
    ex = jnp.exp(e - m[dst])
    s = jax.ops.segment_sum(ex, dst, num_segments=N_NODES)
    alpha = ex / jnp.maximum(s[dst], 1e-9)
    gat_out = jax.ops.segment_sum(alpha[:, :, None] * feat[src], dst, num_segments=N_NODES)
    gat_out = gat_out + gat_b[None]  # [N, H, 42]
    # per-task: cat(gin, gat_head) -> Set2Set -> MLP head; concat along dim 0
    outs = []
    for t in range(NTASKS):
        z = jnp.concatenate([gin_out, gat_out[:, t, :]], axis=1)  # [N, 84]
        qs = _set2set(z, node_graph_ids, lstm_Wih, lstm_Whh, lstm_bih, lstm_bhh)  # [B, 168]
        h1 = jax.nn.elu(qs @ tw1[t] + tb1[t])
        h2 = jax.nn.elu(h1 @ tw2[t] + tb2[t])
        outs.append(h2 @ tw3[t] + tb3[t])  # [B, 1]
    return jnp.concatenate(outs, axis=0)  # [NTASKS*B, 1]


def reference(x, edge_index, node_graph_ids, gin_W, gin_b, gat_W, gat_al, gat_ar, gat_b,
              lstm_Wih, lstm_Whh, lstm_bih, lstm_bhh,
              tw1, tb1, tw2, tb2, tw3, tb3):
    return _forward(x, gin_W, gin_b, gat_W, gat_al, gat_ar, gat_b,
                    lstm_Wih, lstm_Whh, lstm_bih, lstm_bhh,
                    tw1, tb1, tw2, tb2, tw3, tb3, edge_index, node_graph_ids)

if __name__ == "__main__":
    import jax
    _d = setup_inputs()
    print(jax.jit(kernel)(*tuple(_d.values())))

</pallas_src>

<mosaic_0001>
#map = affine_map<(d0, d1) -> (0)>
#map1 = affine_map<(d0, d1) -> (0, 0)>
module attributes {stable_mosaic.version = 14 : i64} {
  func.func @_sc_gin_body(%arg0: i32, %arg1: i32, %arg2: memref<320000xi32, #tpu.memory_space<hbm>>, %arg3: memref<320000xi32, #tpu.memory_space<hbm>>, %arg4: memref<10000x48xf32, #tpu.memory_space<hbm>>, %arg5: memref<10240x48xf32, #tpu.memory_space<hbm>>, %arg6: memref<20480x48xf32, #tpu.memory_space<hbm>>, %arg7: memref<80xi32, #tpu.memory_space<vmem>>, %arg8: memref<80xi32, #tpu.memory_space<vmem>>, %arg9: memref<80x48xf32, #tpu.memory_space<vmem>>, %arg10: memref<80xi32, #tpu.memory_space<vmem>>, %arg11: memref<80xi32, #tpu.memory_space<vmem>>, %arg12: memref<80x48xf32, #tpu.memory_space<vmem>>, %arg13: memref<10240x48xf32, #tpu.memory_space<vmem_shared>>, %arg14: memref<!tpu.dma_semaphore, #tpu.memory_space<semaphore_mem>>, %arg15: memref<!tpu.dma_semaphore, #tpu.memory_space<semaphore_mem>>, %arg16: memref<!tpu.dma_semaphore, #tpu.memory_space<semaphore_mem>>, %arg17: memref<!tpu.dma_semaphore, #tpu.memory_space<semaphore_mem>>) attributes {dimension_semantics = [#tpu.dimension_semantics<core_parallel>, #tpu.dimension_semantics<subcore_parallel>], iteration_bounds = array<i64: 2, 16>, scalar_prefetch = 0 : i64, scratch_operands = 11 : i64, tpu.core_type = #tpu.core_type<sc_vector_subcore>, window_params = [{transform_indices = #map}, {transform_indices = #map}, {transform_indices = #map1}, {transform_indices = #map1}, {transform_indices = #map1}]} {
    %mul3A = arith.constant 640 : i32
    %mul3A_0 = arith.muli %arg1, %mul3A : i32
    "tpu.region"() ({
      %run_scoped3A = tpu.sem_alloc : memref<!tpu.dma_semaphore, #tpu.memory_space<semaphore_mem>>
      %dma_start3A_20 = arith.constant 0 : i32
      %dma_start3A_21 = tpu.memref_slice %arg13[%mul3A_0, %dma_start3A_20] : memref<10240x48xf32, #tpu.memory_space<vmem_shared>> -> memref<640x48xf32, #tpu.memory_space<vmem_shared>>
      %dma_start3A_22 = arith.constant 0 : i32
      %dma_start3A_23 = tpu.memref_slice %arg5[%mul3A_0, %dma_start3A_22] : memref<10240x48xf32, #tpu.memory_space<hbm>> -> memref<640x48xf32, #tpu.memory_space<hbm>>
      tpu.enqueue_dma source(%dma_start3A_23 : memref<640x48xf32, #tpu.memory_space<hbm>>) target(%dma_start3A_21 : memref<640x48xf32, #tpu.memory_space<vmem_shared>>) target_semaphore(%run_scoped3A : memref<!tpu.dma_semaphore, #tpu.memory_space<semaphore_mem>>)
      %dma_wait3A_24 = arith.constant 0 : i32
      %dma_wait3A_25 = tpu.memref_slice %arg13[%mul3A_0, %dma_wait3A_24] : memref<10240x48xf32, #tpu.memory_space<vmem_shared>> -> memref<640x48xf32, #tpu.memory_space<vmem_shared>>
      %dma_wait3A_26 = arith.constant 0 : i32
      %dma_wait3A_27 = tpu.memref_slice %arg5[%mul3A_0, %dma_wait3A_26] : memref<10240x48xf32, #tpu.memory_space<hbm>> -> memref<640x48xf32, #tpu.memory_space<hbm>>
      tpu.wait_dma2 semaphore(%run_scoped3A : memref<!tpu.dma_semaphore, #tpu.memory_space<semaphore_mem>>) src(%dma_wait3A_27 : memref<640x48xf32, #tpu.memory_space<hbm>>) dst(%dma_wait3A_25 : memref<640x48xf32, #tpu.memory_space<vmem_shared>>)
      tpu.yield
    }) : () -> ()
    %barrier3A = arith.constant 0 : index
    tpu.barrier barrier_id(%barrier3A)
    %mul3A_1 = arith.constant 160000 : i32
    %mul3A_2 = arith.muli %arg0, %mul3A_1 : i32
    %mul3A_3 = arith.constant 10000 : i32
    %mul3A_4 = arith.muli %arg1, %mul3A_3 : i32
    %add3A = arith.addi %mul3A_2, %mul3A_4 : i32
    %mul3A_5 = arith.constant 10240 : i32
    %mul3A_6 = arith.muli %arg0, %mul3A_5 : i32
    %scan3A = arith.constant 0 : i32
    %scan3A_7 = arith.constant 0 : i32
    %scan3A_8 = arith.constant 62 : i32
    %scan3A_9 = arith.addi %scan3A_7, %scan3A_8 : i32
    %scan3A_10 = arith.constant 1 : i32
    scf.for %scan3A_20 = %scan3A_7 to %scan3A_9 step %scan3A_10  : i32 {
      %mul3A_21 = arith.constant 2 : i32
      %mul3A_22 = arith.muli %mul3A_21, %scan3A_20 : i32
      %mul3A_23 = arith.constant 80 : i32
      %mul3A_24 = arith.muli %mul3A_22, %mul3A_23 : i32
      %add3A_25 = arith.addi %add3A, %mul3A_24 : i32
      "tpu.region"() ({
        %run_scoped3A = tpu.sem_alloc : memref<!tpu.dma_semaphore, #tpu.memory_space<semaphore_mem>>
        %dma_start3A_54 = tpu.memref_slice %arg2[%add3A_25] : memref<320000xi32, #tpu.memory_space<hbm>> -> memref<80xi32, #tpu.memory_space<hbm>>
        %dma_start3A_55 = tpu.memref_slice %arg2[%add3A_25] : memref<320000xi32, #tpu.memory_space<hbm>> -> memref<80xi32, #tpu.memory_space<hbm>>
        tpu.enqueue_dma source(%dma_start3A_55 : memref<80xi32, #tpu.memory_space<hbm>>) target(%arg7 : memref<80xi32, #tpu.memory_space<vmem>>) target_semaphore(%run_scoped3A : memref<!tpu.dma_semaphore, #tpu.memory_space<semaphore_mem>>)
        %dma_wait3A_56 = tpu.memref_slice %arg2[%add3A_25] : memref<320000xi32, #tpu.memory_space<hbm>> -> memref<80xi32, #tpu.memory_space<hbm>>
        %dma_wait3A_57 = tpu.memref_slice %arg2[%add3A_25] : memref<320000xi32, #tpu.memory_space<hbm>> -> memref<80xi32, #tpu.memory_space<hbm>>
        tpu.wait_dma2 semaphore(%run_scoped3A : memref<!tpu.dma_semaphore, #tpu.memory_space<semaphore_mem>>) src(%dma_wait3A_57 : memref<80xi32, #tpu.memory_space<hbm>>) dst(%arg7 : memref<80xi32, #tpu.memory_space<vmem>>)
        tpu.yield
      }) : () -> ()
      "tpu.region"() ({
        %run_scoped3A = tpu.sem_alloc : memref<!tpu.dma_semaphore, #tpu.memory_space<semaphore_mem>>
        %dma_start3A_54 = tpu.memref_slice %arg3[%add3A_25] : memref<320000xi32, #tpu.memory_space<hbm>> -> memref<80xi32, #tpu.memory_space<hbm>>
        %dma_start3A_55 = tpu.memref_slice %arg3[%add3A_25] : memref<320000xi32, #tpu.memory_space<hbm>> -> memref<80xi32, #tpu.memory_space<hbm>>
        tpu.enqueue_dma source(%dma_start3A_55 : memref<80xi32, #tpu.memory_space<hbm>>) target(%arg8 : memref<80xi32, #tpu.memory_space<vmem>>) target_semaphore(%run_scoped3A : memref<!tpu.dma_semaphore, #tpu.memory_space<semaphore_mem>>)
        %dma_wait3A_56 = tpu.memref_slice %arg3[%add3A_25] : memref<320000xi32, #tpu.memory_space<hbm>> -> memref<80xi32, #tpu.memory_space<hbm>>
        %dma_wait3A_57 = tpu.memref_slice %arg3[%add3A_25] : memref<320000xi32, #tpu.memory_space<hbm>> -> memref<80xi32, #tpu.memory_space<hbm>>
        tpu.wait_dma2 semaphore(%run_scoped3A : memref<!tpu.dma_semaphore, #tpu.memory_space<semaphore_mem>>) src(%dma_wait3A_57 : memref<80xi32, #tpu.memory_space<hbm>>) dst(%arg8 : memref<80xi32, #tpu.memory_space<vmem>>)
        tpu.yield
      }) : () -> ()
      %dma_start3A_26 = arith.constant 0 : i32
      %dma_start3A_27 = arith.constant 0 : i32
      %dma_start3A_28 = tpu.memref_slice %arg4[%dma_start3A_26, %dma_start3A_27] : memref<10000x48xf32, #tpu.memory_space<hbm>> -> memref<10000x48xf32, #tpu.memory_space<hbm>>
      tpu.enqueue_indirect_dma source(%dma_start3A_28 : memref<10000x48xf32, #tpu.memory_space<hbm>>) target(%arg9 : memref<80x48xf32, #tpu.memory_space<vmem>>) offsets(%arg7 : memref<80xi32, #tpu.memory_space<vmem>>) semaphore(%arg14 : memref<!tpu.dma_semaphore, #tpu.memory_space<semaphore_mem>>)
      %add3A_29 = arith.constant 80 : i32
      %add3A_30 = arith.addi %add3A_25, %add3A_29 : i32
      "tpu.region"() ({
        %run_scoped3A = tpu.sem_alloc : memref<!tpu.dma_semaphore, #tpu.memory_space<semaphore_mem>>
        %dma_start3A_54 = tpu.memref_slice %arg2[%add3A_30] : memref<320000xi32, #tpu.memory_space<hbm>> -> memref<80xi32, #tpu.memory_space<hbm>>
        %dma_start3A_55 = tpu.memref_slice %arg2[%add3A_30] : memref<320000xi32, #tpu.memory_space<hbm>> -> memref<80xi32, #tpu.memory_space<hbm>>
        tpu.enqueue_dma source(%dma_start3A_55 : memref<80xi32, #tpu.memory_space<hbm>>) target(%arg10 : memref<80xi32, #tpu.memory_space<vmem>>) target_semaphore(%run_scoped3A : memref<!tpu.dma_semaphore, #tpu.memory_space<semaphore_mem>>)
        %dma_wait3A_56 = tpu.memref_slice %arg2[%add3A_30] : memref<320000xi32, #tpu.memory_space<hbm>> -> memref<80xi32, #tpu.memory_space<hbm>>
        %dma_wait3A_57 = tpu.memref_slice %arg2[%add3A_30] : memref<320000xi32, #tpu.memory_space<hbm>> -> memref<80xi32, #tpu.memory_space<hbm>>
        tpu.wait_dma2 semaphore(%run_scoped3A : memref<!tpu.dma_semaphore, #tpu.memory_space<semaphore_mem>>) src(%dma_wait3A_57 : memref<80xi32, #tpu.memory_space<hbm>>) dst(%arg10 : memref<80xi32, #tpu.memory_space<vmem>>)
        tpu.yield
      }) : () -> ()
      %add3A_31 = arith.constant 80 : i32
      %add3A_32 = arith.addi %add3A_25, %add3A_31 : i32
      "tpu.region"() ({
        %run_scoped3A = tpu.sem_alloc : memref<!tpu.dma_semaphore, #tpu.memory_space<semaphore_mem>>
        %dma_start3A_54 = tpu.memref_slice %arg3[%add3A_32] : memref<320000xi32, #tpu.memory_space<hbm>> -> memref<80xi32, #tpu.memory_space<hbm>>
        %dma_start3A_55 = tpu.memref_slice %arg3[%add3A_32] : memref<320000xi32, #tpu.memory_space<hbm>> -> memref<80xi32, #tpu.memory_space<hbm>>
        tpu.enqueue_dma source(%dma_start3A_55 : memref<80xi32, #tpu.memory_space<hbm>>) target(%arg11 : memref<80xi32, #tpu.memory_space<vmem>>) target_semaphore(%run_scoped3A : memref<!tpu.dma_semaphore, #tpu.memory_space<semaphore_mem>>)
        %dma_wait3A_56 = tpu.memref_slice %arg3[%add3A_32] : memref<320000xi32, #tpu.memory_space<hbm>> -> memref<80xi32, #tpu.memory_space<hbm>>
        %dma_wait3A_57 = tpu.memref_slice %arg3[%add3A_32] : memref<320000xi32, #tpu.memory_space<hbm>> -> memref<80xi32, #tpu.memory_space<hbm>>
        tpu.wait_dma2 semaphore(%run_scoped3A : memref<!tpu.dma_semaphore, #tpu.memory_space<semaphore_mem>>) src(%dma_wait3A_57 : memref<80xi32, #tpu.memory_space<hbm>>) dst(%arg11 : memref<80xi32, #tpu.memory_space<vmem>>)
        tpu.yield
      }) : () -> ()
      %dma_start3A_33 = arith.constant 0 : i32
      %dma_start3A_34 = arith.constant 0 : i32
      %dma_start3A_35 = tpu.memref_slice %arg4[%dma_start3A_33, %dma_start3A_34] : memref<10000x48xf32, #tpu.memory_space<hbm>> -> memref<10000x48xf32, #tpu.memory_space<hbm>>
      tpu.enqueue_indirect_dma source(%dma_start3A_35 : memref<10000x48xf32, #tpu.memory_space<hbm>>) target(%arg12 : memref<80x48xf32, #tpu.memory_space<vmem>>) offsets(%arg10 : memref<80xi32, #tpu.memory_space<vmem>>) semaphore(%arg15 : memref<!tpu.dma_semaphore, #tpu.memory_space<semaphore_mem>>)
      %dma_wait3A_36 = arith.constant 0 : i32
      %dma_wait3A_37 = arith.constant 0 : i32
      %dma_wait3A_38 = tpu.memref_slice %arg4[%dma_wait3A_36, %dma_wait3A_37] : memref<10000x48xf32, #tpu.memory_space<hbm>> -> memref<10000x48xf32, #tpu.memory_space<hbm>>
      tpu.wait_indirect_dma semaphore(%arg14 : memref<!tpu.dma_semaphore, #tpu.memory_space<semaphore_mem>>) src(%dma_wait3A_38 : memref<10000x48xf32, #tpu.memory_space<hbm>>) dst(%arg9 : memref<80x48xf32, #tpu.memory_space<vmem>>)
      %dma_start3A_39 = arith.constant 0 : i32
      %dma_start3A_40 = arith.constant 0 : i32
      %dma_start3A_41 = tpu.memref_slice %arg13[%dma_start3A_39, %dma_start3A_40] : memref<10240x48xf32, #tpu.memory_space<vmem_shared>> -> memref<10240x48xf32, #tpu.memory_space<vmem_shared>>
      tpu.enqueue_indirect_dma source(%arg9 : memref<80x48xf32, #tpu.memory_space<vmem>>) target(%dma_start3A_41 : memref<10240x48xf32, #tpu.memory_space<vmem_shared>>) offsets(%arg8 : memref<80xi32, #tpu.memory_space<vmem>>) semaphore(%arg16 : memref<!tpu.dma_semaphore, #tpu.memory_space<semaphore_mem>>) {add = true}
      %dma_wait3A_42 = arith.constant 0 : i32
      %dma_wait3A_43 = arith.constant 0 : i32
      %dma_wait3A_44 = tpu.memref_slice %arg4[%dma_wait3A_42, %dma_wait3A_43] : memref<10000x48xf32, #tpu.memory_space<hbm>> -> memref<10000x48xf32, #tpu.memory_space<hbm>>
      tpu.wait_indirect_dma semaphore(%arg15 : memref<!tpu.dma_semaphore, #tpu.memory_space<semaphore_mem>>) src(%dma_wait3A_44 : memref<10000x48xf32, #tpu.memory_space<hbm>>) dst(%arg12 : memref<80x48xf32, #tpu.memory_space<vmem>>)
      %dma_start3A_45 = arith.constant 0 : i32
      %dma_start3A_46 = arith.constant 0 : i32
      %dma_start3A_47 = tpu.memref_slice %arg13[%dma_start3A_45, %dma_start3A_46] : memref<10240x48xf32, #tpu.memory_space<vmem_shared>> -> memref<10240x48xf32, #tpu.memory_space<vmem_shared>>
      tpu.enqueue_indirect_dma source(%arg12 : memref<80x48xf32, #tpu.memory_space<vmem>>) target(%dma_start3A_47 : memref<10240x48xf32, #tpu.memory_space<vmem_shared>>) offsets(%arg11 : memref<80xi32, #tpu.memory_space<vmem>>) semaphore(%arg17 : memref<!tpu.dma_semaphore, #tpu.memory_space<semaphore_mem>>) {add = true}
      %dma_wait3A_48 = arith.constant 0 : i32
      %dma_wait3A_49 = arith.constant 0 : i32
      %dma_wait3A_50 = tpu.memref_slice %arg13[%dma_wait3A_48, %dma_wait3A_49] : memref<10240x48xf32, #tpu.memory_space<vmem_shared>> -> memref<10240x48xf32, #tpu.memory_space<vmem_shared>>
      tpu.wait_indirect_dma semaphore(%arg16 : memref<!tpu.dma_semaphore, #tpu.memory_space<semaphore_mem>>) src(%arg9 : memref<80x48xf32, #tpu.memory_space<vmem>>) dst(%dma_wait3A_50 : memref<10240x48xf32, #tpu.memory_space<vmem_shared>>)
      %dma_wait3A_51 = arith.constant 0 : i32
      %dma_wait3A_52 = arith.constant 0 : i32
      %dma_wait3A_53 = tpu.memref_slice %arg13[%dma_wait3A_51, %dma_wait3A_52] : memref<10240x48xf32, #tpu.memory_space<vmem_shared>> -> memref<10240x48xf32, #tpu.memory_space<vmem_shared>>
      tpu.wait_indirect_dma semaphore(%arg17 : memref<!tpu.dma_semaphore, #tpu.memory_space<semaphore_mem>>) src(%arg12 : memref<80x48xf32, #tpu.memory_space<vmem>>) dst(%dma_wait3A_53 : memref<10240x48xf32, #tpu.memory_space<vmem_shared>>)
    }
    %scan3A_11 = arith.constant 62 : i32
    %add3A_12 = arith.constant 9920 : i32
    %add3A_13 = arith.addi %add3A, %add3A_12 : i32
    "tpu.region"() ({
      %run_scoped3A = tpu.sem_alloc : memref<!tpu.dma_semaphore, #tpu.memory_space<semaphore_mem>>
      %dma_start3A_20 = tpu.memref_slice %arg2[%add3A_13] : memref<320000xi32, #tpu.memory_space<hbm>> -> memref<80xi32, #tpu.memory_space<hbm>>
      %dma_start3A_21 = tpu.memref_slice %arg2[%add3A_13] : memref<320000xi32, #tpu.memory_space<hbm>> -> memref<80xi32, #tpu.memory_space<hbm>>
      tpu.enqueue_dma source(%dma_start3A_21 : memref<80xi32, #tpu.memory_space<hbm>>) target(%arg7 : memref<80xi32, #tpu.memory_space<vmem>>) target_semaphore(%run_scoped3A : memref<!tpu.dma_semaphore, #tpu.memory_space<semaphore_mem>>)
      %dma_wait3A_22 = tpu.memref_slice %arg2[%add3A_13] : memref<320000xi32, #tpu.memory_space<hbm>> -> memref<80xi32, #tpu.memory_space<hbm>>
      %dma_wait3A_23 = tpu.memref_slice %arg2[%add3A_13] : memref<320000xi32, #tpu.memory_space<hbm>> -> memref<80xi32, #tpu.memory_space<hbm>>
      tpu.wait_dma2 semaphore(%run_scoped3A : memref<!tpu.dma_semaphore, #tpu.memory_space<semaphore_mem>>) src(%dma_wait3A_23 : memref<80xi32, #tpu.memory_space<hbm>>) dst(%arg7 : memref<80xi32, #tpu.memory_space<vmem>>)
      tpu.yield
    }) : () -> ()
    "tpu.region"() ({
      %run_scoped3A = tpu.sem_alloc : memref<!tpu.dma_semaphore, #tpu.memory_space<semaphore_mem>>
      %dma_start3A_20 = tpu.memref_slice %arg3[%add3A_13] : memref<320000xi32, #tpu.memory_space<hbm>> -> memref<80xi32, #tpu.memory_space<hbm>>
      %dma_start3A_21 = tpu.memref_slice %arg3[%add3A_13] : memref<320000xi32, #tpu.memory_space<hbm>> -> memref<80xi32, #tpu.memory_space<hbm>>
      tpu.enqueue_dma source(%dma_start3A_21 : memref<80xi32, #tpu.memory_space<hbm>>) target(%arg8 : memref<80xi32, #tpu.memory_space<vmem>>) target_semaphore(%run_scoped3A : memref<!tpu.dma_semaphore, #tpu.memory_space<semaphore_mem>>)
      %dma_wait3A_22 = tpu.memref_slice %arg3[%add3A_13] : memref<320000xi32, #tpu.memory_space<hbm>> -> memref<80xi32, #tpu.memory_space<hbm>>
      %dma_wait3A_23 = tpu.memref_slice %arg3[%add3A_13] : memref<320000xi32, #tpu.memory_space<hbm>> -> memref<80xi32, #tpu.memory_space<hbm>>
      tpu.wait_dma2 semaphore(%run_scoped3A : memref<!tpu.dma_semaphore, #tpu.memory_space<semaphore_mem>>) src(%dma_wait3A_23 : memref<80xi32, #tpu.memory_space<hbm>>) dst(%arg8 : memref<80xi32, #tpu.memory_space<vmem>>)
      tpu.yield
    }) : () -> ()
    %dma_start3A = arith.constant 0 : i32
    %dma_start3A_14 = arith.constant 0 : i32
    %dma_start3A_15 = tpu.memref_slice %arg4[%dma_start3A, %dma_start3A_14] : memref<10000x48xf32, #tpu.memory_space<hbm>> -> memref<10000x48xf32, #tpu.memory_space<hbm>>
    tpu.enqueue_indirect_dma source(%dma_start3A_15 : memref<10000x48xf32, #tpu.memory_space<hbm>>) target(%arg9 : memref<80x48xf32, #tpu.memory_space<vmem>>) offsets(%arg7 : memref<80xi32, #tpu.memory_space<vmem>>) semaphore(%arg14 : memref<!tpu.dma_semaphore, #tpu.memory_space<semaphore_mem>>)
    %dma_wait3A = arith.constant 0 : i32
    %dma_wait3A_16 = arith.constant 0 : i32
    %dma_wait3A_17 = tpu.memref_slice %arg4[%dma_wait3A, %dma_wait3A_16] : memref<10000x48xf32, #tpu.memory_space<hbm>> -> memref<10000x48xf32, #tpu.memory_space<hbm>>
    tpu.wait_indirect_dma semaphore(%arg14 : memref<!tpu.dma_semaphore, #tpu.memory_space<semaphore_mem>>) src(%dma_wait3A_17 : memref<10000x48xf32, #tpu.memory_space<hbm>>) dst(%arg9 : memref<80x48xf32, #tpu.memory_space<vmem>>)
    "tpu.region"() ({
      %run_scoped3A = tpu.sem_alloc : memref<!tpu.dma_semaphore, #tpu.memory_space<semaphore_mem>>
      %dma_start3A_20 = arith.constant 0 : i32
      %dma_start3A_21 = arith.constant 0 : i32
      %dma_start3A_22 = tpu.memref_slice %arg13[%dma_start3A_20, %dma_start3A_21] : memref<10240x48xf32, #tpu.memory_space<vmem_shared>> -> memref<10240x48xf32, #tpu.memory_space<vmem_shared>>
      tpu.enqueue_indirect_dma source(%arg9 : memref<80x48xf32, #tpu.memory_space<vmem>>) target(%dma_start3A_22 : memref<10240x48xf32, #tpu.memory_space<vmem_shared>>) offsets(%arg8 : memref<80xi32, #tpu.memory_space<vmem>>) semaphore(%run_scoped3A : memref<!tpu.dma_semaphore, #tpu.memory_space<semaphore_mem>>) {add = true}
      %dma_wait3A_23 = arith.constant 0 : i32
      %dma_wait3A_24 = arith.constant 0 : i32
      %dma_wait3A_25 = tpu.memref_slice %arg13[%dma_wait3A_23, %dma_wait3A_24] : memref<10240x48xf32, #tpu.memory_space<vmem_shared>> -> memref<10240x48xf32, #tpu.memory_space<vmem_shared>>
      tpu.wait_indirect_dma semaphore(%run_scoped3A : memref<!tpu.dma_semaphore, #tpu.memory_space<semaphore_mem>>) src(%arg9 : memref<80x48xf32, #tpu.memory_space<vmem>>) dst(%dma_wait3A_25 : memref<10240x48xf32, #tpu.memory_space<vmem_shared>>)
      tpu.yield
    }) : () -> ()
    %barrier3A_18 = arith.constant 0 : index
    tpu.barrier barrier_id(%barrier3A_18)
    %add3A_19 = arith.addi %mul3A_6, %mul3A_0 : i32
    "tpu.region"() ({
      %run_scoped3A = tpu.sem_alloc : memref<!tpu.dma_semaphore, #tpu.memory_space<semaphore_mem>>
      %dma_start3A_20 = arith.constant 0 : i32
      %dma_start3A_21 = tpu.memref_slice %arg6[%add3A_19, %dma_start3A_20] : memref<20480x48xf32, #tpu.memory_space<hbm>> -> memref<640x48xf32, #tpu.memory_space<hbm>>
      %dma_start3A_22 = arith.constant 0 : i32
      %dma_start3A_23 = tpu.memref_slice %arg13[%mul3A_0, %dma_start3A_22] : memref<10240x48xf32, #tpu.memory_space<vmem_shared>> -> memref<640x48xf32, #tpu.memory_space<vmem_shared>>
      tpu.enqueue_dma source(%dma_start3A_23 : memref<640x48xf32, #tpu.memory_space<vmem_shared>>) target(%dma_start3A_21 : memref<640x48xf32, #tpu.memory_space<hbm>>) target_semaphore(%run_scoped3A : memref<!tpu.dma_semaphore, #tpu.memory_space<semaphore_mem>>)
      %dma_wait3A_24 = arith.constant 0 : i32
      %dma_wait3A_25 = tpu.memref_slice %arg6[%add3A_19, %dma_wait3A_24] : memref<20480x48xf32, #tpu.memory_space<hbm>> -> memref<640x48xf32, #tpu.memory_space<hbm>>
      %dma_wait3A_26 = arith.constant 0 : i32
      %dma_wait3A_27 = tpu.memref_slice %arg13[%mul3A_0, %dma_wait3A_26] : memref<10240x48xf32, #tpu.memory_space<vmem_shared>> -> memref<640x48xf32, #tpu.memory_space<vmem_shared>>
      tpu.wait_dma2 semaphore(%run_scoped3A : memref<!tpu.dma_semaphore, #tpu.memory_space<semaphore_mem>>) src(%dma_wait3A_27 : memref<640x48xf32, #tpu.memory_space<vmem_shared>>) dst(%dma_wait3A_25 : memref<640x48xf32, #tpu.memory_space<hbm>>)
      tpu.yield
    }) : () -> ()
    return
  }
}

#map = affine_map<(d0, d1) -> (0)>
#map1 = affine_map<(d0, d1) -> (0, 0)>
module attributes {stable_mosaic.version = 14 : i64} {
  func.func @_sc_gat_body(%arg0: i32, %arg1: i32, %arg2: memref<320000xi32, #tpu.memory_space<hbm>>, %arg3: memref<320000xi32, #tpu.memory_space<hbm>>, %arg4: memref<10000x16xf32, #tpu.memory_space<hbm>>, %arg5: memref<10000x16xf32, #tpu.memory_space<hbm>>, %arg6: memref<20000x144xf32, #tpu.memory_space<hbm>>, %arg7: memref<10240x144xf32, #tpu.memory_space<hbm>>, %arg8: memref<20480x144xf32, #tpu.memory_space<hbm>>, %arg9: memref<80xi32, #tpu.memory_space<vmem>>, %arg10: memref<80xi32, #tpu.memory_space<vmem>>, %arg11: memref<80xi32, #tpu.memory_space<vmem>>, %arg12: memref<80xi32, #tpu.memory_space<vmem>>, %arg13: memref<80xi32, #tpu.memory_space<vmem>>, %arg14: memref<80xi32, #tpu.memory_space<vmem>>, %arg15: memref<80x16xf32, #tpu.memory_space<vmem>>, %arg16: memref<80x16xf32, #tpu.memory_space<vmem>>, %arg17: memref<80x16xf32, #tpu.memory_space<vmem>>, %arg18: memref<80x16xf32, #tpu.memory_space<vmem>>, %arg19: memref<80x144xf32, #tpu.memory_space<vmem>>, %arg20: memref<80x144xf32, #tpu.memory_space<vmem>>, %arg21: memref<10240x144xf32, #tpu.memory_space<vmem_shared>>, %arg22: memref<!tpu.dma_semaphore, #tpu.memory_space<semaphore_mem>>, %arg23: memref<!tpu.dma_semaphore, #tpu.memory_space<semaphore_mem>>, %arg24: memref<!tpu.dma_semaphore, #tpu.memory_space<semaphore_mem>>, %arg25: memref<!tpu.dma_semaphore, #tpu.memory_space<semaphore_mem>>, %arg26: memref<!tpu.dma_semaphore, #tpu.memory_space<semaphore_mem>>, %arg27: memref<!tpu.dma_semaphore, #tpu.memory_space<semaphore_mem>>, %arg28: memref<!tpu.dma_semaphore, #tpu.memory_space<semaphore_mem>>, %arg29: memref<!tpu.dma_semaphore, #tpu.memory_space<semaphore_mem>>) attributes {dimension_semantics = [#tpu.dimension_semantics<core_parallel>, #tpu.dimension_semantics<subcore_parallel>], iteration_bounds = array<i64: 2, 16>, scalar_prefetch = 0 : i64, scratch_operands = 21 : i64, tpu.core_type = #tpu.core_type<sc_vector_subcore>, window_params = [{transform_indices = #map}, {transform_indices = #map}, {transform_indices = #map1}, {transform_indices = #map1}, {transform_indices = #map1}, {transform_indices = #map1}, {transform_indices = #map1}]} {
    %mul3A = arith.constant 640 : i32
    %mul3A_0 = arith.muli %arg1, %mul3A : i32
    "tpu.region"() ({
      %run_scoped3A = tpu.sem_alloc : memref<!tpu.dma_semaphore, #tpu.memory_space<semaphore_mem>>
      %dma_start3A = arith.constant 0 : i32
      %dma_start3A_31 = tpu.memref_slice %arg21[%mul3A_0, %dma_start3A] : memref<10240x144xf32, #tpu.memory_space<vmem_shared>> -> memref<640x144xf32, #tpu.memory_space<vmem_shared>>
      %dma_start3A_32 = arith.constant 0 : i32
      %dma_start3A_33 = tpu.memref_slice %arg7[%mul3A_0, %dma_start3A_32] : memref<10240x144xf32, #tpu.memory_space<hbm>> -> memref<640x144xf32, #tpu.memory_space<hbm>>
      tpu.enqueue_dma source(%dma_start3A_33 : memref<640x144xf32, #tpu.memory_space<hbm>>) target(%dma_start3A_31 : memref<640x144xf32, #tpu.memory_space<vmem_shared>>) target_semaphore(%run_scoped3A : memref<!tpu.dma_semaphore, #tpu.memory_space<semaphore_mem>>)
      %dma_wait3A = arith.constant 0 : i32
      %dma_wait3A_34 = tpu.memref_slice %arg21[%mul3A_0, %dma_wait3A] : memref<10240x144xf32, #tpu.memory_space<vmem_shared>> -> memref<640x144xf32, #tpu.memory_space<vmem_shared>>
      %dma_wait3A_35 = arith.constant 0 : i32
      %dma_wait3A_36 = tpu.memref_slice %arg7[%mul3A_0, %dma_wait3A_35] : memref<10240x144xf32, #tpu.memory_space<hbm>> -> memref<640x144xf32, #tpu.memory_space<hbm>>
      tpu.wait_dma2 semaphore(%run_scoped3A : memref<!tpu.dma_semaphore, #tpu.memory_space<semaphore_mem>>) src(%dma_wait3A_36 : memref<640x144xf32, #tpu.memory_space<hbm>>) dst(%dma_wait3A_34 : memref<640x144xf32, #tpu.memory_space<vmem_shared>>)
      tpu.yield
    }) : () -> ()
    %barrier3A = arith.constant 0 : index
    tpu.barrier barrier_id(%barrier3A)
    %mul3A_1 = arith.constant 3 : i32
    %mul3A_2 = arith.muli %mul3A_1, %arg0 : i32
    %broadcast_in_dim3A = arith.constant 0 : i32
    %broadcast_in_dim3A_3 = vector.broadcast %broadcast_in_dim3A : i32 to vector<16xi32>
    %add3A = arith.constant 0 : i32
    %add3A_4 = arith.addi %mul3A_2, %add3A : i32
    %add3A_5 = vector.broadcast %add3A_4 : i32 to vector<16xi32>
    %add3A_6 = arith.addi %broadcast_in_dim3A_3, %add3A_5 : vector<16xi32>
    %broadcast_in_dim3A_7 = vector.shape_cast %add3A_6 : vector<16xi32> to vector<16x1xi32>
    %add3A_8 = arith.constant 1 : i32
    %add3A_9 = arith.addi %mul3A_2, %add3A_8 : i32
    %add3A_10 = vector.broadcast %add3A_9 : i32 to vector<16xi32>
    %add3A_11 = arith.addi %broadcast_in_dim3A_3, %add3A_10 : vector<16xi32>
    %broadcast_in_dim3A_12 = vector.shape_cast %add3A_11 : vector<16xi32> to vector<16x1xi32>
    %add3A_13 = arith.constant 2 : i32
    %add3A_14 = arith.addi %mul3A_2, %add3A_13 : i32
    %add3A_15 = vector.broadcast %add3A_14 : i32 to vector<16xi32>
    %add3A_16 = arith.addi %broadcast_in_dim3A_3, %add3A_15 : vector<16xi32>
    %broadcast_in_dim3A_17 = vector.shape_cast %add3A_16 : vector<16xi32> to vector<16x1xi32>
    %mul3A_18 = arith.constant 10000 : i32
    %mul3A_19 = arith.muli %arg0, %mul3A_18 : i32
    %mul3A_20 = arith.constant 10240 : i32
    %mul3A_21 = arith.muli %arg0, %mul3A_20 : i32
    %mul3A_22 = arith.constant 20000 : i32
    %mul3A_23 = arith.muli %arg1, %mul3A_22 : i32
    %scan3A = arith.constant 0 : i32
    %scan3A_24 = arith.constant 0 : i32
    %scan3A_25 = arith.constant 125 : i32
    %scan3A_26 = arith.addi %scan3A_24, %scan3A_25 : i32
    %scan3A_27 = arith.constant 1 : i32
    scf.for %scan3A_31 = %scan3A_24 to %scan3A_26 step %scan3A_27  : i32 {
      %mul3A_32 = arith.constant 2 : i32
      %mul3A_33 = arith.muli %mul3A_32, %scan3A_31 : i32
      %mul3A_34 = arith.constant 80 : i32
      %mul3A_35 = arith.muli %mul3A_33, %mul3A_34 : i32
      %add3A_36 = arith.addi %mul3A_23, %mul3A_35 : i32
      "tpu.region"() ({
        %run_scoped3A = tpu.sem_alloc : memref<!tpu.dma_semaphore, #tpu.memory_space<semaphore_mem>>
        %dma_start3A_185 = tpu.memref_slice %arg2[%add3A_36] : memref<320000xi32, #tpu.memory_space<hbm>> -> memref<80xi32, #tpu.memory_space<hbm>>
        %dma_start3A_186 = tpu.memref_slice %arg2[%add3A_36] : memref<320000xi32, #tpu.memory_space<hbm>> -> memref<80xi32, #tpu.memory_space<hbm>>
        tpu.enqueue_dma source(%dma_start3A_186 : memref<80xi32, #tpu.memory_space<hbm>>) target(%arg9 : memref<80xi32, #tpu.memory_space<vmem>>) target_semaphore(%run_scoped3A : memref<!tpu.dma_semaphore, #tpu.memory_space<semaphore_mem>>)
        %dma_wait3A_187 = tpu.memref_slice %arg2[%add3A_36] : memref<320000xi32, #tpu.memory_space<hbm>> -> memref<80xi32, #tpu.memory_space<hbm>>
        %dma_wait3A_188 = tpu.memref_slice %arg2[%add3A_36] : memref<320000xi32, #tpu.memory_space<hbm>> -> memref<80xi32, #tpu.memory_space<hbm>>
        tpu.wait_dma2 semaphore(%run_scoped3A : memref<!tpu.dma_semaphore, #tpu.memory_space<semaphore_mem>>) src(%dma_wait3A_188 : memref<80xi32, #tpu.memory_space<hbm>>) dst(%arg9 : memref<80xi32, #tpu.memory_space<vmem>>)
        tpu.yield
      }) : () -> ()
      "tpu.region"() ({
        %run_scoped3A = tpu.sem_alloc : memref<!tpu.dma_semaphore, #tpu.memory_space<semaphore_mem>>
        %dma_start3A_185 = tpu.memref_slice %arg3[%add3A_36] : memref<320000xi32, #tpu.memory_space<hbm>> -> memref<80xi32, #tpu.memory_space<hbm>>
        %dma_start3A_186 = tpu.memref_slice %arg3[%add3A_36] : memref<320000xi32, #tpu.memory_space<hbm>> -> memref<80xi32, #tpu.memory_space<hbm>>
        tpu.enqueue_dma source(%dma_start3A_186 : memref<80xi32, #tpu.memory_space<hbm>>) target(%arg10 : memref<80xi32, #tpu.memory_space<vmem>>) target_semaphore(%run_scoped3A : memref<!tpu.dma_semaphore, #tpu.memory_space<semaphore_mem>>)
        %dma_wait3A_187 = tpu.memref_slice %arg3[%add3A_36] : memref<320000xi32, #tpu.memory_space<hbm>> -> memref<80xi32, #tpu.memory_space<hbm>>
        %dma_wait3A_188 = tpu.memref_slice %arg3[%add3A_36] : memref<320000xi32, #tpu.memory_space<hbm>> -> memref<80xi32, #tpu.memory_space<hbm>>
        tpu.wait_dma2 semaphore(%run_scoped3A : memref<!tpu.dma_semaphore, #tpu.memory_space<semaphore_mem>>) src(%dma_wait3A_188 : memref<80xi32, #tpu.memory_space<hbm>>) dst(%arg10 : memref<80xi32, #tpu.memory_space<vmem>>)
        tpu.yield
      }) : () -> ()
      %get3A = arith.constant 0 : index
      %get3A_37 = tpu.vector_load %arg9[%get3A] {strides = array<i32>} : memref<80xi32, #tpu.memory_space<vmem>>, vector<16xi32>,
      %get3A_38 = vector.shape_cast %get3A_37 : vector<16xi32> to vector<16xi32>
      %add3A_39 = vector.broadcast %mul3A_19 : i32 to vector<16xi32>
      %add3A_40 = arith.addi %get3A_38, %add3A_39 : vector<16xi32>
      %swap3A = arith.constant 0 : index
      %swap3A_41 = tpu.vector_load %arg11[%swap3A] {strides = array<i32>} : memref<80xi32, #tpu.memory_space<vmem>>, vector<16xi32>,
      %swap3A_42 = vector.shape_cast %swap3A_41 : vector<16xi32> to vector<16xi32>
      %swap3A_43 = vector.shape_cast %add3A_40 : vector<16xi32> to vector<16xi32>
      tpu.vector_store %arg11[%swap3A], %swap3A_43 {strides = array<i32>} : memref<80xi32, #tpu.memory_space<vmem>>, vector<16xi32>,
      %get3A_44 = arith.constant 16 : index
      %get3A_45 = tpu.vector_load %arg9[%get3A_44] {strides = array<i32>} : memref<80xi32, #tpu.memory_space<vmem>>, vector<16xi32>,
      %get3A_46 = vector.shape_cast %get3A_45 : vector<16xi32> to vector<16xi32>
      %add3A_47 = vector.broadcast %mul3A_19 : i32 to vector<16xi32>
      %add3A_48 = arith.addi %get3A_46, %add3A_47 : vector<16xi32>
      %swap3A_49 = arith.constant 16 : index
      %swap3A_50 = tpu.vector_load %arg11[%swap3A_49] {strides = array<i32>} : memref<80xi32, #tpu.memory_space<vmem>>, vector<16xi32>,
      %swap3A_51 = vector.shape_cast %swap3A_50 : vector<16xi32> to vector<16xi32>
      %swap3A_52 = vector.shape_cast %add3A_48 : vector<16xi32> to vector<16xi32>
      tpu.vector_store %arg11[%swap3A_49], %swap3A_52 {strides = array<i32>} : memref<80xi32, #tpu.memory_space<vmem>>, vector<16xi32>,
      %get3A_53 = arith.constant 32 : index
      %get3A_54 = tpu.vector_load %arg9[%get3A_53] {strides = array<i32>} : memref<80xi32, #tpu.memory_space<vmem>>, vector<16xi32>,
      %get3A_55 = vector.shape_cast %get3A_54 : vector<16xi32> to vector<16xi32>
      %add3A_56 = vector.broadcast %mul3A_19 : i32 to vector<16xi32>
      %add3A_57 = arith.addi %get3A_55, %add3A_56 : vector<16xi32>
      %swap3A_58 = arith.constant 32 : index
      %swap3A_59 = tpu.vector_load %arg11[%swap3A_58] {strides = array<i32>} : memref<80xi32, #tpu.memory_space<vmem>>, vector<16xi32>,
      %swap3A_60 = vector.shape_cast %swap3A_59 : vector<16xi32> to vector<16xi32>
      %swap3A_61 = vector.shape_cast %add3A_57 : vector<16xi32> to vector<16xi32>
      tpu.vector_store %arg11[%swap3A_58], %swap3A_61 {strides = array<i32>} : memref<80xi32, #tpu.memory_space<vmem>>, vector<16xi32>,
      %get3A_62 = arith.constant 48 : index
      %get3A_63 = tpu.vector_load %arg9[%get3A_62] {strides = array<i32>} : memref<80xi32, #tpu.memory_space<vmem>>, vector<16xi32>,
      %get3A_64 = vector.shape_cast %get3A_63 : vector<16xi32> to vector<16xi32>
      %add3A_65 = vector.broadcast %mul3A_19 : i32 to vector<16xi32>
      %add3A_66 = arith.addi %get3A_64, %add3A_65 : vector<16xi32>
      %swap3A_67 = arith.constant 48 : index
      %swap3A_68 = tpu.vector_load %arg11[%swap3A_67] {strides = array<i32>} : memref<80xi32, #tpu.memory_space<vmem>>, vector<16xi32>,
      %swap3A_69 = vector.shape_cast %swap3A_68 : vector<16xi32> to vector<16xi32>
      %swap3A_70 = vector.shape_cast %add3A_66 : vector<16xi32> to vector<16xi32>
      tpu.vector_store %arg11[%swap3A_67], %swap3A_70 {strides = array<i32>} : memref<80xi32, #tpu.memory_space<vmem>>, vector<16xi32>,
      %get3A_71 = arith.constant 64 : index
      %get3A_72 = tpu.vector_load %arg9[%get3A_71] {strides = array<i32>} : memref<80xi32, #tpu.memory_space<vmem>>, vector<16xi32>,
      %get3A_73 = vector.shape_cast %get3A_72 : vector<16xi32> to vector<16xi32>
      %add3A_74 = vector.broadcast %mul3A_19 : i32 to vector<16xi32>
      %add3A_75 = arith.addi %get3A_73, %add3A_74 : vector<16xi32>
      %swap3A_76 = arith.constant 64 : index
      %swap3A_77 = tpu.vector_load %arg11[%swap3A_76] {strides = array<i32>} : memref<80xi32, #tpu.memory_space<vmem>>, vector<16xi32>,
      %swap3A_78 = vector.shape_cast %swap3A_77 : vector<16xi32> to vector<16xi32>
      %swap3A_79 = vector.shape_cast %add3A_75 : vector<16xi32> to vector<16xi32>
      tpu.vector_store %arg11[%swap3A_76], %swap3A_79 {strides = array<i32>} : memref<80xi32, #tpu.memory_space<vmem>>, vector<16xi32>,
      %dma_start3A = arith.constant 0 : i32
      %dma_start3A_80 = arith.constant 0 : i32
      %dma_start3A_81 = tpu.memref_slice %arg6[%dma_start3A, %dma_start3A_80] : memref<20000x144xf32, #tpu.memory_space<hbm>> -> memref<20000x144xf32, #tpu.memory_space<hbm>>
      tpu.enqueue_indirect_dma source(%dma_start3A_81 : memref<20000x144xf32, #tpu.memory_space<hbm>>) target(%arg19 : memref<80x144xf32, #tpu.memory_space<vmem>>) offsets(%arg11 : memref<80xi32, #tpu.memory_space<vmem>>) semaphore(%arg22 : memref<!tpu.dma_semaphore, #tpu.memory_space<semaphore_mem>>)
      %dma_start3A_82 = arith.constant 0 : i32
      %dma_start3A_83 = arith.constant 0 : i32
      %dma_start3A_84 = tpu.memref_slice %arg4[%dma_start3A_82, %dma_start3A_83] : memref<10000x16xf32, #tpu.memory_space<hbm>> -> memref<10000x16xf32, #tpu.memory_space<hbm>>
      tpu.enqueue_indirect_dma source(%dma_start3A_84 : memref<10000x16xf32, #tpu.memory_space<hbm>>) target(%arg15 : memref<80x16xf32, #tpu.memory_space<vmem>>) offsets(%arg9 : memref<80xi32, #tpu.memory_space<vmem>>) semaphore(%arg23 : memref<!tpu.dma_semaphore, #tpu.memory_space<semaphore_mem>>)
      %dma_start3A_85 = arith.constant 0 : i32
      %dma_start3A_86 = arith.constant 0 : i32
      %dma_start3A_87 = tpu.memref_slice %arg5[%dma_start3A_85, %dma_start3A_86] : memref<10000x16xf32, #tpu.memory_space<hbm>> -> memref<10000x16xf32, #tpu.memory_space<hbm>>
      tpu.enqueue_indirect_dma source(%dma_start3A_87 : memref<10000x16xf32, #tpu.memory_space<hbm>>) target(%arg16 : memref<80x16xf32, #tpu.memory_space<vmem>>) offsets(%arg10 : memref<80xi32, #tpu.memory_space<vmem>>) semaphore(%arg24 : memref<!tpu.dma_semaphore, #tpu.memory_space<semaphore_mem>>)
      %add3A_88 = arith.constant 80 : i32
      %add3A_89 = arith.addi %add3A_36, %add3A_88 : i32
      "tpu.region"() ({
        %run_scoped3A = tpu.sem_alloc : memref<!tpu.dma_semaphore, #tpu.memory_space<semaphore_mem>>
        %dma_start3A_185 = tpu.memref_slice %arg2[%add3A_89] : memref<320000xi32, #tpu.memory_space<hbm>> -> memref<80xi32, #tpu.memory_space<hbm>>
        %dma_start3A_186 = tpu.memref_slice %arg2[%add3A_89] : memref<320000xi32, #tpu.memory_space<hbm>> -> memref<80xi32, #tpu.memory_space<hbm>>
        tpu.enqueue_dma source(%dma_start3A_186 : memref<80xi32, #tpu.memory_space<hbm>>) target(%arg12 : memref<80xi32, #tpu.memory_space<vmem>>) target_semaphore(%run_scoped3A : memref<!tpu.dma_semaphore, #tpu.memory_space<semaphore_mem>>)
        %dma_wait3A_187 = tpu.memref_slice %arg2[%add3A_89] : memref<320000xi32, #tpu.memory_space<hbm>> -> memref<80xi32, #tpu.memory_space<hbm>>
        %dma_wait3A_188 = tpu.memref_slice %arg2[%add3A_89] : memref<320000xi32, #tpu.memory_space<hbm>> -> memref<80xi32, #tpu.memory_space<hbm>>
        tpu.wait_dma2 semaphore(%run_scoped3A : memref<!tpu.dma_semaphore, #tpu.memory_space<semaphore_mem>>) src(%dma_wait3A_188 : memref<80xi32, #tpu.memory_space<hbm>>) dst(%arg12 : memref<80xi32, #tpu.memory_space<vmem>>)
        tpu.yield
      }) : () -> ()
      "tpu.region"() ({
        %run_scoped3A = tpu.sem_alloc : memref<!tpu.dma_semaphore, #tpu.memory_space<semaphore_mem>>
        %dma_start3A_185 = tpu.memref_slice %arg3[%add3A_89] : memref<320000xi32, #tpu.memory_space<hbm>> -> memref<80xi32, #tpu.memory_space<hbm>>
        %dma_start3A_186 = tpu.memref_slice %arg3[%add3A_89] : memref<320000xi32, #tpu.memory_space<hbm>> -> memref<80xi32, #tpu.memory_space<hbm>>
        tpu.enqueue_dma source(%dma_start3A_186 : memref<80xi32, #tpu.memory_space<hbm>>) target(%arg13 : memref<80xi32, #tpu.memory_space<vmem>>) target_semaphore(%run_scoped3A : memref<!tpu.dma_semaphore, #tpu.memory_space<semaphore_mem>>)
        %dma_wait3A_187 = tpu.memref_slice %arg3[%add3A_89] : memref<320000xi32, #tpu.memory_space<hbm>> -> memref<80xi32, #tpu.memory_space<hbm>>
        %dma_wait3A_188 = tpu.memref_slice %arg3[%add3A_89] : memref<320000xi32, #tpu.memory_space<hbm>> -> memref<80xi32, #tpu.memory_space<hbm>>
        tpu.wait_dma2 semaphore(%run_scoped3A : memref<!tpu.dma_semaphore, #tpu.memory_space<semaphore_mem>>) src(%dma_wait3A_188 : memref<80xi32, #tpu.memory_space<hbm>>) dst(%arg13 : memref<80xi32, #tpu.memory_space<vmem>>)
        tpu.yield
      }) : () -> ()
      %get3A_90 = arith.constant 0 : index
      %get3A_91 = tpu.vector_load %arg12[%get3A_90] {strides = array<i32>} : memref<80xi32, #tpu.memory_space<vmem>>, vector<16xi32>,
      %get3A_92 = vector.shape_cast %get3A_91 : vector<16xi32> to vector<16xi32>
      %add3A_93 = vector.broadcast %mul3A_19 : i32 to vector<16xi32>
      %add3A_94 = arith.addi %get3A_92, %add3A_93 : vector<16xi32>
      %swap3A_95 = arith.constant 0 : index
      %swap3A_96 = tpu.vector_load %arg14[%swap3A_95] {strides = array<i32>} : memref<80xi32, #tpu.memory_space<vmem>>, vector<16xi32>,
      %swap3A_97 = vector.shape_cast %swap3A_96 : vector<16xi32> to vector<16xi32>
      %swap3A_98 = vector.shape_cast %add3A_94 : vector<16xi32> to vector<16xi32>
      tpu.vector_store %arg14[%swap3A_95], %swap3A_98 {strides = array<i32>} : memref<80xi32, #tpu.memory_space<vmem>>, vector<16xi32>,
      %get3A_99 = arith.constant 16 : index
      %get3A_100 = tpu.vector_load %arg12[%get3A_99] {strides = array<i32>} : memref<80xi32, #tpu.memory_space<vmem>>, vector<16xi32>,
      %get3A_101 = vector.shape_cast %get3A_100 : vector<16xi32> to vector<16xi32>
      %add3A_102 = vector.broadcast %mul3A_19 : i32 to vector<16xi32>
      %add3A_103 = arith.addi %get3A_101, %add3A_102 : vector<16xi32>
      %swap3A_104 = arith.constant 16 : index
      %swap3A_105 = tpu.vector_load %arg14[%swap3A_104] {strides = array<i32>} : memref<80xi32, #tpu.memory_space<vmem>>, vector<16xi32>,
      %swap3A_106 = vector.shape_cast %swap3A_105 : vector<16xi32> to vector<16xi32>
      %swap3A_107 = vector.shape_cast %add3A_103 : vector<16xi32> to vector<16xi32>
      tpu.vector_store %arg14[%swap3A_104], %swap3A_107 {strides = array<i32>} : memref<80xi32, #tpu.memory_space<vmem>>, vector<16xi32>,
      %get3A_108 = arith.constant 32 : index
      %get3A_109 = tpu.vector_load %arg12[%get3A_108] {strides = array<i32>} : memref<80xi32, #tpu.memory_space<vmem>>, vector<16xi32>,
      %get3A_110 = vector.shape_cast %get3A_109 : vector<16xi32> to vector<16xi32>
      %add3A_111 = vector.broadcast %mul3A_19 : i32 to vector<16xi32>
      %add3A_112 = arith.addi %get3A_110, %add3A_111 : vector<16xi32>
      %swap3A_113 = arith.constant 32 : index
      %swap3A_114 = tpu.vector_load %arg14[%swap3A_113] {strides = array<i32>} : memref<80xi32, #tpu.memory_space<vmem>>, vector<16xi32>,
      %swap3A_115 = vector.shape_cast %swap3A_114 : vector<16xi32> to vector<16xi32>
      %swap3A_116 = vector.shape_cast %add3A_112 : vector<16xi32> to vector<16xi32>
      tpu.vector_store %arg14[%swap3A_113], %swap3A_116 {strides = array<i32>} : memref<80xi32, #tpu.memory_space<vmem>>, vector<16xi32>,
      %get3A_117 = arith.constant 48 : index
      %get3A_118 = tpu.vector_load %arg12[%get3A_117] {strides = array<i32>} : memref<80xi32, #tpu.memory_space<vmem>>, vector<16xi32>,
      %get3A_119 = vector.shape_cast %get3A_118 : vector<16xi32> to vector<16xi32>
      %add3A_120 = vector.broadcast %mul3A_19 : i32 to vector<16xi32>
      %add3A_121 = arith.addi %get3A_119, %add3A_120 : vector<16xi32>
      %swap3A_122 = arith.constant 48 : index
      %swap3A_123 = tpu.vector_load %arg14[%swap3A_122] {strides = array<i32>} : memref<80xi32, #tpu.memory_space<vmem>>, vector<16xi32>,
      %swap3A_124 = vector.shape_cast %swap3A_123 : vector<16xi32> to vector<16xi32>
      %swap3A_125 = vector.shape_cast %add3A_121 : vector<16xi32> to vector<16xi32>
      tpu.vector_store %arg14[%swap3A_122], %swap3A_125 {strides = array<i32>} : memref<80xi32, #tpu.memory_space<vmem>>, vector<16xi32>,
      %get3A_126 = arith.constant 64 : index
      %get3A_127 = tpu.vector_load %arg12[%get3A_126] {strides = array<i32>} : memref<80xi32, #tpu.memory_space<vmem>>, vector<16xi32>,
      %get3A_128 = vector.shape_cast %get3A_127 : vector<16xi32> to vector<16xi32>
      %add3A_129 = vector.broadcast %mul3A_19 : i32 to vector<16xi32>
      %add3A_130 = arith.addi %get3A_128, %add3A_129 : vector<16xi32>
      %swap3A_131 = arith.constant 64 : index
      %swap3A_132 = tpu.vector_load %arg14[%swap3A_131] {strides = array<i32>} : memref<80xi32, #tpu.memory_space<vmem>>, vector<16xi32>,
      %swap3A_133 = vector.shape_cast %swap3A_132 : vector<16xi32> to vector<16xi32>
      %swap3A_134 = vector.shape_cast %add3A_130 : vector<16xi32> to vector<16xi32>
      tpu.vector_store %arg14[%swap3A_131], %swap3A_134 {strides = array<i32>} : memref<80xi32, #tpu.memory_space<vmem>>, vector<16xi32>,
      %dma_start3A_135 = arith.constant 0 : i32
      %dma_start3A_136 = arith.constant 0 : i32
      %dma_start3A_137 = tpu.memref_slice %arg6[%dma_start3A_135, %dma_start3A_136] : memref<20000x144xf32, #tpu.memory_space<hbm>> -> memref<20000x144xf32, #tpu.memory_space<hbm>>
      tpu.enqueue_indirect_dma source(%dma_start3A_137 : memref<20000x144xf32, #tpu.memory_space<hbm>>) target(%arg20 : memref<80x144xf32, #tpu.memory_space<vmem>>) offsets(%arg14 : memref<80xi32, #tpu.memory_space<vmem>>) semaphore(%arg25 : memref<!tpu.dma_semaphore, #tpu.memory_space<semaphore_mem>>)
      %dma_start3A_138 = arith.constant 0 : i32
      %dma_start3A_139 = arith.constant 0 : i32
      %dma_start3A_140 = tpu.memref_slice %arg4[%dma_start3A_138, %dma_start3A_139] : memref<10000x16xf32, #tpu.memory_space<hbm>> -> memref<10000x16xf32, #tpu.memory_space<hbm>>
      tpu.enqueue_indirect_dma source(%dma_start3A_140 : memref<10000x16xf32, #tpu.memory_space<hbm>>) target(%arg17 : memref<80x16xf32, #tpu.memory_space<vmem>>) offsets(%arg12 : memref<80xi32, #tpu.memory_space<vmem>>) semaphore(%arg26 : memref<!tpu.dma_semaphore, #tpu.memory_space<semaphore_mem>>)
      %dma_start3A_141 = arith.constant 0 : i32
      %dma_start3A_142 = arith.constant 0 : i32
      %dma_start3A_143 = tpu.memref_slice %arg5[%dma_start3A_141, %dma_start3A_142] : memref<10000x16xf32, #tpu.memory_space<hbm>> -> memref<10000x16xf32, #tpu.memory_space<hbm>>
      tpu.enqueue_indirect_dma source(%dma_start3A_143 : memref<10000x16xf32, #tpu.memory_space<hbm>>) target(%arg18 : memref<80x16xf32, #tpu.memory_space<vmem>>) offsets(%arg13 : memref<80xi32, #tpu.memory_space<vmem>>) semaphore(%arg27 : memref<!tpu.dma_semaphore, #tpu.memory_space<semaphore_mem>>)
      %dma_wait3A = arith.constant 0 : i32
      %dma_wait3A_144 = arith.constant 0 : i32
      %dma_wait3A_145 = tpu.memref_slice %arg6[%dma_wait3A, %dma_wait3A_144] : memref<20000x144xf32, #tpu.memory_space<hbm>> -> memref<20000x144xf32, #tpu.memory_space<hbm>>
      tpu.wait_indirect_dma semaphore(%arg22 : memref<!tpu.dma_semaphore, #tpu.memory_space<semaphore_mem>>) src(%dma_wait3A_145 : memref<20000x144xf32, #tpu.memory_space<hbm>>) dst(%arg19 : memref<80x144xf32, #tpu.memory_space<vmem>>)
      %dma_wait3A_146 = arith.constant 0 : i32
      %dma_wait3A_147 = arith.constant 0 : i32
      %dma_wait3A_148 = tpu.memref_slice %arg4[%dma_wait3A_146, %dma_wait3A_147] : memref<10000x16xf32, #tpu.memory_space<hbm>> -> memref<10000x16xf32, #tpu.memory_space<hbm>>
      tpu.wait_indirect_dma semaphore(%arg23 : memref<!tpu.dma_semaphore, #tpu.memory_space<semaphore_mem>>) src(%dma_wait3A_148 : memref<10000x16xf32, #tpu.memory_space<hbm>>) dst(%arg15 : memref<80x16xf32, #tpu.memory_space<vmem>>)
      %dma_wait3A_149 = arith.constant 0 : i32
      %dma_wait3A_150 = arith.constant 0 : i32
      %dma_wait3A_151 = tpu.memref_slice %arg5[%dma_wait3A_149, %dma_wait3A_150] : memref<10000x16xf32, #tpu.memory_space<hbm>> -> memref<10000x16xf32, #tpu.memory_space<hbm>>
      tpu.wait_indirect_dma semaphore(%arg24 : memref<!tpu.dma_semaphore, #tpu.memory_space<semaphore_mem>>) src(%dma_wait3A_151 : memref<10000x16xf32, #tpu.memory_space<hbm>>) dst(%arg16 : memref<80x16xf32, #tpu.memory_space<vmem>>)
      %scan3A_152 = arith.constant 0 : i32
      %scan3A_153 = arith.constant 0 : i32
      %scan3A_154 = arith.constant 20 : i32
      %scan3A_155 = arith.addi %scan3A_153, %scan3A_154 : i32
      %scan3A_156 = arith.constant 1 : i32
      scf.for %scan3A_185 = %scan3A_153 to %scan3A_155 step %scan3A_156  : i32 {
        %mul3A_186 = arith.constant 4 : i32
        %mul3A_187 = arith.muli %mul3A_186, %scan3A_185 : i32
        %add3A_188 = arith.constant 0 : i32
        %add3A_189 = arith.addi %mul3A_187, %add3A_188 : i32
        %get3A_190 = arith.index_cast %add3A_189 : i32 to index
        %get3A_191 = arith.constant 0 : index
        %get3A_192 = tpu.vector_load %arg15[%get3A_190, %get3A_191] {strides = array<i32>} : memref<80x16xf32, #tpu.memory_space<vmem>>, vector<1x16xf32>,
        %get3A_193 = vector.shape_cast %get3A_192 : vector<1x16xf32> to vector<16xf32>
        %get3A_194 = arith.index_cast %add3A_189 : i32 to index
        %get3A_195 = arith.constant 0 : index
        %get3A_196 = tpu.vector_load %arg16[%get3A_194, %get3A_195] {strides = array<i32>} : memref<80x16xf32, #tpu.memory_space<vmem>>, vector<1x16xf32>,
        %get3A_197 = vector.shape_cast %get3A_196 : vector<1x16xf32> to vector<16xf32>
        %add3A_198 = arith.addf %get3A_193, %get3A_197 : vector<16xf32>
        %ge3A = arith.constant 0.000000e+00 : f32
        %ge3A_199 = vector.broadcast %ge3A : f32 to vector<16xf32>
        %ge3A_200 = arith.cmpf oge, %add3A_198, %ge3A_199 : vector<16xf32>
        %mul3A_201 = arith.constant 2.000000e-01 : f32
        %mul3A_202 = vector.broadcast %mul3A_201 : f32 to vector<16xf32>
        %mul3A_203 = arith.mulf %mul3A_202, %add3A_198 : vector<16xf32>
        %select_n3A = arith.select %ge3A_200, %add3A_198, %mul3A_203 : vector<16xi1>, vector<16xf32>
        %exp3A = math.exp %select_n3A : vector<16xf32>
        %gather3A = vector.shape_cast %broadcast_in_dim3A_7 : vector<16x1xi32> to vector<16xi32>
        %gather3A_204 = tpu.dynamic_gather %exp3A[%gather3A] in [0] : vector<16xf32>, vector<16xi32> -> vector<16xf32>
        %gather3A_205 = vector.shape_cast %broadcast_in_dim3A_12 : vector<16x1xi32> to vector<16xi32>
        %gather3A_206 = tpu.dynamic_gather %exp3A[%gather3A_205] in [0] : vector<16xf32>, vector<16xi32> -> vector<16xf32>
        %gather3A_207 = vector.shape_cast %broadcast_in_dim3A_17 : vector<16x1xi32> to vector<16xi32>
        %gather3A_208 = tpu.dynamic_gather %exp3A[%gather3A_207] in [0] : vector<16xf32>, vector<16xi32> -> vector<16xf32>
        %get3A_209 = arith.index_cast %add3A_189 : i32 to index
        %get3A_210 = arith.constant 0 : index
        %get3A_211 = tpu.vector_load %arg19[%get3A_209, %get3A_210] {strides = array<i32>} : memref<80x144xf32, #tpu.memory_space<vmem>>, vector<1x16xf32>,
        %get3A_212 = vector.shape_cast %get3A_211 : vector<1x16xf32> to vector<16xf32>
        %mul3A_213 = arith.mulf %gather3A_204, %get3A_212 : vector<16xf32>
        %swap3A_214 = arith.index_cast %add3A_189 : i32 to index
        %swap3A_215 = arith.constant 0 : index
        %swap3A_216 = tpu.vector_load %arg19[%swap3A_214, %swap3A_215] {strides = array<i32>} : memref<80x144xf32, #tpu.memory_space<vmem>>, vector<1x16xf32>,
        %swap3A_217 = vector.shape_cast %swap3A_216 : vector<1x16xf32> to vector<16xf32>
        %swap3A_218 = vector.shape_cast %mul3A_213 : vector<16xf32> to vector<1x16xf32>
        tpu.vector_store %arg19[%swap3A_214, %swap3A_215], %swap3A_218 {strides = array<i32>} : memref<80x144xf32, #tpu.memory_space<vmem>>, vector<1x16xf32>,
        %get3A_219 = arith.index_cast %add3A_189 : i32 to index
        %get3A_220 = arith.constant 16 : index
        %get3A_221 = tpu.vector_load %arg19[%get3A_219, %get3A_220] {strides = array<i32>} : memref<80x144xf32, #tpu.memory_space<vmem>>, vector<1x16xf32>,
        %get3A_222 = vector.shape_cast %get3A_221 : vector<1x16xf32> to vector<16xf32>
        %mul3A_223 = arith.mulf %gather3A_204, %get3A_222 : vector<16xf32>
        %swap3A_224 = arith.index_cast %add3A_189 : i32 to index
        %swap3A_225 = arith.constant 16 : index
        %swap3A_226 = tpu.vector_load %arg19[%swap3A_224, %swap3A_225] {strides = array<i32>} : memref<80x144xf32, #tpu.memory_space<vmem>>, vector<1x16xf32>,
        %swap3A_227 = vector.shape_cast %swap3A_226 : vector<1x16xf32> to vector<16xf32>
        %swap3A_228 = vector.shape_cast %mul3A_223 : vector<16xf32> to vector<1x16xf32>
        tpu.vector_store %arg19[%swap3A_224, %swap3A_225], %swap3A_228 {strides = array<i32>} : memref<80x144xf32, #tpu.memory_space<vmem>>, vector<1x16xf32>,
        %get3A_229 = arith.index_cast %add3A_189 : i32 to index
        %get3A_230 = arith.constant 32 : index
        %get3A_231 = tpu.vector_load %arg19[%get3A_229, %get3A_230] {strides = array<i32>} : memref<80x144xf32, #tpu.memory_space<vmem>>, vector<1x16xf32>,
        %get3A_232 = vector.shape_cast %get3A_231 : vector<1x16xf32> to vector<16xf32>
        %mul3A_233 = arith.mulf %gather3A_204, %get3A_232 : vector<16xf32>
        %swap3A_234 = arith.index_cast %add3A_189 : i32 to index
        %swap3A_235 = arith.constant 32 : index
        %swap3A_236 = tpu.vector_load %arg19[%swap3A_234, %swap3A_235] {strides = array<i32>} : memref<80x144xf32, #tpu.memory_space<vmem>>, vector<1x16xf32>,
        %swap3A_237 = vector.shape_cast %swap3A_236 : vector<1x16xf32> to vector<16xf32>
        %swap3A_238 = vector.shape_cast %mul3A_233 : vector<16xf32> to vector<1x16xf32>
        tpu.vector_store %arg19[%swap3A_234, %swap3A_235], %swap3A_238 {strides = array<i32>} : memref<80x144xf32, #tpu.memory_space<vmem>>, vector<1x16xf32>,
        %get3A_239 = arith.index_cast %add3A_189 : i32 to index
        %get3A_240 = arith.constant 48 : index
        %get3A_241 = tpu.vector_load %arg19[%get3A_239, %get3A_240] {strides = array<i32>} : memref<80x144xf32, #tpu.memory_space<vmem>>, vector<1x16xf32>,
        %get3A_242 = vector.shape_cast %get3A_241 : vector<1x16xf32> to vector<16xf32>
        %mul3A_243 = arith.mulf %gather3A_206, %get3A_242 : vector<16xf32>
        %swap3A_244 = arith.index_cast %add3A_189 : i32 to index
        %swap3A_245 = arith.constant 48 : index
        %swap3A_246 = tpu.vector_load %arg19[%swap3A_244, %swap3A_245] {strides = array<i32>} : memref<80x144xf32, #tpu.memory_space<vmem>>, vector<1x16xf32>,
        %swap3A_247 = vector.shape_cast %swap3A_246 : vector<1x16xf32> to vector<16xf32>
        %swap3A_248 = vector.shape_cast %mul3A_243 : vector<16xf32> to vector<1x16xf32>
        tpu.vector_store %arg19[%swap3A_244, %swap3A_245], %swap3A_248 {strides = array<i32>} : memref<80x144xf32, #tpu.memory_space<vmem>>, vector<1x16xf32>,
        %get3A_249 = arith.index_cast %add3A_189 : i32 to index
        %get3A_250 = arith.constant 64 : index
        %get3A_251 = tpu.vector_load %arg19[%get3A_249, %get3A_250] {strides = array<i32>} : memref<80x144xf32, #tpu.memory_space<vmem>>, vector<1x16xf32>,
        %get3A_252 = vector.shape_cast %get3A_251 : vector<1x16xf32> to vector<16xf32>
        %mul3A_253 = arith.mulf %gather3A_206, %get3A_252 : vector<16xf32>
        %swap3A_254 = arith.index_cast %add3A_189 : i32 to index
        %swap3A_255 = arith.constant 64 : index
        %swap3A_256 = tpu.vector_load %arg19[%swap3A_254, %swap3A_255] {strides = array<i32>} : memref<80x144xf32, #tpu.memory_space<vmem>>, vector<1x16xf32>,
        %swap3A_257 = vector.shape_cast %swap3A_256 : vector<1x16xf32> to vector<16xf32>
        %swap3A_258 = vector.shape_cast %mul3A_253 : vector<16xf32> to vector<1x16xf32>
        tpu.vector_store %arg19[%swap3A_254, %swap3A_255], %swap3A_258 {strides = array<i32>} : memref<80x144xf32, #tpu.memory_space<vmem>>, vector<1x16xf32>,
        %get3A_259 = arith.index_cast %add3A_189 : i32 to index
        %get3A_260 = arith.constant 80 : index
        %get3A_261 = tpu.vector_load %arg19[%get3A_259, %get3A_260] {strides = array<i32>} : memref<80x144xf32, #tpu.memory_space<vmem>>, vector<1x16xf32>,
        %get3A_262 = vector.shape_cast %get3A_261 : vector<1x16xf32> to vector<16xf32>
        %mul3A_263 = arith.mulf %gather3A_206, %get3A_262 : vector<16xf32>
        %swap3A_264 = arith.index_cast %add3A_189 : i32 to index
        %swap3A_265 = arith.constant 80 : index
        %swap3A_266 = tpu.vector_load %arg19[%swap3A_264, %swap3A_265] {strides = array<i32>} : memref<80x144xf32, #tpu.memory_space<vmem>>, vector<1x16xf32>,
        %swap3A_267 = vector.shape_cast %swap3A_266 : vector<1x16xf32> to vector<16xf32>
        %swap3A_268 = vector.shape_cast %mul3A_263 : vector<16xf32> to vector<1x16xf32>
        tpu.vector_store %arg19[%swap3A_264, %swap3A_265], %swap3A_268 {strides = array<i32>} : memref<80x144xf32, #tpu.memory_space<vmem>>, vector<1x16xf32>,
        %get3A_269 = arith.index_cast %add3A_189 : i32 to index
        %get3A_270 = arith.constant 96 : index
        %get3A_271 = tpu.vector_load %arg19[%get3A_269, %get3A_270] {strides = array<i32>} : memref<80x144xf32, #tpu.memory_space<vmem>>, vector<1x16xf32>,
        %get3A_272 = vector.shape_cast %get3A_271 : vector<1x16xf32> to vector<16xf32>
        %mul3A_273 = arith.mulf %gather3A_208, %get3A_272 : vector<16xf32>
        %swap3A_274 = arith.index_cast %add3A_189 : i32 to index
        %swap3A_275 = arith.constant 96 : index
        %swap3A_276 = tpu.vector_load %arg19[%swap3A_274, %swap3A_275] {strides = array<i32>} : memref<80x144xf32, #tpu.memory_space<vmem>>, vector<1x16xf32>,
        %swap3A_277 = vector.shape_cast %swap3A_276 : vector<1x16xf32> to vector<16xf32>
        %swap3A_278 = vector.shape_cast %mul3A_273 : vector<16xf32> to vector<1x16xf32>
        tpu.vector_store %arg19[%swap3A_274, %swap3A_275], %swap3A_278 {strides = array<i32>} : memref<80x144xf32, #tpu.memory_space<vmem>>, vector<1x16xf32>,
        %get3A_279 = arith.index_cast %add3A_189 : i32 to index
        %get3A_280 = arith.constant 112 : index
        %get3A_281 = tpu.vector_load %arg19[%get3A_279, %get3A_280] {strides = array<i32>} : memref<80x144xf32, #tpu.memory_space<vmem>>, vector<1x16xf32>,
        %get3A_282 = vector.shape_cast %get3A_281 : vector<1x16xf32> to vector<16xf32>
        %mul3A_283 = arith.mulf %gather3A_208, %get3A_282 : vector<16xf32>
        %swap3A_284 = arith.index_cast %add3A_189 : i32 to index
        %swap3A_285 = arith.constant 112 : index
        %swap3A_286 = tpu.vector_load %arg19[%swap3A_284, %swap3A_285] {strides = array<i32>} : memref<80x144xf32, #tpu.memory_space<vmem>>, vector<1x16xf32>,
        %swap3A_287 = vector.shape_cast %swap3A_286 : vector<1x16xf32> to vector<16xf32>
        %swap3A_288 = vector.shape_cast %mul3A_283 : vector<16xf32> to vector<1x16xf32>
        tpu.vector_store %arg19[%swap3A_284, %swap3A_285], %swap3A_288 {strides = array<i32>} : memref<80x144xf32, #tpu.memory_space<vmem>>, vector<1x16xf32>,
        %get3A_289 = arith.index_cast %add3A_189 : i32 to index
        %get3A_290 = arith.constant 128 : index
        %get3A_291 = tpu.vector_load %arg19[%get3A_289, %get3A_290] {strides = array<i32>} : memref<80x144xf32, #tpu.memory_space<vmem>>, vector<1x16xf32>,
        %get3A_292 = vector.shape_cast %get3A_291 : vector<1x16xf32> to vector<16xf32>
        %mul3A_293 = arith.mulf %gather3A_208, %get3A_292 : vector<16xf32>
        %swap3A_294 = arith.index_cast %add3A_189 : i32 to index
        %swap3A_295 = arith.constant 128 : index
        %swap3A_296 = tpu.vector_load %arg19[%swap3A_294, %swap3A_295] {strides = array<i32>} : memref<80x144xf32, #tpu.memory_space<vmem>>, vector<1x16xf32>,
        %swap3A_297 = vector.shape_cast %swap3A_296 : vector<1x16xf32> to vector<16xf32>
        %swap3A_298 = vector.shape_cast %mul3A_293 : vector<16xf32> to vector<1x16xf32>
        tpu.vector_store %arg19[%swap3A_294, %swap3A_295], %swap3A_298 {strides = array<i32>} : memref<80x144xf32, #tpu.memory_space<vmem>>, vector<1x16xf32>,
        %mul3A_299 = arith.constant 4 : i32
        %mul3A_300 = arith.muli %mul3A_299, %scan3A_185 : i32
        %add3A_301 = arith.constant 1 : i32
        %add3A_302 = arith.addi %mul3A_300, %add3A_301 : i32
        %get3A_303 = arith.index_cast %add3A_302 : i32 to index
        %get3A_304 = arith.constant 0 : index
        %get3A_305 = tpu.vector_load %arg15[%get3A_303, %get3A_304] {strides = array<i32>} : memref<80x16xf32, #tpu.memory_space<vmem>>, vector<1x16xf32>,
        %get3A_306 = vector.shape_cast %get3A_305 : vector<1x16xf32> to vector<16xf32>
        %get3A_307 = arith.index_cast %add3A_302 : i32 to index
        %get3A_308 = arith.constant 0 : index
        %get3A_309 = tpu.vector_load %arg16[%get3A_307, %get3A_308] {strides = array<i32>} : memref<80x16xf32, #tpu.memory_space<vmem>>, vector<1x16xf32>,
        %get3A_310 = vector.shape_cast %get3A_309 : vector<1x16xf32> to vector<16xf32>
        %add3A_311 = arith.addf %get3A_306, %get3A_310 : vector<16xf32>
        %ge3A_312 = arith.constant 0.000000e+00 : f32
        %ge3A_313 = vector.broadcast %ge3A_312 : f32 to vector<16xf32>
        %ge3A_314 = arith.cmpf oge, %add3A_311, %ge3A_313 : vector<16xf32>
        %mul3A_315 = arith.constant 2.000000e-01 : f32
        %mul3A_316 = vector.broadcast %mul3A_315 : f32 to vector<16xf32>
        %mul3A_317 = arith.mulf %mul3A_316, %add3A_311 : vector<16xf32>
        %select_n3A_318 = arith.select %ge3A_314, %add3A_311, %mul3A_317 : vector<16xi1>, vector<16xf32>
        %exp3A_319 = math.exp %select_n3A_318 : vector<16xf32>
        %gather3A_320 = vector.shape_cast %broadcast_in_dim3A_7 : vector<16x1xi32> to vector<16xi32>
        %gather3A_321 = tpu.dynamic_gather %exp3A_319[%gather3A_320] in [0] : vector<16xf32>, vector<16xi32> -> vector<16xf32>
        %gather3A_322 = vector.shape_cast %broadcast_in_dim3A_12 : vector<16x1xi32> to vector<16xi32>
        %gather3A_323 = tpu.dynamic_gather %exp3A_319[%gather3A_322] in [0] : vector<16xf32>, vector<16xi32> -> vector<16xf32>
        %gather3A_324 = vector.shape_cast %broadcast_in_dim3A_17 : vector<16x1xi32> to vector<16xi32>
        %gather3A_325 = tpu.dynamic_gather %exp3A_319[%gather3A_324] in [0] : vector<16xf32>, vector<16xi32> -> vector<16xf32>
        %get3A_326 = arith.index_cast %add3A_302 : i32 to index
        %get3A_327 = arith.constant 0 : index
        %get3A_328 = tpu.vector_load %arg19[%get3A_326, %get3A_327] {strides = array<i32>} : memref<80x144xf32, #tpu.memory_space<vmem>>, vector<1x16xf32>,
        %get3A_329 = vector.shape_cast %get3A_328 : vector<1x16xf32> to vector<16xf32>
        %mul3A_330 = arith.mulf %gather3A_321, %get3A_329 : vector<16xf32>
        %swap3A_331 = arith.index_cast %add3A_302 : i32 to index
        %swap3A_332 = arith.constant 0 : index
        %swap3A_333 = tpu.vector_load %arg19[%swap3A_331, %swap3A_332] {strides = array<i32>} : memref<80x144xf32, #tpu.memory_space<vmem>>, vector<1x16xf32>,
        %swap3A_334 = vector.shape_cast %swap3A_333 : vector<1x16xf32> to vector<16xf32>
        %swap3A_335 = vector.shape_cast %mul3A_330 : vector<16xf32> to vector<1x16xf32>
        tpu.vector_store %arg19[%swap3A_331, %swap3A_332], %swap3A_335 {strides = array<i32>} : memref<80x144xf32, #tpu.memory_space<vmem>>, vector<1x16xf32>,
        %get3A_336 = arith.index_cast %add3A_302 : i32 to index
        %get3A_337 = arith.constant 16 : index
        %get3A_338 = tpu.vector_load %arg19[%get3A_336, %get3A_337] {strides = array<i32>} : memref<80x144xf32, #tpu.memory_space<vmem>>, vector<1x16xf32>,
        %get3A_339 = vector.shape_cast %get3A_338 : vector<1x16xf32> to vector<16xf32>
        %mul3A_340 = arith.mulf %gather3A_321, %get3A_339 : vector<16xf32>
        %swap3A_341 = arith.index_cast %add3A_302 : i32 to index
        %swap3A_342 = arith.constant 16 : index
        %swap3A_343 = tpu.vector_load %arg19[%swap3A_341, %swap3A_342] {strides = array<i32>} : memref<80x144xf32, #tpu.memory_space<vmem>>, vector<1x16xf32>,
        %swap3A_344 = vector.shape_cast %swap3A_343 : vector<1x16xf32> to vector<16xf32>
        %swap3A_345 = vector.shape_cast %mul3A_340 : vector<16xf32> to vector<1x16xf32>
        tpu.vector_store %arg19[%swap3A_341, %swap3A_342], %swap3A_345 {strides = array<i32>} : memref<80x144xf32, #tpu.memory_space<vmem>>, vector<1x16xf32>,
        %get3A_346 = arith.index_cast %add3A_302 : i32 to index
        %get3A_347 = arith.constant 32 : index
        %get3A_348 = tpu.vector_load %arg19[%get3A_346, %get3A_347] {strides = array<i32>} : memref<80x144xf32, #tpu.memory_space<vmem>>, vector<1x16xf32>,
        %get3A_349 = vector.shape_cast %get3A_348 : vector<1x16xf32> to vector<16xf32>
        %mul3A_350 = arith.mulf %gather3A_321, %get3A_349 : vector<16xf32>
        %swap3A_351 = arith.index_cast %add3A_302 : i32 to index
        %swap3A_352 = arith.constant 32 : index
        %swap3A_353 = tpu.vector_load %arg19[%swap3A_351, %swap3A_352] {strides = array<i32>} : memref<80x144xf32, #tpu.memory_space<vmem>>, vector<1x16xf32>,
        %swap3A_354 = vector.shape_cast %swap3A_353 : vector<1x16xf32> to vector<16xf32>
        %swap3A_355 = vector.shape_cast %mul3A_350 : vector<16xf32> to vector<1x16xf32>
        tpu.vector_store %arg19[%swap3A_351, %swap3A_352], %swap3A_355 {strides = array<i32>} : memref<80x144xf32, #tpu.memory_space<vmem>>, vector<1x16xf32>,
        %get3A_356 = arith.index_cast %add3A_302 : i32 to index
        %get3A_357 = arith.constant 48 : index
        %get3A_358 = tpu.vector_load %arg19[%get3A_356, %get3A_357] {strides = array<i32>} : memref<80x144xf32, #tpu.memory_space<vmem>>, vector<1x16xf32>,
        %get3A_359 = vector.shape_cast %get3A_358 : vector<1x16xf32> to vector<16xf32>
        %mul3A_360 = arith.mulf %gather3A_323, %get3A_359 : vector<16xf32>
        %swap3A_361 = arith.index_cast %add3A_302 : i32 to index
        %swap3A_362 = arith.constant 48 : index
        %swap3A_363 = tpu.vector_load %arg19[%swap3A_361, %swap3A_362] {strides = array<i32>} : memref<80x144xf32, #tpu.memory_space<vmem>>, vector<1x16xf32>,
        %swap3A_364 = vector.shape_cast %swap3A_363 : vector<1x16xf32> to vector<16xf32>
        %swap3A_365 = vector.shape_cast %mul3A_360 : vector<16xf32> to vector<1x16xf32>
        tpu.vector_store %arg19[%swap3A_361, %swap3A_362], %swap3A_365 {strides = array<i32>} : memref<80x144xf32, #tpu.memory_space<vmem>>, vector<1x16xf32>,
        %get3A_366 = arith.index_cast %add3A_302 : i32 to index
        %get3A_367 = arith.constant 64 : index
        %get3A_368 = tpu.vector_load %arg19[%get3A_366, %get3A_367] {strides = array<i32>} : memref<80x144xf32, #tpu.memory_space<vmem>>, vector<1x16xf32>,
        %get3A_369 = vector.shape_cast %get3A_368 : vector<1x16xf32> to vector<16xf32>
        %mul3A_370 = arith.mulf %gather3A_323, %get3A_369 : vector<16xf32>
        %swap3A_371 = arith.index_cast %add3A_302 : i32 to index
        %swap3A_372 = arith.constant 64 : index
        %swap3A_373 = tpu.vector_load %arg19[%swap3A_371, %swap3A_372] {strides = array<i32>} : memref<80x144xf32, #tpu.memory_space<vmem>>, vector<1x16xf32>,
        %swap3A_374 = vector.shape_cast %swap3A_373 : vector<1x16xf32> to vector<16xf32>
        %swap3A_375 = vector.shape_cast %mul3A_370 : vector<16xf32> to vector<1x16xf32>
        tpu.vector_store %arg19[%swap3A_371, %swap3A_372], %swap3A_375 {strides = array<i32>} : memref<80x144xf32, #tpu.memory_space<vmem>>, vector<1x16xf32>,
        %get3A_376 = arith.index_cast %add3A_302 : i32 to index
        %get3A_377 = arith.constant 80 : index
        %get3A_378 = tpu.vector_load %arg19[%get3A_376, %get3A_377] {strides = array<i32>} : memref<80x144xf32, #tpu.memory_space<vmem>>, vector<1x16xf32>,
        %get3A_379 = vector.shape_cast %get3A_378 : vector<1x16xf32> to vector<16xf32>
        %mul3A_380 = arith.mulf %gather3A_323, %get3A_379 : vector<16xf32>
        %swap3A_381 = arith.index_cast %add3A_302 : i32 to index
        %swap3A_382 = arith.constant 80 : index
        %swap3A_383 = tpu.vector_load %arg19[%swap3A_381, %swap3A_382] {strides = array<i32>} : memref<80x144xf32, #tpu.memory_space<vmem>>, vector<1x16xf32>,
        %swap3A_384 = vector.shape_cast %swap3A_383 : vector<1x16xf32> to vector<16xf32>
        %swap3A_385 = vector.shape_cast %mul3A_380 : vector<16xf32> to vector<1x16xf32>
        tpu.vector_store %arg19[%swap3A_381, %swap3A_382], %swap3A_385 {strides = array<i32>} : memref<80x144xf32, #tpu.memory_space<vmem>>, vector<1x16xf32>,
        %get3A_386 = arith.index_cast %add3A_302 : i32 to index
        %get3A_387 = arith.constant 96 : index
        %get3A_388 = tpu.vector_load %arg19[%get3A_386, %get3A_387] {strides = array<i32>} : memref<80x144xf32, #tpu.memory_space<vmem>>, vector<1x16xf32>,
        %get3A_389 = vector.shape_cast %get3A_388 : vector<1x16xf32> to vector<16xf32>
        %mul3A_390 = arith.mulf %gather3A_325, %get3A_389 : vector<16xf32>
        %swap3A_391 = arith.index_cast %add3A_302 : i32 to index
        %swap3A_392 = arith.constant 96 : index
        %swap3A_393 = tpu.vector_load %arg19[%swap3A_391, %swap3A_392] {strides = array<i32>} : memref<80x144xf32, #tpu.memory_space<vmem>>, vector<1x16xf32>,
        %swap3A_394 = vector.shape_cast %swap3A_393 : vector<1x16xf32> to vector<16xf32>
        %swap3A_395 = vector.shape_cast %mul3A_390 : vector<16xf32> to vector<1x16xf32>
        tpu.vector_store %arg19[%swap3A_391, %swap3A_392], %swap3A_395 {strides = array<i32>} : memref<80x144xf32, #tpu.memory_space<vmem>>, vector<1x16xf32>,
        %get3A_396 = arith.index_cast %add3A_302 : i32 to index
        %get3A_397 = arith.constant 112 : index
        %get3A_398 = tpu.vector_load %arg19[%get3A_396, %get3A_397] {strides = array<i32>} : memref<80x144xf32, #tpu.memory_space<vmem>>, vector<1x16xf32>,
        %get3A_399 = vector.shape_cast %get3A_398 : vector<1x16xf32> to vector<16xf32>
        %mul3A_400 = arith.mulf %gather3A_325, %get3A_399 : vector<16xf32>
        %swap3A_401 = arith.index_cast %add3A_302 : i32 to index
        %swap3A_402 = arith.constant 112 : index
        %swap3A_403 = tpu.vector_load %arg19[%swap3A_401, %swap3A_402] {strides = array<i32>} : memref<80x144xf32, #tpu.memory_space<vmem>>, vector<1x16xf32>,
        %swap3A_404 = vector.shape_cast %swap3A_403 : vector<1x16xf32> to vector<16xf32>
        %swap3A_405 = vector.shape_cast %mul3A_400 : vector<16xf32> to vector<1x16xf32>
        tpu.vector_store %arg19[%swap3A_401, %swap3A_402], %swap3A_405 {strides = array<i32>} : memref<80x144xf32, #tpu.memory_space<vmem>>, vector<1x16xf32>,
        %get3A_406 = arith.index_cast %add3A_302 : i32 to index
        %get3A_407 = arith.constant 128 : index
        %get3A_408 = tpu.vector_load %arg19[%get3A_406, %get3A_407] {strides = array<i32>} : memref<80x144xf32, #tpu.memory_space<vmem>>, vector<1x16xf32>,
        %get3A_409 = vector.shape_cast %get3A_408 : vector<1x16xf32> to vector<16xf32>
        %mul3A_410 = arith.mulf %gather3A_325, %get3A_409 : vector<16xf32>
        %swap3A_411 = arith.index_cast %add3A_302 : i32 to index
        %swap3A_412 = arith.constant 128 : index
        %swap3A_413 = tpu.vector_load %arg19[%swap3A_411, %swap3A_412] {strides = array<i32>} : memref<80x144xf32, #tpu.memory_space<vmem>>, vector<1x16xf32>,
        %swap3A_414 = vector.shape_cast %swap3A_413 : vector<1x16xf32> to vector<16xf32>
        %swap3A_415 = vector.shape_cast %mul3A_410 : vector<16xf32> to vector<1x16xf32>
        tpu.vector_store %arg19[%swap3A_411, %swap3A_412], %swap3A_415 {strides = array<i32>} : memref<80x144xf32, #tpu.memory_space<vmem>>, vector<1x16xf32>,
        %mul3A_416 = arith.constant 4 : i32
        %mul3A_417 = arith.muli %mul3A_416, %scan3A_185 : i32
        %add3A_418 = arith.constant 2 : i32
        %add3A_419 = arith.addi %mul3A_417, %add3A_418 : i32
        %get3A_420 = arith.index_cast %add3A_419 : i32 to index
        %get3A_421 = arith.constant 0 : index
        %get3A_422 = tpu.vector_load %arg15[%get3A_420, %get3A_421] {strides = array<i32>} : memref<80x16xf32, #tpu.memory_space<vmem>>, vector<1x16xf32>,
        %get3A_423 = vector.shape_cast %get3A_422 : vector<1x16xf32> to vector<16xf32>
        %get3A_424 = arith.index_cast %add3A_419 : i32 to index
        %get3A_425 = arith.constant 0 : index
        %get3A_426 = tpu.vector_load %arg16[%get3A_424, %get3A_425] {strides = array<i32>} : memref<80x16xf32, #tpu.memory_space<vmem>>, vector<1x16xf32>,
        %get3A_427 = vector.shape_cast %get3A_426 : vector<1x16xf32> to vector<16xf32>
        %add3A_428 = arith.addf %get3A_423, %get3A_427 : vector<16xf32>
        %ge3A_429 = arith.constant 0.000000e+00 : f32
        %ge3A_430 = vector.broadcast %ge3A_429 : f32 to vector<16xf32>
        %ge3A_431 = arith.cmpf oge, %add3A_428, %ge3A_430 : vector<16xf32>
        %mul3A_432 = arith.constant 2.000000e-01 : f32
        %mul3A_433 = vector.broadcast %mul3A_432 : f32 to vector<16xf32>
        %mul3A_434 = arith.mulf %mul3A_433, %add3A_428 : vector<16xf32>
        %select_n3A_435 = arith.select %ge3A_431, %add3A_428, %mul3A_434 : vector<16xi1>, vector<16xf32>
        %exp3A_436 = math.exp %select_n3A_435 : vector<16xf32>
        %gather3A_437 = vector.shape_cast %broadcast_in_dim3A_7 : vector<16x1xi32> to vector<16xi32>
        %gather3A_438 = tpu.dynamic_gather %exp3A_436[%gather3A_437] in [0] : vector<16xf32>, vector<16xi32> -> vector<16xf32>
        %gather3A_439 = vector.shape_cast %broadcast_in_dim3A_12 : vector<16x1xi32> to vector<16xi32>
        %gather3A_440 = tpu.dynamic_gather %exp3A_436[%gather3A_439] in [0] : vector<16xf32>, vector<16xi32> -> vector<16xf32>
        %gather3A_441 = vector.shape_cast %broadcast_in_dim3A_17 : vector<16x1xi32> to vector<16xi32>
        %gather3A_442 = tpu.dynamic_gather %exp3A_436[%gather3A_441] in [0] : vector<16xf32>, vector<16xi32> -> vector<16xf32>
        %get3A_443 = arith.index_cast %add3A_419 : i32 to index
        %get3A_444 = arith.constant 0 : index
        %get3A_445 = tpu.vector_load %arg19[%get3A_443, %get3A_444] {strides = array<i32>} : memref<80x144xf32, #tpu.memory_space<vmem>>, vector<1x16xf32>,
        %get3A_446 = vector.shape_cast %get3A_445 : vector<1x16xf32> to vector<16xf32>
        %mul3A_447 = arith.mulf %gather3A_438, %get3A_446 : vector<16xf32>
        %swap3A_448 = arith.index_cast %add3A_419 : i32 to index
        %swap3A_449 = arith.constant 0 : index
        %swap3A_450 = tpu.vector_load %arg19[%swap3A_448, %swap3A_449] {strides = array<i32>} : memref<80x144xf32, #tpu.memory_space<vmem>>, vector<1x16xf32>,
        %swap3A_451 = vector.shape_cast %swap3A_450 : vector<1x16xf32> to vector<16xf32>
        %swap3A_452 = vector.shape_cast %mul3A_447 : vector<16xf32> to vector<1x16xf32>
        tpu.vector_store %arg19[%swap3A_448, %swap3A_449], %swap3A_452 {strides = array<i32>} : memref<80x144xf32, #tpu.memory_space<vmem>>, vector<1x16xf32>,
        %get3A_453 = arith.index_cast %add3A_419 : i32 to index
        %get3A_454 = arith.constant 16 : index
        %get3A_455 = tpu.vector_load %arg19[%get3A_453, %get3A_454] {strides = array<i32>} : memref<80x144xf32, #tpu.memory_space<vmem>>, vector<1x16xf32>,
        %get3A_456 = vector.shape_cast %get3A_455 : vector<1x16xf32> to vector<16xf32>
        %mul3A_457 = arith.mulf %gather3A_438, %get3A_456 : vector<16xf32>
        %swap3A_458 = arith.index_cast %add3A_419 : i32 to index
        %swap3A_459 = arith.constant 16 : index
        %swap3A_460 = tpu.vector_load %arg19[%swap3A_458, %swap3A_459] {strides = array<i32>} : memref<80x144xf32, #tpu.memory_space<vmem>>, vector<1x16xf32>,
        %swap3A_461 = vector.shape_cast %swap3A_460 : vector<1x16xf32> to vector<16xf32>
        %swap3A_462 = vector.shape_cast %mul3A_457 : vector<16xf32> to vector<1x16xf32>
        tpu.vector_store %arg19[%swap3A_458, %swap3A_459], %swap3A_462 {strides = array<i32>} : memref<80x144xf32, #tpu.memory_space<vmem>>, vector<1x16xf32>,
        %get3A_463 = arith.index_cast %add3A_419 : i32 to index
        %get3A_464 = arith.constant 32 : index
        %get3A_465 = tpu.vector_load %arg19[%get3A_463, %get3A_464] {strides = array<i32>} : memref<80x144xf32, #tpu.memory_space<vmem>>, vector<1x16xf32>,
        %get3A_466 = vector.shape_cast %get3A_465 : vector<1x16xf32> to vector<16xf32>
        %mul3A_467 = arith.mulf %gather3A_438, %get3A_466 : vector<16xf32>
        %swap3A_468 = arith.index_cast %add3A_419 : i32 to index
        %swap3A_469 = arith.constant 32 : index
        %swap3A_470 = tpu.vector_load %arg19[%swap3A_468, %swap3A_469] {strides = array<i32>} : memref<80x144xf32, #tpu.memory_space<vmem>>, vector<1x16xf32>,
        %swap3A_471 = vector.shape_cast %swap3A_470 : vector<1x16xf32> to vector<16xf32>
        %swap3A_472 = vector.shape_cast %mul3A_467 : vector<16xf32> to vector<1x16xf32>
        tpu.vector_store %arg19[%swap3A_468, %swap3A_469], %swap3A_472 {strides = array<i32>} : memref<80x144xf32, #tpu.memory_space<vmem>>, vector<1x16xf32>,
        %get3A_473 = arith.index_cast %add3A_419 : i32 to index
        %get3A_474 = arith.constant 48 : index
        %get3A_475 = tpu.vector_load %arg19[%get3A_473, %get3A_474] {strides = array<i32>} : memref<80x144xf32, #tpu.memory_space<vmem>>, vector<1x16xf32>,
        %get3A_476 = vector.shape_cast %get3A_475 : vector<1x16xf32> to vector<16xf32>
        %mul3A_477 = arith.mulf %gather3A_440, %get3A_476 : vector<16xf32>
        %swap3A_478 = arith.index_cast %add3A_419 : i32 to index
        %swap3A_479 = arith.constant 48 : index
        %swap3A_480 = tpu.vector_load %arg19[%swap3A_478, %swap3A_479] {strides = array<i32>} : memref<80x144xf32, #tpu.memory_space<vmem>>, vector<1x16xf32>,
        %swap3A_481 = vector.shape_cast %swap3A_480 : vector<1x16xf32> to vector<16xf32>
        %swap3A_482 = vector.shape_cast %mul3A_477 : vector<16xf32> to vector<1x16xf32>
        tpu.vector_store %arg19[%swap3A_478, %swap3A_479], %swap3A_482 {strides = array<i32>} : memref<80x144xf32, #tpu.memory_space<vmem>>, vector<1x16xf32>,
        %get3A_483 = arith.index_cast %add3A_419 : i32 to index
        %get3A_484 = arith.constant 64 : index
        %get3A_485 = tpu.vector_load %arg19[%get3A_483, %get3A_484] {strides = array<i32>} : memref<80x144xf32, #tpu.memory_space<vmem>>, vector<1x16xf32>,
        %get3A_486 = vector.shape_cast %get3A_485 : vector<1x16xf32> to vector<16xf32>
        %mul3A_487 = arith.mulf %gather3A_440, %get3A_486 : vector<16xf32>
        %swap3A_488 = arith.index_cast %add3A_419 : i32 to index
        %swap3A_489 = arith.constant 64 : index
        %swap3A_490 = tpu.vector_load %arg19[%swap3A_488, %swap3A_489] {strides = array<i32>} : memref<80x144xf32, #tpu.memory_space<vmem>>, vector<1x16xf32>,
        %swap3A_491 = vector.shape_cast %swap3A_490 : vector<1x16xf32> to vector<16xf32>
        %swap3A_492 = vector.shape_cast %mul3A_487 : vector<16xf32> to vector<1x16xf32>
        tpu.vector_store %arg19[%swap3A_488, %swap3A_489], %swap3A_492 {strides = array<i32>} : memref<80x144xf32, #tpu.memory_space<vmem>>, vector<1x16xf32>,
        %get3A_493 = arith.index_cast %add3A_419 : i32 to index
        %get3A_494 = arith.constant 80 : index
        %get3A_495 = tpu.vector_load %arg19[%get3A_493, %get3A_494] {strides = array<i32>} : memref<80x144xf32, #tpu.memory_space<vmem>>, vector<1x16xf32>,
        %get3A_496 = vector.shape_cast %get3A_495 : vector<1x16xf32> to vector<16xf32>
        %mul3A_497 = arith.mulf %gather3A_440, %get3A_496 : vector<16xf32>
        %swap3A_498 = arith.index_cast %add3A_419 : i32 to index
        %swap3A_499 = arith.constant 80 : index
        %swap3A_500 = tpu.vector_load %arg19[%swap3A_498, %swap3A_499] {strides = array<i32>} : memref<80x144xf32, #tpu.memory_space<vmem>>, vector<1x16xf32>,
        %swap3A_501 = vector.shape_cast %swap3A_500 : vector<1x16xf32> to vector<16xf32>
        %swap3A_502 = vector.shape_cast %mul3A_497 : vector<16xf32> to vector<1x16xf32>
        tpu.vector_store %arg19[%swap3A_498, %swap3A_499], %swap3A_502 {strides = array<i32>} : memref<80x144xf32, #tpu.memory_space<vmem>>, vector<1x16xf32>,
        %get3A_503 = arith.index_cast %add3A_419 : i32 to index
        %get3A_504 = arith.constant 96 : index
        %get3A_505 = tpu.vector_load %arg19[%get3A_503, %get3A_504] {strides = array<i32>} : memref<80x144xf32, #tpu.memory_space<vmem>>, vector<1x16xf32>,
        %get3A_506 = vector.shape_cast %get3A_505 : vector<1x16xf32> to vector<16xf32>
        %mul3A_507 = arith.mulf %gather3A_442, %get3A_506 : vector<16xf32>
        %swap3A_508 = arith.index_cast %add3A_419 : i32 to index
        %swap3A_509 = arith.constant 96 : index
        %swap3A_510 = tpu.vector_load %arg19[%swap3A_508, %swap3A_509] {strides = array<i32>} : memref<80x144xf32, #tpu.memory_space<vmem>>, vector<1x16xf32>,
        %swap3A_511 = vector.shape_cast %swap3A_510 : vector<1x16xf32> to vector<16xf32>
        %swap3A_512 = vector.shape_cast %mul3A_507 : vector<16xf32> to vector<1x16xf32>
        tpu.vector_store %arg19[%swap3A_508, %swap3A_509], %swap3A_512 {strides = array<i32>} : memref<80x144xf32, #tpu.memory_space<vmem>>, vector<1x16xf32>,
        %get3A_513 = arith.index_cast %add3A_419 : i32 to index
        %get3A_514 = arith.constant 112 : index
        %get3A_515 = tpu.vector_load %arg19[%get3A_513, %get3A_514] {strides = array<i32>} : memref<80x144xf32, #tpu.memory_space<vmem>>, vector<1x16xf32>,
        %get3A_516 = vector.shape_cast %get3A_515 : vector<1x16xf32> to vector<16xf32>
        %mul3A_517 = arith.mulf %gather3A_442, %get3A_516 : vector<16xf32>
        %swap3A_518 = arith.index_cast %add3A_419 : i32 to index
        %swap3A_519 = arith.constant 112 : index
        %swap3A_520 = tpu.vector_load %arg19[%swap3A_518, %swap3A_519] {strides = array<i32>} : memref<80x144xf32, #tpu.memory_space<vmem>>, vector<1x16xf32>,
        %swap3A_521 = vector.shape_cast %swap3A_520 : vector<1x16xf32> to vector<16xf32>
        %swap3A_522 = vector.shape_cast %mul3A_517 : vector<16xf32> to vector<1x16xf32>
        tpu.vector_store %arg19[%swap3A_518, %swap3A_519], %swap3A_522 {strides = array<i32>} : memref<80x144xf32, #tpu.memory_space<vmem>>, vector<1x16xf32>,
        %get3A_523 = arith.index_cast %add3A_419 : i32 to index
        %get3A_524 = arith.constant 128 : index
        %get3A_525 = tpu.vector_load %arg19[%get3A_523, %get3A_524] {strides = array<i32>} : memref<80x144xf32, #tpu.memory_space<vmem>>, vector<1x16xf32>,
        %get3A_526 = vector.shape_cast %get3A_525 : vector<1x16xf32> to vector<16xf32>
        %mul3A_527 = arith.mulf %gather3A_442, %get3A_526 : vector<16xf32>
        %swap3A_528 = arith.index_cast %add3A_419 : i32 to index
        %swap3A_529 = arith.constant 128 : index
        %swap3A_530 = tpu.vector_load %arg19[%swap3A_528, %swap3A_529] {strides = array<i32>} : memref<80x144xf32, #tpu.memory_space<vmem>>, vector<1x16xf32>,
        %swap3A_531 = vector.shape_cast %swap3A_530 : vector<1x16xf32> to vector<16xf32>
        %swap3A_532 = vector.shape_cast %mul3A_527 : vector<16xf32> to vector<1x16xf32>
        tpu.vector_store %arg19[%swap3A_528, %swap3A_529], %swap3A_532 {strides = array<i32>} : memref<80x144xf32, #tpu.memory_space<vmem>>, vector<1x16xf32>,
        %mul3A_533 = arith.constant 4 : i32
        %mul3A_534 = arith.muli %mul3A_533, %scan3A_185 : i32
        %add3A_535 = arith.constant 3 : i32
        %add3A_536 = arith.addi %mul3A_534, %add3A_535 : i32
        %get3A_537 = arith.index_cast %add3A_536 : i32 to index
        %get3A_538 = arith.constant 0 : index
        %get3A_539 = tpu.vector_load %arg15[%get3A_537, %get3A_538] {strides = array<i32>} : memref<80x16xf32, #tpu.memory_space<vmem>>, vector<1x16xf32>,
        %get3A_540 = vector.shape_cast %get3A_539 : vector<1x16xf32> to vector<16xf32>
        %get3A_541 = arith.index_cast %add3A_536 : i32 to index
        %get3A_542 = arith.constant 0 : index
        %get3A_543 = tpu.vector_load %arg16[%get3A_541, %get3A_542] {strides = array<i32>} : memref<80x16xf32, #tpu.memory_space<vmem>>, vector<1x16xf32>,
        %get3A_544 = vector.shape_cast %get3A_543 : vector<1x16xf32> to vector<16xf32>
        %add3A_545 = arith.addf %get3A_540, %get3A_544 : vector<16xf32>
        %ge3A_546 = arith.constant 0.000000e+00 : f32
        %ge3A_547 = vector.broadcast %ge3A_546 : f32 to vector<16xf32>
        %ge3A_548 = arith.cmpf oge, %add3A_545, %ge3A_547 : vector<16xf32>
        %mul3A_549 = arith.constant 2.000000e-01 : f32
        %mul3A_550 = vector.broadcast %mul3A_549 : f32 to vector<16xf32>
        %mul3A_551 = arith.mulf %mul3A_550, %add3A_545 : vector<16xf32>
        %select_n3A_552 = arith.select %ge3A_548, %add3A_545, %mul3A_551 : vector<16xi1>, vector<16xf32>
        %exp3A_553 = math.exp %select_n3A_552 : vector<16xf32>
        %gather3A_554 = vector.shape_cast %broadcast_in_dim3A_7 : vector<16x1xi32> to vector<16xi32>
        %gather3A_555 = tpu.dynamic_gather %exp3A_553[%gather3A_554] in [0] : vector<16xf32>, vector<16xi32> -> vector<16xf32>
        %gather3A_556 = vector.shape_cast %broadcast_in_dim3A_12 : vector<16x1xi32> to vector<16xi32>
        %gather3A_557 = tpu.dynamic_gather %exp3A_553[%gather3A_556] in [0] : vector<16xf32>, vector<16xi32> -> vector<16xf32>
        %gather3A_558 = vector.shape_cast %broadcast_in_dim3A_17 : vector<16x1xi32> to vector<16xi32>
        %gather3A_559 = tpu.dynamic_gather %exp3A_553[%gather3A_558] in [0] : vector<16xf32>, vector<16xi32> -> vector<16xf32>
        %get3A_560 = arith.index_cast %add3A_536 : i32 to index
        %get3A_561 = arith.constant 0 : index
        %get3A_562 = tpu.vector_load %arg19[%get3A_560, %get3A_561] {strides = array<i32>} : memref<80x144xf32, #tpu.memory_space<vmem>>, vector<1x16xf32>,
        %get3A_563 = vector.shape_cast %get3A_562 : vector<1x16xf32> to vector<16xf32>
        %mul3A_564 = arith.mulf %gather3A_555, %get3A_563 : vector<16xf32>
        %swap3A_565 = arith.index_cast %add3A_536 : i32 to index
        %swap3A_566 = arith.constant 0 : index
        %swap3A_567 = tpu.vector_load %arg19[%swap3A_565, %swap3A_566] {strides = array<i32>} : memref<80x144xf32, #tpu.memory_space<vmem>>, vector<1x16xf32>,
        %swap3A_568 = vector.shape_cast %swap3A_567 : vector<1x16xf32> to vector<16xf32>
        %swap3A_569 = vector.shape_cast %mul3A_564 : vector<16xf32> to vector<1x16xf32>
        tpu.vector_store %arg19[%swap3A_565, %swap3A_566], %swap3A_569 {strides = array<i32>} : memref<80x144xf32, #tpu.memory_space<vmem>>, vector<1x16xf32>,
        %get3A_570 = arith.index_cast %add3A_536 : i32 to index
        %get3A_571 = arith.constant 16 : index
        %get3A_572 = tpu.vector_load %arg19[%get3A_570, %get3A_571] {strides = array<i32>} : memref<80x144xf32, #tpu.memory_space<vmem>>, vector<1x16xf32>,
        %get3A_573 = vector.shape_cast %get3A_572 : vector<1x16xf32> to vector<16xf32>
        %mul3A_574 = arith.mulf %gather3A_555, %get3A_573 : vector<16xf32>
        %swap3A_575 = arith.index_cast %add3A_536 : i32 to index
        %swap3A_576 = arith.constant 16 : index
        %swap3A_577 = tpu.vector_load %arg19[%swap3A_575, %swap3A_576] {strides = array<i32>} : memref<80x144xf32, #tpu.memory_space<vmem>>, vector<1x16xf32>,
        %swap3A_578 = vector.shape_cast %swap3A_577 : vector<1x16xf32> to vector<16xf32>
        %swap3A_579 = vector.shape_cast %mul3A_574 : vector<16xf32> to vector<1x16xf32>
        tpu.vector_store %arg19[%swap3A_575, %swap3A_576], %swap3A_579 {strides = array<i32>} : memref<80x144xf32, #tpu.memory_space<vmem>>, vector<1x16xf32>,
        %get3A_580 = arith.index_cast %add3A_536 : i32 to index
        %get3A_581 = arith.constant 32 : index
        %get3A_582 = tpu.vector_load %arg19[%get3A_580, %get3A_581] {strides = array<i32>} : memref<80x144xf32, #tpu.memory_space<vmem>>, vector<1x16xf32>,
        %get3A_583 = vector.shape_cast %get3A_582 : vector<1x16xf32> to vector<16xf32>
        %mul3A_584 = arith.mulf %gather3A_555, %get3A_583 : vector<16xf32>
        %swap3A_585 = arith.index_cast %add3A_536 : i32 to index
        %swap3A_586 = arith.constant 32 : index
        %swap3A_587 = tpu.vector_load %arg19[%swap3A_585, %swap3A_586] {strides = array<i32>} : memref<80x144xf32, #tpu.memory_space<vmem>>, vector<1x16xf32>,
        %swap3A_588 = vector.shape_cast %swap3A_587 : vector<1x16xf32> to vector<16xf32>
        %swap3A_589 = vector.shape_cast %mul3A_584 : vector<16xf32> to vector<1x16xf32>
        tpu.vector_store %arg19[%swap3A_585, %swap3A_586], %swap3A_589 {strides = array<i32>} : memref<80x144xf32, #tpu.memory_space<vmem>>, vector<1x16xf32>,
        %get3A_590 = arith.index_cast %add3A_536 : i32 to index
        %get3A_591 = arith.constant 48 : index
        %get3A_592 = tpu.vector_load %arg19[%get3A_590, %get3A_591] {strides = array<i32>} : memref<80x144xf32, #tpu.memory_space<vmem>>, vector<1x16xf32>,
        %get3A_593 = vector.shape_cast %get3A_592 : vector<1x16xf32> to vector<16xf32>
        %mul3A_594 = arith.mulf %gather3A_557, %get3A_593 : vector<16xf32>
        %swap3A_595 = arith.index_cast %add3A_536 : i32 to index
        %swap3A_596 = arith.constant 48 : index
        %swap3A_597 = tpu.vector_load %arg19[%swap3A_595, %swap3A_596] {strides = array<i32>} : memref<80x144xf32, #tpu.memory_space<vmem>>, vector<1x16xf32>,
        %swap3A_598 = vector.shape_cast %swap3A_597 : vector<1x16xf32> to vector<16xf32>
        %swap3A_599 = vector.shape_cast %mul3A_594 : vector<16xf32> to vector<1x16xf32>
        tpu.vector_store %arg19[%swap3A_595, %swap3A_596], %swap3A_599 {strides = array<i32>} : memref<80x144xf32, #tpu.memory_space<vmem>>, vector<1x16xf32>,
        %get3A_600 = arith.index_cast %add3A_536 : i32 to index
        %get3A_601 = arith.constant 64 : index
        %get3A_602 = tpu.vector_load %arg19[%get3A_600, %get3A_601] {strides = array<i32>} : memref<80x144xf32, #tpu.memory_space<vmem>>, vector<1x16xf32>,
        %get3A_603 = vector.shape_cast %get3A_602 : vector<1x16xf32> to vector<16xf32>
        %mul3A_604 = arith.mulf %gather3A_557, %get3A_603 : vector<16xf32>
        %swap3A_605 = arith.index_cast %add3A_536 : i32 to index
        %swap3A_606 = arith.constant 64 : index
        %swap3A_607 = tpu.vector_load %arg19[%swap3A_605, %swap3A_606] {strides = array<i32>} : memref<80x144xf32, #tpu.memory_space<vmem>>, vector<1x16xf32>,
        %swap3A_608 = vector.shape_cast %swap3A_607 : vector<1x16xf32> to vector<16xf32>
        %swap3A_609 = vector.shape_cast %mul3A_604 : vector<16xf32> to vector<1x16xf32>
        tpu.vector_store %arg19[%swap3A_605, %swap3A_606], %swap3A_609 {strides = array<i32>} : memref<80x144xf32, #tpu.memory_space<vmem>>, vector<1x16xf32>,
        %get3A_610 = arith.index_cast %add3A_536 : i32 to index
        %get3A_611 = arith.constant 80 : index
        %get3A_612 = tpu.vector_load %arg19[%get3A_610, %get3A_611] {strides = array<i32>} : memref<80x144xf32, #tpu.memory_space<vmem>>, vector<1x16xf32>,
        %get3A_613 = vector.shape_cast %get3A_612 : vector<1x16xf32> to vector<16xf32>
        %mul3A_614 = arith.mulf %gather3A_557, %get3A_613 : vector<16xf32>
        %swap3A_615 = arith.index_cast %add3A_536 : i32 to index
        %swap3A_616 = arith.constant 80 : index
        %swap3A_617 = tpu.vector_load %arg19[%swap3A_615, %swap3A_616] {strides = array<i32>} : memref<80x144xf32, #tpu.memory_space<vmem>>, vector<1x16xf32>,
        %swap3A_618 = vector.shape_cast %swap3A_617 : vector<1x16xf32> to vector<16xf32>
        %swap3A_619 = vector.shape_cast %mul3A_614 : vector<16xf32> to vector<1x16xf32>
        tpu.vector_store %arg19[%swap3A_615, %swap3A_616], %swap3A_619 {strides = array<i32>} : memref<80x144xf32, #tpu.memory_space<vmem>>, vector<1x16xf32>,
        %get3A_620 = arith.index_cast %add3A_536 : i32 to index
        %get3A_621 = arith.constant 96 : index
        %get3A_622 = tpu.vector_load %arg19[%get3A_620, %get3A_621] {strides = array<i32>} : memref<80x144xf32, #tpu.memory_space<vmem>>, vector<1x16xf32>,
        %get3A_623 = vector.shape_cast %get3A_622 : vector<1x16xf32> to vector<16xf32>
        %mul3A_624 = arith.mulf %gather3A_559, %get3A_623 : vector<16xf32>
        %swap3A_625 = arith.index_cast %add3A_536 : i32 to index
        %swap3A_626 = arith.constant 96 : index
        %swap3A_627 = tpu.vector_load %arg19[%swap3A_625, %swap3A_626] {strides = array<i32>} : memref<80x144xf32, #tpu.memory_space<vmem>>, vector<1x16xf32>,
        %swap3A_628 = vector.shape_cast %swap3A_627 : vector<1x16xf32> to vector<16xf32>
        %swap3A_629 = vector.shape_cast %mul3A_624 : vector<16xf32> to vector<1x16xf32>
        tpu.vector_store %arg19[%swap3A_625, %swap3A_626], %swap3A_629 {strides = array<i32>} : memref<80x144xf32, #tpu.memory_space<vmem>>, vector<1x16xf32>,
        %get3A_630 = arith.index_cast %add3A_536 : i32 to index
        %get3A_631 = arith.constant 112 : index
        %get3A_632 = tpu.vector_load %arg19[%get3A_630, %get3A_631] {strides = array<i32>} : memref<80x144xf32, #tpu.memory_space<vmem>>, vector<1x16xf32>,
        %get3A_633 = vector.shape_cast %get3A_632 : vector<1x16xf32> to vector<16xf32>
        %mul3A_634 = arith.mulf %gather3A_559, %get3A_633 : vector<16xf32>
        %swap3A_635 = arith.index_cast %add3A_536 : i32 to index
        %swap3A_636 = arith.constant 112 : index
        %swap3A_637 = tpu.vector_load %arg19[%swap3A_635, %swap3A_636] {strides = array<i32>} : memref<80x144xf32, #tpu.memory_space<vmem>>, vector<1x16xf32>,
        %swap3A_638 = vector.shape_cast %swap3A_637 : vector<1x16xf32> to vector<16xf32>
        %swap3A_639 = vector.shape_cast %mul3A_634 : vector<16xf32> to vector<1x16xf32>
        tpu.vector_store %arg19[%swap3A_635, %swap3A_636], %swap3A_639 {strides = array<i32>} : memref<80x144xf32, #tpu.memory_space<vmem>>, vector<1x16xf32>,
        %get3A_640 = arith.index_cast %add3A_536 : i32 to index
        %get3A_641 = arith.constant 128 : index
        %get3A_642 = tpu.vector_load %arg19[%get3A_640, %get3A_641] {strides = array<i32>} : memref<80x144xf32, #tpu.memory_space<vmem>>, vector<1x16xf32>,
        %get3A_643 = vector.shape_cast %get3A_642 : vector<1x16xf32> to vector<16xf32>
        %mul3A_644 = arith.mulf %gather3A_559, %get3A_643 : vector<16xf32>
        %swap3A_645 = arith.index_cast %add3A_536 : i32 to index
        %swap3A_646 = arith.constant 128 : index
        %swap3A_647 = tpu.vector_load %arg19[%swap3A_645, %swap3A_646] {strides = array<i32>} : memref<80x144xf32, #tpu.memory_space<vmem>>, vector<1x16xf32>,
        %swap3A_648 = vector.shape_cast %swap3A_647 : vector<1x16xf32> to vector<16xf32>
        %swap3A_649 = vector.shape_cast %mul3A_644 : vector<16xf32> to vector<1x16xf32>
        tpu.vector_store %arg19[%swap3A_645, %swap3A_646], %swap3A_649 {strides = array<i32>} : memref<80x144xf32, #tpu.memory_space<vmem>>, vector<1x16xf32>,
      }
      %scan3A_157 = arith.constant 20 : i32
      %dma_start3A_158 = arith.constant 0 : i32
      %dma_start3A_159 = arith.constant 0 : i32
      %dma_start3A_160 = tpu.memref_slice %arg21[%dma_start3A_158, %dma_start3A_159] : memref<10240x144xf32, #tpu.memory_space<vmem_shared>> -> memref<10240x144xf32, #tpu.memory_space<vmem_shared>>
      tpu.enqueue_indirect_dma source(%arg19 : memref<80x144xf32, #tpu.memory_space<vmem>>) target(%dma_start3A_160 : memref<10240x144xf32, #tpu.memory_space<vmem_shared>>) offsets(%arg10 : memref<80xi32, #tpu.memory_space<vmem>>) semaphore(%arg28 : memref<!tpu.dma_semaphore, #tpu.memory_space<semaphore_mem>>) {add = true}
      %dma_wait3A_161 = arith.constant 0 : i32
      %dma_wait3A_162 = arith.constant 0 : i32
      %dma_wait3A_163 = tpu.memref_slice %arg6[%dma_wait3A_161, %dma_wait3A_162] : memref<20000x144xf32, #tpu.memory_space<hbm>> -> memref<20000x144xf32, #tpu.memory_space<hbm>>
      tpu.wait_indirect_dma semaphore(%arg25 : memref<!tpu.dma_semaphore, #tpu.memory_space<semaphore_mem>>) src(%dma_wait3A_163 : memref<20000x144xf32, #tpu.memory_space<hbm>>) dst(%arg20 : memref<80x144xf32, #tpu.memory_space<vmem>>)
      %dma_wait3A_164 = arith.constant 0 : i32
      %dma_wait3A_165 = arith.constant 0 : i32
      %dma_wait3A_166 = tpu.memref_slice %arg4[%dma_wait3A_164, %dma_wait3A_165] : memref<10000x16xf32, #tpu.memory_space<hbm>> -> memref<10000x16xf32, #tpu.memory_space<hbm>>
      tpu.wait_indirect_dma semaphore(%arg26 : memref<!tpu.dma_semaphore, #tpu.memory_space<semaphore_mem>>) src(%dma_wait3A_166 : memref<10000x16xf32, #tpu.memory_space<hbm>>) dst(%arg17 : memref<80x16xf32, #tpu.memory_space<vmem>>)
      %dma_wait3A_167 = arith.constant 0 : i32
      %dma_wait3A_168 = arith.constant 0 : i32
      %dma_wait3A_169 = tpu.memref_slice %arg5[%dma_wait3A_167, %dma_wait3A_168] : memref<10000x16xf32, #tpu.memory_space<hbm>> -> memref<10000x16xf32, #tpu.memory_space<hbm>>
      tpu.wait_indirect_dma semaphore(%arg27 : memref<!tpu.dma_semaphore, #tpu.memory_space<semaphore_mem>>) src(%dma_wait3A_169 : memref<10000x16xf32, #tpu.memory_space<hbm>>) dst(%arg18 : memref<80x16xf32, #tpu.memory_space<vmem>>)
      %scan3A_170 = arith.constant 0 : i32
      %scan3A_171 = arith.constant 0 : i32
      %scan3A_172 = arith.constant 20 : i32
      %scan3A_173 = arith.addi %scan3A_171, %scan3A_172 : i32
      %scan3A_174 = arith.constant 1 : i32
      scf.for %scan3A_185 = %scan3A_171 to %scan3A_173 step %scan3A_174  : i32 {
        %mul3A_186 = arith.constant 4 : i32
        %mul3A_187 = arith.muli %mul3A_186, %scan3A_185 : i32
        %add3A_188 = arith.constant 0 : i32
        %add3A_189 = arith.addi %mul3A_187, %add3A_188 : i32
        %get3A_190 = arith.index_cast %add3A_189 : i32 to index
        %get3A_191 = arith.constant 0 : index
        %get3A_192 = tpu.vector_load %arg17[%get3A_190, %get3A_191] {strides = array<i32>} : memref<80x16xf32, #tpu.memory_space<vmem>>, vector<1x16xf32>,
        %get3A_193 = vector.shape_cast %get3A_192 : vector<1x16xf32> to vector<16xf32>
        %get3A_194 = arith.index_cast %add3A_189 : i32 to index
        %get3A_195 = arith.constant 0 : index
        %get3A_196 = tpu.vector_load %arg18[%get3A_194, %get3A_195] {strides = array<i32>} : memref<80x16xf32, #tpu.memory_space<vmem>>, vector<1x16xf32>,
        %get3A_197 = vector.shape_cast %get3A_196 : vector<1x16xf32> to vector<16xf32>
        %add3A_198 = arith.addf %get3A_193, %get3A_197 : vector<16xf32>
        %ge3A = arith.constant 0.000000e+00 : f32
        %ge3A_199 = vector.broadcast %ge3A : f32 to vector<16xf32>
        %ge3A_200 = arith.cmpf oge, %add3A_198, %ge3A_199 : vector<16xf32>
        %mul3A_201 = arith.constant 2.000000e-01 : f32
        %mul3A_202 = vector.broadcast %mul3A_201 : f32 to vector<16xf32>
        %mul3A_203 = arith.mulf %mul3A_202, %add3A_198 : vector<16xf32>
        %select_n3A = arith.select %ge3A_200, %add3A_198, %mul3A_203 : vector<16xi1>, vector<16xf32>
        %exp3A = math.exp %select_n3A : vector<16xf32>
        %gather3A = vector.shape_cast %broadcast_in_dim3A_7 : vector<16x1xi32> to vector<16xi32>
        %gather3A_204 = tpu.dynamic_gather %exp3A[%gather3A] in [0] : vector<16xf32>, vector<16xi32> -> vector<16xf32>
        %gather3A_205 = vector.shape_cast %broadcast_in_dim3A_12 : vector<16x1xi32> to vector<16xi32>
        %gather3A_206 = tpu.dynamic_gather %exp3A[%gather3A_205] in [0] : vector<16xf32>, vector<16xi32> -> vector<16xf32>
        %gather3A_207 = vector.shape_cast %broadcast_in_dim3A_17 : vector<16x1xi32> to vector<16xi32>
        %gather3A_208 = tpu.dynamic_gather %exp3A[%gather3A_207] in [0] : vector<16xf32>, vector<16xi32> -> vector<16xf32>
        %get3A_209 = arith.index_cast %add3A_189 : i32 to index
        %get3A_210 = arith.constant 0 : index
        %get3A_211 = tpu.vector_load %arg20[%get3A_209, %get3A_210] {strides = array<i32>} : memref<80x144xf32, #tpu.memory_space<vmem>>, vector<1x16xf32>,
        %get3A_212 = vector.shape_cast %get3A_211 : vector<1x16xf32> to vector<16xf32>
        %mul3A_213 = arith.mulf %gather3A_204, %get3A_212 : vector<16xf32>
        %swap3A_214 = arith.index_cast %add3A_189 : i32 to index
        %swap3A_215 = arith.constant 0 : index
        %swap3A_216 = tpu.vector_load %arg20[%swap3A_214, %swap3A_215] {strides = array<i32>} : memref<80x144xf32, #tpu.memory_space<vmem>>, vector<1x16xf32>,
        %swap3A_217 = vector.shape_cast %swap3A_216 : vector<1x16xf32> to vector<16xf32>
        %swap3A_218 = vector.shape_cast %mul3A_213 : vector<16xf32> to vector<1x16xf32>
        tpu.vector_store %arg20[%swap3A_214, %swap3A_215], %swap3A_218 {strides = array<i32>} : memref<80x144xf32, #tpu.memory_space<vmem>>, vector<1x16xf32>,
        %get3A_219 = arith.index_cast %add3A_189 : i32 to index
        %get3A_220 = arith.constant 16 : index
        %get3A_221 = tpu.vector_load %arg20[%get3A_219, %get3A_220] {strides = array<i32>} : memref<80x144xf32, #tpu.memory_space<vmem>>, vector<1x16xf32>,
        %get3A_222 = vector.shape_cast %get3A_221 : vector<1x16xf32> to vector<16xf32>
        %mul3A_223 = arith.mulf %gather3A_204, %get3A_222 : vector<16xf32>
        %swap3A_224 = arith.index_cast %add3A_189 : i32 to index
        %swap3A_225 = arith.constant 16 : index
        %swap3A_226 = tpu.vector_load %arg20[%swap3A_224, %swap3A_225] {strides = array<i32>} : memref<80x144xf32, #tpu.memory_space<vmem>>, vector<1x16xf32>,
        %swap3A_227 = vector.shape_cast %swap3A_226 : vector<1x16xf32> to vector<16xf32>
        %swap3A_228 = vector.shape_cast %mul3A_223 : vector<16xf32> to vector<1x16xf32>
        tpu.vector_store %arg20[%swap3A_224, %swap3A_225], %swap3A_228 {strides = array<i32>} : memref<80x144xf32, #tpu.memory_space<vmem>>, vector<1x16xf32>,
        %get3A_229 = arith.index_cast %add3A_189 : i32 to index
        %get3A_230 = arith.constant 32 : index
        %get3A_231 = tpu.vector_load %arg20[%get3A_229, %get3A_230] {strides = array<i32>} : memref<80x144xf32, #tpu.memory_space<vmem>>, vector<1x16xf32>,
        %get3A_232 = vector.shape_cast %get3A_231 : vector<1x16xf32> to vector<16xf32>
        %mul3A_233 = arith.mulf %gather3A_204, %get3A_232 : vector<16xf32>
        %swap3A_234 = arith.index_cast %add3A_189 : i32 to index
        %swap3A_235 = arith.constant 32 : index
        %swap3A_236 = tpu.vector_load %arg20[%swap3A_234, %swap3A_235] {strides = array<i32>} : memref<80x144xf32, #tpu.memory_space<vmem>>, vector<1x16xf32>,
        %swap3A_237 = vector.shape_cast %swap3A_236 : vector<1x16xf32> to vector<16xf32>
        %swap3A_238 = vector.shape_cast %mul3A_233 : vector<16xf32> to vector<1x16xf32>
        tpu.vector_store %arg20[%swap3A_234, %swap3A_235], %swap3A_238 {strides = array<i32>} : memref<80x144xf32, #tpu.memory_space<vmem>>, vector<1x16xf32>,
        %get3A_239 = arith.index_cast %add3A_189 : i32 to index
        %get3A_240 = arith.constant 48 : index
        %get3A_241 = tpu.vector_load %arg20[%get3A_239, %get3A_240] {strides = array<i32>} : memref<80x144xf32, #tpu.memory_space<vmem>>, vector<1x16xf32>,
        %get3A_242 = vector.shape_cast %get3A_241 : vector<1x16xf32> to vector<16xf32>
        %mul3A_243 = arith.mulf %gather3A_206, %get3A_242 : vector<16xf32>
        %swap3A_244 = arith.index_cast %add3A_189 : i32 to index
        %swap3A_245 = arith.constant 48 : index
        %swap3A_246 = tpu.vector_load %arg20[%swap3A_244, %swap3A_245] {strides = array<i32>} : memref<80x144xf32, #tpu.memory_space<vmem>>, vector<1x16xf32>,
        %swap3A_247 = vector.shape_cast %swap3A_246 : vector<1x16xf32> to vector<16xf32>
        %swap3A_248 = vector.shape_cast %mul3A_243 : vector<16xf32> to vector<1x16xf32>
        tpu.vector_store %arg20[%swap3A_244, %swap3A_245], %swap3A_248 {strides = array<i32>} : memref<80x144xf32, #tpu.memory_space<vmem>>, vector<1x16xf32>,
        %get3A_249 = arith.index_cast %add3A_189 : i32 to index
        %get3A_250 = arith.constant 64 : index
        %get3A_251 = tpu.vector_load %arg20[%get3A_249, %get3A_250] {strides = array<i32>} : memref<80x144xf32, #tpu.memory_space<vmem>>, vector<1x16xf32>,
        %get3A_252 = vector.shape_cast %get3A_251 : vector<1x16xf32> to vector<16xf32>
        %mul3A_253 = arith.mulf %gather3A_206, %get3A_252 : vector<16xf32>
        %swap3A_254 = arith.index_cast %add3A_189 : i32 to index
        %swap3A_255 = arith.constant 64 : index
        %swap3A_256 = tpu.vector_load %arg20[%swap3A_254, %swap3A_255] {strides = array<i32>} : memref<80x144xf32, #tpu.memory_space<vmem>>, vector<1x16xf32>,
        %swap3A_257 = vector.shape_cast %swap3A_256 : vector<1x16xf32> to vector<16xf32>
        %swap3A_258 = vector.shape_cast %mul3A_253 : vector<16xf32> to vector<1x16xf32>
        tpu.vector_store %arg20[%swap3A_254, %swap3A_255], %swap3A_258 {strides = array<i32>} : memref<80x144xf32, #tpu.memory_space<vmem>>, vector<1x16xf32>,
        %get3A_259 = arith.index_cast %add3A_189 : i32 to index
        %get3A_260 = arith.constant 80 : index
        %get3A_261 = tpu.vector_load %arg20[%get3A_259, %get3A_260] {strides = array<i32>} : memref<80x144xf32, #tpu.memory_space<vmem>>, vector<1x16xf32>,
        %get3A_262 = vector.shape_cast %get3A_261 : vector<1x16xf32> to vector<16xf32>
        %mul3A_263 = arith.mulf %gather3A_206, %get3A_262 : vector<16xf32>
        %swap3A_264 = arith.index_cast %add3A_189 : i32 to index
        %swap3A_265 = arith.constant 80 : index
        %swap3A_266 = tpu.vector_load %arg20[%swap3A_264, %swap3A_265] {strides = array<i32>} : memref<80x144xf32, #tpu.memory_space<vmem>>, vector<1x16xf32>,
        %swap3A_267 = vector.shape_cast %swap3A_266 : vector<1x16xf32> to vector<16xf32>
        %swap3A_268 = vector.shape_cast %mul3A_263 : vector<16xf32> to vector<1x16xf32>
        tpu.vector_store %arg20[%swap3A_264, %swap3A_265], %swap3A_268 {strides = array<i32>} : memref<80x144xf32, #tpu.memory_space<vmem>>, vector<1x16xf32>,
        %get3A_269 = arith.index_cast %add3A_189 : i32 to index
        %get3A_270 = arith.constant 96 : index
        %get3A_271 = tpu.vector_load %arg20[%get3A_269, %get3A_270] {strides = array<i32>} : memref<80x144xf32, #tpu.memory_space<vmem>>, vector<1x16xf32>,
        %get3A_272 = vector.shape_cast %get3A_271 : vector<1x16xf32> to vector<16xf32>
        %mul3A_273 = arith.mulf %gather3A_208, %get3A_272 : vector<16xf32>
        %swap3A_274 = arith.index_cast %add3A_189 : i32 to index
        %swap3A_275 = arith.constant 96 : index
        %swap3A_276 = tpu.vector_load %arg20[%swap3A_274, %swap3A_275] {strides = array<i32>} : memref<80x144xf32, #tpu.memory_space<vmem>>, vector<1x16xf32>,
        %swap3A_277 = vector.shape_cast %swap3A_276 : vector<1x16xf32> to vector<16xf32>
        %swap3A_278 = vector.shape_cast %mul3A_273 : vector<16xf32> to vector<1x16xf32>
        tpu.vector_store %arg20[%swap3A_274, %swap3A_275], %swap3A_278 {strides = array<i32>} : memref<80x144xf32, #tpu.memory_space<vmem>>, vector<1x16xf32>,
        %get3A_279 = arith.index_cast %add3A_189 : i32 to index
        %get3A_280 = arith.constant 112 : index
        %get3A_281 = tpu.vector_load %arg20[%get3A_279, %get3A_280] {strides = array<i32>} : memref<80x144xf32, #tpu.memory_space<vmem>>, vector<1x16xf32>,
        %get3A_282 = vector.shape_cast %get3A_281 : vector<1x16xf32> to vector<16xf32>
        %mul3A_283 = arith.mulf %gather3A_208, %get3A_282 : vector<16xf32>
        %swap3A_284 = arith.index_cast %add3A_189 : i32 to index
        %swap3A_285 = arith.constant 112 : index
        %swap3A_286 = tpu.vector_load %arg20[%swap3A_284, %swap3A_285] {strides = array<i32>} : memref<80x144xf32, #tpu.memory_space<vmem>>, vector<1x16xf32>,
        %swap3A_287 = vector.shape_cast %swap3A_286 : vector<1x16xf32> to vector<16xf32>
        %swap3A_288 = vector.shape_cast %mul3A_283 : vector<16xf32> to vector<1x16xf32>
        tpu.vector_store %arg20[%swap3A_284, %swap3A_285], %swap3A_288 {strides = array<i32>} : memref<80x144xf32, #tpu.memory_space<vmem>>, vector<1x16xf32>,
        %get3A_289 = arith.index_cast %add3A_189 : i32 to index
        %get3A_290 = arith.constant 128 : index
        %get3A_291 = tpu.vector_load %arg20[%get3A_289, %get3A_290] {strides = array<i32>} : memref<80x144xf32, #tpu.memory_space<vmem>>, vector<1x16xf32>,
        %get3A_292 = vector.shape_cast %get3A_291 : vector<1x16xf32> to vector<16xf32>
        %mul3A_293 = arith.mulf %gather3A_208, %get3A_292 : vector<16xf32>
        %swap3A_294 = arith.index_cast %add3A_189 : i32 to index
        %swap3A_295 = arith.constant 128 : index
        %swap3A_296 = tpu.vector_load %arg20[%swap3A_294, %swap3A_295] {strides = array<i32>} : memref<80x144xf32, #tpu.memory_space<vmem>>, vector<1x16xf32>,
        %swap3A_297 = vector.shape_cast %swap3A_296 : vector<1x16xf32> to vector<16xf32>
        %swap3A_298 = vector.shape_cast %mul3A_293 : vector<16xf32> to vector<1x16xf32>
        tpu.vector_store %arg20[%swap3A_294, %swap3A_295], %swap3A_298 {strides = array<i32>} : memref<80x144xf32, #tpu.memory_space<vmem>>, vector<1x16xf32>,
        %mul3A_299 = arith.constant 4 : i32
        %mul3A_300 = arith.muli %mul3A_299, %scan3A_185 : i32
        %add3A_301 = arith.constant 1 : i32
        %add3A_302 = arith.addi %mul3A_300, %add3A_301 : i32
        %get3A_303 = arith.index_cast %add3A_302 : i32 to index
        %get3A_304 = arith.constant 0 : index
        %get3A_305 = tpu.vector_load %arg17[%get3A_303, %get3A_304] {strides = array<i32>} : memref<80x16xf32, #tpu.memory_space<vmem>>, vector<1x16xf32>,
        %get3A_306 = vector.shape_cast %get3A_305 : vector<1x16xf32> to vector<16xf32>
        %get3A_307 = arith.index_cast %add3A_302 : i32 to index
        %get3A_308 = arith.constant 0 : index
        %get3A_309 = tpu.vector_load %arg18[%get3A_307, %get3A_308] {strides = array<i32>} : memref<80x16xf32, #tpu.memory_space<vmem>>, vector<1x16xf32>,
        %get3A_310 = vector.shape_cast %get3A_309 : vector<1x16xf32> to vector<16xf32>
        %add3A_311 = arith.addf %get3A_306, %get3A_310 : vector<16xf32>
        %ge3A_312 = arith.constant 0.000000e+00 : f32
        %ge3A_313 = vector.broadcast %ge3A_312 : f32 to vector<16xf32>
        %ge3A_314 = arith.cmpf oge, %add3A_311, %ge3A_313 : vector<16xf32>
        %mul3A_315 = arith.constant 2.000000e-01 : f32
        %mul3A_316 = vector.broadcast %mul3A_315 : f32 to vector<16xf32>
        %mul3A_317 = arith.mulf %mul3A_316, %add3A_311 : vector<16xf32>
        %select_n3A_318 = arith.select %ge3A_314, %add3A_311, %mul3A_317 : vector<16xi1>, vector<16xf32>
        %exp3A_319 = math.exp %select_n3A_318 : vector<16xf32>
        %gather3A_320 = vector.shape_cast %broadcast_in_dim3A_7 : vector<16x1xi32> to vector<16xi32>
        %gather3A_321 = tpu.dynamic_gather %exp3A_319[%gather3A_320] in [0] : vector<16xf32>, vector<16xi32> -> vector<16xf32>
        %gather3A_322 = vector.shape_cast %broadcast_in_dim3A_12 : vector<16x1xi32> to vector<16xi32>
        %gather3A_323 = tpu.dynamic_gather %exp3A_319[%gather3A_322] in [0] : vector<16xf32>, vector<16xi32> -> vector<16xf32>
        %gather3A_324 = vector.shape_cast %broadcast_in_dim3A_17 : vector<16x1xi32> to vector<16xi32>
        %gather3A_325 = tpu.dynamic_gather %exp3A_319[%gather3A_324] in [0] : vector<16xf32>, vector<16xi32> -> vector<16xf32>
        %get3A_326 = arith.index_cast %add3A_302 : i32 to index
        %get3A_327 = arith.constant 0 : index
        %get3A_328 = tpu.vector_load %arg20[%get3A_326, %get3A_327] {strides = array<i32>} : memref<80x144xf32, #tpu.memory_space<vmem>>, vector<1x16xf32>,
        %get3A_329 = vector.shape_cast %get3A_328 : vector<1x16xf32> to vector<16xf32>
        %mul3A_330 = arith.mulf %gather3A_321, %get3A_329 : vector<16xf32>
        %swap3A_331 = arith.index_cast %add3A_302 : i32 to index
        %swap3A_332 = arith.constant 0 : index
        %swap3A_333 = tpu.vector_load %arg20[%swap3A_331, %swap3A_332] {strides = array<i32>} : memref<80x144xf32, #tpu.memory_space<vmem>>, vector<1x16xf32>,
        %swap3A_334 = vector.shape_cast %swap3A_333 : vector<1x16xf32> to vector<16xf32>
        %swap3A_335 = vector.shape_cast %mul3A_330 : vector<16xf32> to vector<1x16xf32>
        tpu.vector_store %arg20[%swap3A_331, %swap3A_332], %swap3A_335 {strides = array<i32>} : memref<80x144xf32, #tpu.memory_space<vmem>>, vector<1x16xf32>,
        %get3A_336 = arith.index_cast %add3A_302 : i32 to index
        %get3A_337 = arith.constant 16 : index
        %get3A_338 = tpu.vector_load %arg20[%get3A_336, %get3A_337] {strides = array<i32>} : memref<80x144xf32, #tpu.memory_space<vmem>>, vector<1x16xf32>,
        %get3A_339 = vector.shape_cast %get3A_338 : vector<1x16xf32> to vector<16xf32>
        %mul3A_340 = arith.mulf %gather3A_321, %get3A_339 : vector<16xf32>
        %swap3A_341 = arith.index_cast %add3A_302 : i32 to index
        %swap3A_342 = arith.constant 16 : index
        %swap3A_343 = tpu.vector_load %arg20[%swap3A_341, %swap3A_342] {strides = array<i32>} : memref<80x144xf32, #tpu.memory_space<vmem>>, vector<1x16xf32>,
        %swap3A_344 = vector.shape_cast %swap3A_343 : vector<1x16xf32> to vector<16xf32>
        %swap3A_345 = vector.shape_cast %mul3A_340 : vector<16xf32> to vector<1x16xf32>
        tpu.vector_store %arg20[%swap3A_341, %swap3A_342], %swap3A_345 {strides = array<i32>} : memref<80x144xf32, #tpu.memory_space<vmem>>, vector<1x16xf32>,
        %get3A_346 = arith.index_cast %add3A_302 : i32 to index
        %get3A_347 = arith.constant 32 : index
        %get3A_348 = tpu.vector_load %arg20[%get3A_346, %get3A_347] {strides = array<i32>} : memref<80x144xf32, #tpu.memory_space<vmem>>, vector<1x16xf32>,
        %get3A_349 = vector.shape_cast %get3A_348 : vector<1x16xf32> to vector<16xf32>
        %mul3A_350 = arith.mulf %gather3A_321, %get3A_349 : vector<16xf32>
        %swap3A_351 = arith.index_cast %add3A_302 : i32 to index
        %swap3A_352 = arith.constant 32 : index
        %swap3A_353 = tpu.vector_load %arg20[%swap3A_351, %swap3A_352] {strides = array<i32>} : memref<80x144xf32, #tpu.memory_space<vmem>>, vector<1x16xf32>,
        %swap3A_354 = vector.shape_cast %swap3A_353 : vector<1x16xf32> to vector<16xf32>
        %swap3A_355 = vector.shape_cast %mul3A_350 : vector<16xf32> to vector<1x16xf32>
        tpu.vector_store %arg20[%swap3A_351, %swap3A_352], %swap3A_355 {strides = array<i32>} : memref<80x144xf32, #tpu.memory_space<vmem>>, vector<1x16xf32>,
        %get3A_356 = arith.index_cast %add3A_302 : i32 to index
        %get3A_357 = arith.constant 48 : index
        %get3A_358 = tpu.vector_load %arg20[%get3A_356, %get3A_357] {strides = array<i32>} : memref<80x144xf32, #tpu.memory_space<vmem>>, vector<1x16xf32>,
        %get3A_359 = vector.shape_cast %get3A_358 : vector<1x16xf32> to vector<16xf32>
        %mul3A_360 = arith.mulf %gather3A_323, %get3A_359 : vector<16xf32>
        %swap3A_361 = arith.index_cast %add3A_302 : i32 to index
        %swap3A_362 = arith.constant 48 : index
        %swap3A_363 = tpu.vector_load %arg20[%swap3A_361, %swap3A_362] {strides = array<i32>} : memref<80x144xf32, #tpu.memory_space<vmem>>, vector<1x16xf32>,
        %swap3A_364 = vector.shape_cast %swap3A_363 : vector<1x16xf32> to vector<16xf32>
        %swap3A_365 = vector.shape_cast %mul3A_360 : vector<16xf32> to vector<1x16xf32>
        tpu.vector_store %arg20[%swap3A_361, %swap3A_362], %swap3A_365 {strides = array<i32>} : memref<80x144xf32, #tpu.memory_space<vmem>>, vector<1x16xf32>,
        %get3A_366 = arith.index_cast %add3A_302 : i32 to index
        %get3A_367 = arith.constant 64 : index
        %get3A_368 = tpu.vector_load %arg20[%get3A_366, %get3A_367] {strides = array<i32>} : memref<80x144xf32, #tpu.memory_space<vmem>>, vector<1x16xf32>,
        %get3A_369 = vector.shape_cast %get3A_368 : vector<1x16xf32> to vector<16xf32>
        %mul3A_370 = arith.mulf %gather3A_323, %get3A_369 : vector<16xf32>
        %swap3A_371 = arith.index_cast %add3A_302 : i32 to index
        %swap3A_372 = arith.constant 64 : index
        %swap3A_373 = tpu.vector_load %arg20[%swap3A_371, %swap3A_372] {strides = array<i32>} : memref<80x144xf32, #tpu.memory_space<vmem>>, vector<1x16xf32>,
        %swap3A_374 = vector.shape_cast %swap3A_373 : vector<1x16xf32> to vector<16xf32>
        %swap3A_375 = vector.shape_cast %mul3A_370 : vector<16xf32> to vector<1x16xf32>
        tpu.vector_store %arg20[%swap3A_371, %swap3A_372], %swap3A_375 {strides = array<i32>} : memref<80x144xf32, #tpu.memory_space<vmem>>, vector<1x16xf32>,
        %get3A_376 = arith.index_cast %add3A_302 : i32 to index
        %get3A_377 = arith.constant 80 : index
        %get3A_378 = tpu.vector_load %arg20[%get3A_376, %get3A_377] {strides = array<i32>} : memref<80x144xf32, #tpu.memory_space<vmem>>, vector<1x16xf32>,
        %get3A_379 = vector.shape_cast %get3A_378 : vector<1x16xf32> to vector<16xf32>
        %mul3A_380 = arith.mulf %gather3A_323, %get3A_379 : vector<16xf32>
        %swap3A_381 = arith.index_cast %add3A_302 : i32 to index
        %swap3A_382 = arith.constant 80 : index
        %swap3A_383 = tpu.vector_load %arg20[%swap3A_381, %swap3A_382] {strides = array<i32>} : memref<80x144xf32, #tpu.memory_space<vmem>>, vector<1x16xf32>,
        %swap3A_384 = vector.shape_cast %swap3A_383 : vector<1x16xf32> to vector<16xf32>
        %swap3A_385 = vector.shape_cast %mul3A_380 : vector<16xf32> to vector<1x16xf32>
        tpu.vector_store %arg20[%swap3A_381, %swap3A_382], %swap3A_385 {strides = array<i32>} : memref<80x144xf32, #tpu.memory_space<vmem>>, vector<1x16xf32>,
        %get3A_386 = arith.index_cast %add3A_302 : i32 to index
        %get3A_387 = arith.constant 96 : index
        %get3A_388 = tpu.vector_load %arg20[%get3A_386, %get3A_387] {strides = array<i32>} : memref<80x144xf32, #tpu.memory_space<vmem>>, vector<1x16xf32>,
        %get3A_389 = vector.shape_cast %get3A_388 : vector<1x16xf32> to vector<16xf32>
        %mul3A_390 = arith.mulf %gather3A_325, %get3A_389 : vector<16xf32>
        %swap3A_391 = arith.index_cast %add3A_302 : i32 to index
        %swap3A_392 = arith.constant 96 : index
        %swap3A_393 = tpu.vector_load %arg20[%swap3A_391, %swap3A_392] {strides = array<i32>} : memref<80x144xf32, #tpu.memory_space<vmem>>, vector<1x16xf32>,
        %swap3A_394 = vector.shape_cast %swap3A_393 : vector<1x16xf32> to vector<16xf32>
        %swap3A_395 = vector.shape_cast %mul3A_390 : vector<16xf32> to vector<1x16xf32>
        tpu.vector_store %arg20[%swap3A_391, %swap3A_392], %swap3A_395 {strides = array<i32>} : memref<80x144xf32, #tpu.memory_space<vmem>>, vector<1x16xf32>,
        %get3A_396 = arith.index_cast %add3A_302 : i32 to index
        %get3A_397 = arith.constant 112 : index
        %get3A_398 = tpu.vector_load %arg20[%get3A_396, %get3A_397] {strides = array<i32>} : memref<80x144xf32, #tpu.memory_space<vmem>>, vector<1x16xf32>,
        %get3A_399 = vector.shape_cast %get3A_398 : vector<1x16xf32> to vector<16xf32>
        %mul3A_400 = arith.mulf %gather3A_325, %get3A_399 : vector<16xf32>
        %swap3A_401 = arith.index_cast %add3A_302 : i32 to index
        %swap3A_402 = arith.constant 112 : index
        %swap3A_403 = tpu.vector_load %arg20[%swap3A_401, %swap3A_402] {strides = array<i32>} : memref<80x144xf32, #tpu.memory_space<vmem>>, vector<1x16xf32>,
        %swap3A_404 = vector.shape_cast %swap3A_403 : vector<1x16xf32> to vector<16xf32>
        %swap3A_405 = vector.shape_cast %mul3A_400 : vector<16xf32> to vector<1x16xf32>
        tpu.vector_store %arg20[%swap3A_401, %swap3A_402], %swap3A_405 {strides = array<i32>} : memref<80x144xf32, #tpu.memory_space<vmem>>, vector<1x16xf32>,
        %get3A_406 = arith.index_cast %add3A_302 : i32 to index
        %get3A_407 = arith.constant 128 : index
        %get3A_408 = tpu.vector_load %arg20[%get3A_406, %get3A_407] {strides = array<i32>} : memref<80x144xf32, #tpu.memory_space<vmem>>, vector<1x16xf32>,
        %get3A_409 = vector.shape_cast %get3A_408 : vector<1x16xf32> to vector<16xf32>
        %mul3A_410 = arith.mulf %gather3A_325, %get3A_409 : vector<16xf32>
        %swap3A_411 = arith.index_cast %add3A_302 : i32 to index
        %swap3A_412 = arith.constant 128 : index
        %swap3A_413 = tpu.vector_load %arg20[%swap3A_411, %swap3A_412] {strides = array<i32>} : memref<80x144xf32, #tpu.memory_space<vmem>>, vector<1x16xf32>,
        %swap3A_414 = vector.shape_cast %swap3A_413 : vector<1x16xf32> to vector<16xf32>
        %swap3A_415 = vector.shape_cast %mul3A_410 : vector<16xf32> to vector<1x16xf32>
        tpu.vector_store %arg20[%swap3A_411, %swap3A_412], %swap3A_415 {strides = array<i32>} : memref<80x144xf32, #tpu.memory_space<vmem>>, vector<1x16xf32>,
        %mul3A_416 = arith.constant 4 : i32
        %mul3A_417 = arith.muli %mul3A_416, %scan3A_185 : i32
        %add3A_418 = arith.constant 2 : i32
        %add3A_419 = arith.addi %mul3A_417, %add3A_418 : i32
        %get3A_420 = arith.index_cast %add3A_419 : i32 to index
        %get3A_421 = arith.constant 0 : index
        %get3A_422 = tpu.vector_load %arg17[%get3A_420, %get3A_421] {strides = array<i32>} : memref<80x16xf32, #tpu.memory_space<vmem>>, vector<1x16xf32>,
        %get3A_423 = vector.shape_cast %get3A_422 : vector<1x16xf32> to vector<16xf32>
        %get3A_424 = arith.index_cast %add3A_419 : i32 to index
        %get3A_425 = arith.constant 0 : index
        %get3A_426 = tpu.vector_load %arg18[%get3A_424, %get3A_425] {strides = array<i32>} : memref<80x16xf32, #tpu.memory_space<vmem>>, vector<1x16xf32>,
        %get3A_427 = vector.shape_cast %get3A_426 : vector<1x16xf32> to vector<16xf32>
        %add3A_428 = arith.addf %get3A_423, %get3A_427 : vector<16xf32>
        %ge3A_429 = arith.constant 0.000000e+00 : f32
        %ge3A_430 = vector.broadcast %ge3A_429 : f32 to vector<16xf32>
        %ge3A_431 = arith.cmpf oge, %add3A_428, %ge3A_430 : vector<16xf32>
        %mul3A_432 = arith.constant 2.000000e-01 : f32
        %mul3A_433 = vector.broadcast %mul3A_432 : f32 to vector<16xf32>
        %mul3A_434 = arith.mulf %mul3A_433, %add3A_428 : vector<16xf32>
        %select_n3A_435 = arith.select %ge3A_431, %add3A_428, %mul3A_434 : vector<16xi1>, vector<16xf32>
        %exp3A_436 = math.exp %select_n3A_435 : vector<16xf32>
        %gather3A_437 = vector.shape_cast %broadcast_in_dim3A_7 : vector<16x1xi32> to vector<16xi32>
        %gather3A_438 = tpu.dynamic_gather %exp3A_436[%gather3A_437] in [0] : vector<16xf32>, vector<16xi32> -> vector<16xf32>
        %gather3A_439 = vector.shape_cast %broadcast_in_dim3A_12 : vector<16x1xi32> to vector<16xi32>
        %gather3A_440 = tpu.dynamic_gather %exp3A_436[%gather3A_439] in [0] : vector<16xf32>, vector<16xi32> -> vector<16xf32>
        %gather3A_441 = vector.shape_cast %broadcast_in_dim3A_17 : vector<16x1xi32> to vector<16xi32>
        %gather3A_442 = tpu.dynamic_gather %exp3A_436[%gather3A_441] in [0] : vector<16xf32>, vector<16xi32> -> vector<16xf32>
        %get3A_443 = arith.index_cast %add3A_419 : i32 to index
        %get3A_444 = arith.constant 0 : index
        %get3A_445 = tpu.vector_load %arg20[%get3A_443, %get3A_444] {strides = array<i32>} : memref<80x144xf32, #tpu.memory_space<vmem>>, vector<1x16xf32>,
        %get3A_446 = vector.shape_cast %get3A_445 : vector<1x16xf32> to vector<16xf32>
        %mul3A_447 = arith.mulf %gather3A_438, %get3A_446 : vector<16xf32>
        %swap3A_448 = arith.index_cast %add3A_419 : i32 to index
        %swap3A_449 = arith.constant 0 : index
        %swap3A_450 = tpu.vector_load %arg20[%swap3A_448, %swap3A_449] {strides = array<i32>} : memref<80x144xf32, #tpu.memory_space<vmem>>, vector<1x16xf32>,
        %swap3A_451 = vector.shape_cast %swap3A_450 : vector<1x16xf32> to vector<16xf32>
        %swap3A_452 = vector.shape_cast %mul3A_447 : vector<16xf32> to vector<1x16xf32>
        tpu.vector_store %arg20[%swap3A_448, %swap3A_449], %swap3A_452 {strides = array<i32>} : memref<80x144xf32, #tpu.memory_space<vmem>>, vector<1x16xf32>,
        %get3A_453 = arith.index_cast %add3A_419 : i32 to index
        %get3A_454 = arith.constant 16 : index
        %get3A_455 = tpu.vector_load %arg20[%get3A_453, %get3A_454] {strides = array<i32>} : memref<80x144xf32, #tpu.memory_space<vmem>>, vector<1x16xf32>,
        %get3A_456 = vector.shape_cast %get3A_455 : vector<1x16xf32> to vector<16xf32>
        %mul3A_457 = arith.mulf %gather3A_438, %get3A_456 : vector<16xf32>
        %swap3A_458 = arith.index_cast %add3A_419 : i32 to index
        %swap3A_459 = arith.constant 16 : index
        %swap3A_460 = tpu.vector_load %arg20[%swap3A_458, %swap3A_459] {strides = array<i32>} : memref<80x144xf32, #tpu.memory_space<vmem>>, vector<1x16xf32>,
        %swap3A_461 = vector.shape_cast %swap3A_460 : vector<1x16xf32> to vector<16xf32>
        %swap3A_462 = vector.shape_cast %mul3A_457 : vector<16xf32> to vector<1x16xf32>
        tpu.vector_store %arg20[%swap3A_458, %swap3A_459], %swap3A_462 {strides = array<i32>} : memref<80x144xf32, #tpu.memory_space<vmem>>, vector<1x16xf32>,
        %get3A_463 = arith.index_cast %add3A_419 : i32 to index
        %get3A_464 = arith.constant 32 : index
        %get3A_465 = tpu.vector_load %arg20[%get3A_463, %get3A_464] {strides = array<i32>} : memref<80x144xf32, #tpu.memory_space<vmem>>, vector<1x16xf32>,
        %get3A_466 = vector.shape_cast %get3A_465 : vector<1x16xf32> to vector<16xf32>
        %mul3A_467 = arith.mulf %gather3A_438, %get3A_466 : vector<16xf32>
        %swap3A_468 = arith.index_cast %add3A_419 : i32 to index
        %swap3A_469 = arith.constant 32 : index
        %swap3A_470 = tpu.vector_load %arg20[%swap3A_468, %swap3A_469] {strides = array<i32>} : memref<80x144xf32, #tpu.memory_space<vmem>>, vector<1x16xf32>,
        %swap3A_471 = vector.shape_cast %swap3A_470 : vector<1x16xf32> to vector<16xf32>
        %swap3A_472 = vector.shape_cast %mul3A_467 : vector<16xf32> to vector<1x16xf32>
        tpu.vector_store %arg20[%swap3A_468, %swap3A_469], %swap3A_472 {strides = array<i32>} : memref<80x144xf32, #tpu.memory_space<vmem>>, vector<1x16xf32>,
        %get3A_473 = arith.index_cast %add3A_419 : i32 to index
        %get3A_474 = arith.constant 48 : index
        %get3A_475 = tpu.vector_load %arg20[%get3A_473, %get3A_474] {strides = array<i32>} : memref<80x144xf32, #tpu.memory_space<vmem>>, vector<1x16xf32>,
        %get3A_476 = vector.shape_cast %get3A_475 : vector<1x16xf32> to vector<16xf32>
        %mul3A_477 = arith.mulf %gather3A_440, %get3A_476 : vector<16xf32>
        %swap3A_478 = arith.index_cast %add3A_419 : i32 to index
        %swap3A_479 = arith.constant 48 : index
        %swap3A_480 = tpu.vector_load %arg20[%swap3A_478, %swap3A_479] {strides = array<i32>} : memref<80x144xf32, #tpu.memory_space<vmem>>, vector<1x16xf32>,
        %swap3A_481 = vector.shape_cast %swap3A_480 : vector<1x16xf32> to vector<16xf32>
        %swap3A_482 = vector.shape_cast %mul3A_477 : vector<16xf32> to vector<1x16xf32>
        tpu.vector_store %arg20[%swap3A_478, %swap3A_479], %swap3A_482 {strides = array<i32>} : memref<80x144xf32, #tpu.memory_space<vmem>>, vector<1x16xf32>,
        %get3A_483 = arith.index_cast %add3A_419 : i32 to index
        %get3A_484 = arith.constant 64 : index
        %get3A_485 = tpu.vector_load %arg20[%get3A_483, %get3A_484] {strides = array<i32>} : memref<80x144xf32, #tpu.memory_space<vmem>>, vector<1x16xf32>,
        %get3A_486 = vector.shape_cast %get3A_485 : vector<1x16xf32> to vector<16xf32>
        %mul3A_487 = arith.mulf %gather3A_440, %get3A_486 : vector<16xf32>
        %swap3A_488 = arith.index_cast %add3A_419 : i32 to index
        %swap3A_489 = arith.constant 64 : index
        %swap3A_490 = tpu.vector_load %arg20[%swap3A_488, %swap3A_489] {strides = array<i32>} : memref<80x144xf32, #tpu.memory_space<vmem>>, vector<1x16xf32>,
        %swap3A_491 = vector.shape_cast %swap3A_490 : vector<1x16xf32> to vector<16xf32>
        %swap3A_492 = vector.shape_cast %mul3A_487 : vector<16xf32> to vector<1x16xf32>
        tpu.vector_store %arg20[%swap3A_488, %swap3A_489], %swap3A_492 {strides = array<i32>} : memref<80x144xf32, #tpu.memory_space<vmem>>, vector<1x16xf32>,
        %get3A_493 = arith.index_cast %add3A_419 : i32 to index
        %get3A_494 = arith.constant 80 : index
        %get3A_495 = tpu.vector_load %arg20[%get3A_493, %get3A_494] {strides = array<i32>} : memref<80x144xf32, #tpu.memory_space<vmem>>, vector<1x16xf32>,
        %get3A_496 = vector.shape_cast %get3A_495 : vector<1x16xf32> to vector<16xf32>
        %mul3A_497 = arith.mulf %gather3A_440, %get3A_496 : vector<16xf32>
        %swap3A_498 = arith.index_cast %add3A_419 : i32 to index
        %swap3A_499 = arith.constant 80 : index
        %swap3A_500 = tpu.vector_load %arg20[%swap3A_498, %swap3A_499] {strides = array<i32>} : memref<80x144xf32, #tpu.memory_space<vmem>>, vector<1x16xf32>,
        %swap3A_501 = vector.shape_cast %swap3A_500 : vector<1x16xf32> to vector<16xf32>
        %swap3A_502 = vector.shape_cast %mul3A_497 : vector<16xf32> to vector<1x16xf32>
        tpu.vector_store %arg20[%swap3A_498, %swap3A_499], %swap3A_502 {strides = array<i32>} : memref<80x144xf32, #tpu.memory_space<vmem>>, vector<1x16xf32>,
        %get3A_503 = arith.index_cast %add3A_419 : i32 to index
        %get3A_504 = arith.constant 96 : index
        %get3A_505 = tpu.vector_load %arg20[%get3A_503, %get3A_504] {strides = array<i32>} : memref<80x144xf32, #tpu.memory_space<vmem>>, vector<1x16xf32>,
        %get3A_506 = vector.shape_cast %get3A_505 : vector<1x16xf32> to vector<16xf32>
        %mul3A_507 = arith.mulf %gather3A_442, %get3A_506 : vector<16xf32>
        %swap3A_508 = arith.index_cast %add3A_419 : i32 to index
        %swap3A_509 = arith.constant 96 : index
        %swap3A_510 = tpu.vector_load %arg20[%swap3A_508, %swap3A_509] {strides = array<i32>} : memref<80x144xf32, #tpu.memory_space<vmem>>, vector<1x16xf32>,
        %swap3A_511 = vector.shape_cast %swap3A_510 : vector<1x16xf32> to vector<16xf32>
        %swap3A_512 = vector.shape_cast %mul3A_507 : vector<16xf32> to vector<1x16xf32>
        tpu.vector_store %arg20[%swap3A_508, %swap3A_509], %swap3A_512 {strides = array<i32>} : memref<80x144xf32, #tpu.memory_space<vmem>>, vector<1x16xf32>,
        %get3A_513 = arith.index_cast %add3A_419 : i32 to index
        %get3A_514 = arith.constant 112 : index
        %get3A_515 = tpu.vector_load %arg20[%get3A_513, %get3A_514] {strides = array<i32>} : memref<80x144xf32, #tpu.memory_space<vmem>>, vector<1x16xf32>,
        %get3A_516 = vector.shape_cast %get3A_515 : vector<1x16xf32> to vector<16xf32>
        %mul3A_517 = arith.mulf %gather3A_442, %get3A_516 : vector<16xf32>
        %swap3A_518 = arith.index_cast %add3A_419 : i32 to index
        %swap3A_519 = arith.constant 112 : index
        %swap3A_520 = tpu.vector_load %arg20[%swap3A_518, %swap3A_519] {strides = array<i32>} : memref<80x144xf32, #tpu.memory_space<vmem>>, vector<1x16xf32>,
        %swap3A_521 = vector.shape_cast %swap3A_520 : vector<1x16xf32> to vector<16xf32>
        %swap3A_522 = vector.shape_cast %mul3A_517 : vector<16xf32> to vector<1x16xf32>
        tpu.vector_store %arg20[%swap3A_518, %swap3A_519], %swap3A_522 {strides = array<i32>} : memref<80x144xf32, #tpu.memory_space<vmem>>, vector<1x16xf32>,
        %get3A_523 = arith.index_cast %add3A_419 : i32 to index
        %get3A_524 = arith.constant 128 : index
        %get3A_525 = tpu.vector_load %arg20[%get3A_523, %get3A_524] {strides = array<i32>} : memref<80x144xf32, #tpu.memory_space<vmem>>, vector<1x16xf32>,
        %get3A_526 = vector.shape_cast %get3A_525 : vector<1x16xf32> to vector<16xf32>
        %mul3A_527 = arith.mulf %gather3A_442, %get3A_526 : vector<16xf32>
        %swap3A_528 = arith.index_cast %add3A_419 : i32 to index
        %swap3A_529 = arith.constant 128 : index
        %swap3A_530 = tpu.vector_load %arg20[%swap3A_528, %swap3A_529] {strides = array<i32>} : memref<80x144xf32, #tpu.memory_space<vmem>>, vector<1x16xf32>,
        %swap3A_531 = vector.shape_cast %swap3A_530 : vector<1x16xf32> to vector<16xf32>
        %swap3A_532 = vector.shape_cast %mul3A_527 : vector<16xf32> to vector<1x16xf32>
        tpu.vector_store %arg20[%swap3A_528, %swap3A_529], %swap3A_532 {strides = array<i32>} : memref<80x144xf32, #tpu.memory_space<vmem>>, vector<1x16xf32>,
        %mul3A_533 = arith.constant 4 : i32
        %mul3A_534 = arith.muli %mul3A_533, %scan3A_185 : i32
        %add3A_535 = arith.constant 3 : i32
        %add3A_536 = arith.addi %mul3A_534, %add3A_535 : i32
        %get3A_537 = arith.index_cast %add3A_536 : i32 to index
        %get3A_538 = arith.constant 0 : index
        %get3A_539 = tpu.vector_load %arg17[%get3A_537, %get3A_538] {strides = array<i32>} : memref<80x16xf32, #tpu.memory_space<vmem>>, vector<1x16xf32>,
        %get3A_540 = vector.shape_cast %get3A_539 : vector<1x16xf32> to vector<16xf32>
        %get3A_541 = arith.index_cast %add3A_536 : i32 to index
        %get3A_542 = arith.constant 0 : index
        %get3A_543 = tpu.vector_load %arg18[%get3A_541, %get3A_542] {strides = array<i32>} : memref<80x16xf32, #tpu.memory_space<vmem>>, vector<1x16xf32>,
        %get3A_544 = vector.shape_cast %get3A_543 : vector<1x16xf32> to vector<16xf32>
        %add3A_545 = arith.addf %get3A_540, %get3A_544 : vector<16xf32>
        %ge3A_546 = arith.constant 0.000000e+00 : f32
        %ge3A_547 = vector.broadcast %ge3A_546 : f32 to vector<16xf32>
        %ge3A_548 = arith.cmpf oge, %add3A_545, %ge3A_547 : vector<16xf32>
        %mul3A_549 = arith.constant 2.000000e-01 : f32
        %mul3A_550 = vector.broadcast %mul3A_549 : f32 to vector<16xf32>
        %mul3A_551 = arith.mulf %mul3A_550, %add3A_545 : vector<16xf32>
        %select_n3A_552 = arith.select %ge3A_548, %add3A_545, %mul3A_551 : vector<16xi1>, vector<16xf32>
        %exp3A_553 = math.exp %select_n3A_552 : vector<16xf32>
        %gather3A_554 = vector.shape_cast %broadcast_in_dim3A_7 : vector<16x1xi32> to vector<16xi32>
        %gather3A_555 = tpu.dynamic_gather %exp3A_553[%gather3A_554] in [0] : vector<16xf32>, vector<16xi32> -> vector<16xf32>
        %gather3A_556 = vector.shape_cast %broadcast_in_dim3A_12 : vector<16x1xi32> to vector<16xi32>
        %gather3A_557 = tpu.dynamic_gather %exp3A_553[%gather3A_556] in [0] : vector<16xf32>, vector<16xi32> -> vector<16xf32>
        %gather3A_558 = vector.shape_cast %broadcast_in_dim3A_17 : vector<16x1xi32> to vector<16xi32>
        %gather3A_559 = tpu.dynamic_gather %exp3A_553[%gather3A_558] in [0] : vector<16xf32>, vector<16xi32> -> vector<16xf32>
        %get3A_560 = arith.index_cast %add3A_536 : i32 to index
        %get3A_561 = arith.constant 0 : index
        %get3A_562 = tpu.vector_load %arg20[%get3A_560, %get3A_561] {strides = array<i32>} : memref<80x144xf32, #tpu.memory_space<vmem>>, vector<1x16xf32>,
        %get3A_563 = vector.shape_cast %get3A_562 : vector<1x16xf32> to vector<16xf32>
        %mul3A_564 = arith.mulf %gather3A_555, %get3A_563 : vector<16xf32>
        %swap3A_565 = arith.index_cast %add3A_536 : i32 to index
        %swap3A_566 = arith.constant 0 : index
        %swap3A_567 = tpu.vector_load %arg20[%swap3A_565, %swap3A_566] {strides = array<i32>} : memref<80x144xf32, #tpu.memory_space<vmem>>, vector<1x16xf32>,
        %swap3A_568 = vector.shape_cast %swap3A_567 : vector<1x16xf32> to vector<16xf32>
        %swap3A_569 = vector.shape_cast %mul3A_564 : vector<16xf32> to vector<1x16xf32>
        tpu.vector_store %arg20[%swap3A_565, %swap3A_566], %swap3A_569 {strides = array<i32>} : memref<80x144xf32, #tpu.memory_space<vmem>>, vector<1x16xf32>,
        %get3A_570 = arith.index_cast %add3A_536 : i32 to index
        %get3A_571 = arith.constant 16 : index
        %get3A_572 = tpu.vector_load %arg20[%get3A_570, %get3A_571] {strides = array<i32>} : memref<80x144xf32, #tpu.memory_space<vmem>>, vector<1x16xf32>,
        %get3A_573 = vector.shape_cast %get3A_572 : vector<1x16xf32> to vector<16xf32>
        %mul3A_574 = arith.mulf %gather3A_555, %get3A_573 : vector<16xf32>
        %swap3A_575 = arith.index_cast %add3A_536 : i32 to index
        %swap3A_576 = arith.constant 16 : index
        %swap3A_577 = tpu.vector_load %arg20[%swap3A_575, %swap3A_576] {strides = array<i32>} : memref<80x144xf32, #tpu.memory_space<vmem>>, vector<1x16xf32>,
        %swap3A_578 = vector.shape_cast %swap3A_577 : vector<1x16xf32> to vector<16xf32>
        %swap3A_579 = vector.shape_cast %mul3A_574 : vector<16xf32> to vector<1x16xf32>
        tpu.vector_store %arg20[%swap3A_575, %swap3A_576], %swap3A_579 {strides = array<i32>} : memref<80x144xf32, #tpu.memory_space<vmem>>, vector<1x16xf32>,
        %get3A_580 = arith.index_cast %add3A_536 : i32 to index
        %get3A_581 = arith.constant 32 : index
        %get3A_582 = tpu.vector_load %arg20[%get3A_580, %get3A_581] {strides = array<i32>} : memref<80x144xf32, #tpu.memory_space<vmem>>, vector<1x16xf32>,
        %get3A_583 = vector.shape_cast %get3A_582 : vector<1x16xf32> to vector<16xf32>
        %mul3A_584 = arith.mulf %gather3A_555, %get3A_583 : vector<16xf32>
        %swap3A_585 = arith.index_cast %add3A_536 : i32 to index
        %swap3A_586 = arith.constant 32 : index
        %swap3A_587 = tpu.vector_load %arg20[%swap3A_585, %swap3A_586] {strides = array<i32>} : memref<80x144xf32, #tpu.memory_space<vmem>>, vector<1x16xf32>,
        %swap3A_588 = vector.shape_cast %swap3A_587 : vector<1x16xf32> to vector<16xf32>
        %swap3A_589 = vector.shape_cast %mul3A_584 : vector<16xf32> to vector<1x16xf32>
        tpu.vector_store %arg20[%swap3A_585, %swap3A_586], %swap3A_589 {strides = array<i32>} : memref<80x144xf32, #tpu.memory_space<vmem>>, vector<1x16xf32>,
        %get3A_590 = arith.index_cast %add3A_536 : i32 to index
        %get3A_591 = arith.constant 48 : index
        %get3A_592 = tpu.vector_load %arg20[%get3A_590, %get3A_591] {strides = array<i32>} : memref<80x144xf32, #tpu.memory_space<vmem>>, vector<1x16xf32>,
        %get3A_593 = vector.shape_cast %get3A_592 : vector<1x16xf32> to vector<16xf32>
        %mul3A_594 = arith.mulf %gather3A_557, %get3A_593 : vector<16xf32>
        %swap3A_595 = arith.index_cast %add3A_536 : i32 to index
        %swap3A_596 = arith.constant 48 : index
        %swap3A_597 = tpu.vector_load %arg20[%swap3A_595, %swap3A_596] {strides = array<i32>} : memref<80x144xf32, #tpu.memory_space<vmem>>, vector<1x16xf32>,
        %swap3A_598 = vector.shape_cast %swap3A_597 : vector<1x16xf32> to vector<16xf32>
        %swap3A_599 = vector.shape_cast %mul3A_594 : vector<16xf32> to vector<1x16xf32>
        tpu.vector_store %arg20[%swap3A_595, %swap3A_596], %swap3A_599 {strides = array<i32>} : memref<80x144xf32, #tpu.memory_space<vmem>>, vector<1x16xf32>,
        %get3A_600 = arith.index_cast %add3A_536 : i32 to index
        %get3A_601 = arith.constant 64 : index
        %get3A_602 = tpu.vector_load %arg20[%get3A_600, %get3A_601] {strides = array<i32>} : memref<80x144xf32, #tpu.memory_space<vmem>>, vector<1x16xf32>,
        %get3A_603 = vector.shape_cast %get3A_602 : vector<1x16xf32> to vector<16xf32>
        %mul3A_604 = arith.mulf %gather3A_557, %get3A_603 : vector<16xf32>
        %swap3A_605 = arith.index_cast %add3A_536 : i32 to index
        %swap3A_606 = arith.constant 64 : index
        %swap3A_607 = tpu.vector_load %arg20[%swap3A_605, %swap3A_606] {strides = array<i32>} : memref<80x144xf32, #tpu.memory_space<vmem>>, vector<1x16xf32>,
        %swap3A_608 = vector.shape_cast %swap3A_607 : vector<1x16xf32> to vector<16xf32>
        %swap3A_609 = vector.shape_cast %mul3A_604 : vector<16xf32> to vector<1x16xf32>
        tpu.vector_store %arg20[%swap3A_605, %swap3A_606], %swap3A_609 {strides = array<i32>} : memref<80x144xf32, #tpu.memory_space<vmem>>, vector<1x16xf32>,
        %get3A_610 = arith.index_cast %add3A_536 : i32 to index
        %get3A_611 = arith.constant 80 : index
        %get3A_612 = tpu.vector_load %arg20[%get3A_610, %get3A_611] {strides = array<i32>} : memref<80x144xf32, #tpu.memory_space<vmem>>, vector<1x16xf32>,
        %get3A_613 = vector.shape_cast %get3A_612 : vector<1x16xf32> to vector<16xf32>
        %mul3A_614 = arith.mulf %gather3A_557, %get3A_613 : vector<16xf32>
        %swap3A_615 = arith.index_cast %add3A_536 : i32 to index
        %swap3A_616 = arith.constant 80 : index
        %swap3A_617 = tpu.vector_load %arg20[%swap3A_615, %swap3A_616] {strides = array<i32>} : memref<80x144xf32, #tpu.memory_space<vmem>>, vector<1x16xf32>,
        %swap3A_618 = vector.shape_cast %swap3A_617 : vector<1x16xf32> to vector<16xf32>
        %swap3A_619 = vector.shape_cast %mul3A_614 : vector<16xf32> to vector<1x16xf32>
        tpu.vector_store %arg20[%swap3A_615, %swap3A_616], %swap3A_619 {strides = array<i32>} : memref<80x144xf32, #tpu.memory_space<vmem>>, vector<1x16xf32>,
        %get3A_620 = arith.index_cast %add3A_536 : i32 to index
        %get3A_621 = arith.constant 96 : index
        %get3A_622 = tpu.vector_load %arg20[%get3A_620, %get3A_621] {strides = array<i32>} : memref<80x144xf32, #tpu.memory_space<vmem>>, vector<1x16xf32>,
        %get3A_623 = vector.shape_cast %get3A_622 : vector<1x16xf32> to vector<16xf32>
        %mul3A_624 = arith.mulf %gather3A_559, %get3A_623 : vector<16xf32>
        %swap3A_625 = arith.index_cast %add3A_536 : i32 to index
        %swap3A_626 = arith.constant 96 : index
        %swap3A_627 = tpu.vector_load %arg20[%swap3A_625, %swap3A_626] {strides = array<i32>} : memref<80x144xf32, #tpu.memory_space<vmem>>, vector<1x16xf32>,
        %swap3A_628 = vector.shape_cast %swap3A_627 : vector<1x16xf32> to vector<16xf32>
        %swap3A_629 = vector.shape_cast %mul3A_624 : vector<16xf32> to vector<1x16xf32>
        tpu.vector_store %arg20[%swap3A_625, %swap3A_626], %swap3A_629 {strides = array<i32>} : memref<80x144xf32, #tpu.memory_space<vmem>>, vector<1x16xf32>,
        %get3A_630 = arith.index_cast %add3A_536 : i32 to index
        %get3A_631 = arith.constant 112 : index
        %get3A_632 = tpu.vector_load %arg20[%get3A_630, %get3A_631] {strides = array<i32>} : memref<80x144xf32, #tpu.memory_space<vmem>>, vector<1x16xf32>,
        %get3A_633 = vector.shape_cast %get3A_632 : vector<1x16xf32> to vector<16xf32>
        %mul3A_634 = arith.mulf %gather3A_559, %get3A_633 : vector<16xf32>
        %swap3A_635 = arith.index_cast %add3A_536 : i32 to index
        %swap3A_636 = arith.constant 112 : index
        %swap3A_637 = tpu.vector_load %arg20[%swap3A_635, %swap3A_636] {strides = array<i32>} : memref<80x144xf32, #tpu.memory_space<vmem>>, vector<1x16xf32>,
        %swap3A_638 = vector.shape_cast %swap3A_637 : vector<1x16xf32> to vector<16xf32>
        %swap3A_639 = vector.shape_cast %mul3A_634 : vector<16xf32> to vector<1x16xf32>
        tpu.vector_store %arg20[%swap3A_635, %swap3A_636], %swap3A_639 {strides = array<i32>} : memref<80x144xf32, #tpu.memory_space<vmem>>, vector<1x16xf32>,
        %get3A_640 = arith.index_cast %add3A_536 : i32 to index
        %get3A_641 = arith.constant 128 : index
        %get3A_642 = tpu.vector_load %arg20[%get3A_640, %get3A_641] {strides = array<i32>} : memref<80x144xf32, #tpu.memory_space<vmem>>, vector<1x16xf32>,
        %get3A_643 = vector.shape_cast %get3A_642 : vector<1x16xf32> to vector<16xf32>
        %mul3A_644 = arith.mulf %gather3A_559, %get3A_643 : vector<16xf32>
        %swap3A_645 = arith.index_cast %add3A_536 : i32 to index
        %swap3A_646 = arith.constant 128 : index
        %swap3A_647 = tpu.vector_load %arg20[%swap3A_645, %swap3A_646] {strides = array<i32>} : memref<80x144xf32, #tpu.memory_space<vmem>>, vector<1x16xf32>,
        %swap3A_648 = vector.shape_cast %swap3A_647 : vector<1x16xf32> to vector<16xf32>
        %swap3A_649 = vector.shape_cast %mul3A_644 : vector<16xf32> to vector<1x16xf32>
        tpu.vector_store %arg20[%swap3A_645, %swap3A_646], %swap3A_649 {strides = array<i32>} : memref<80x144xf32, #tpu.memory_space<vmem>>, vector<1x16xf32>,
      }
      %scan3A_175 = arith.constant 20 : i32
      %dma_start3A_176 = arith.constant 0 : i32
      %dma_start3A_177 = arith.constant 0 : i32
      %dma_start3A_178 = tpu.memref_slice %arg21[%dma_start3A_176, %dma_start3A_177] : memref<10240x144xf32, #tpu.memory_space<vmem_shared>> -> memref<10240x144xf32, #tpu.memory_space<vmem_shared>>
      tpu.enqueue_indirect_dma source(%arg20 : memref<80x144xf32, #tpu.memory_space<vmem>>) target(%dma_start3A_178 : memref<10240x144xf32, #tpu.memory_space<vmem_shared>>) offsets(%arg13 : memref<80xi32, #tpu.memory_space<vmem>>) semaphore(%arg29 : memref<!tpu.dma_semaphore, #tpu.memory_space<semaphore_mem>>) {add = true}
      %dma_wait3A_179 = arith.constant 0 : i32
      %dma_wait3A_180 = arith.constant 0 : i32
      %dma_wait3A_181 = tpu.memref_slice %arg21[%dma_wait3A_179, %dma_wait3A_180] : memref<10240x144xf32, #tpu.memory_space<vmem_shared>> -> memref<10240x144xf32, #tpu.memory_space<vmem_shared>>
      tpu.wait_indirect_dma semaphore(%arg28 : memref<!tpu.dma_semaphore, #tpu.memory_space<semaphore_mem>>) src(%arg19 : memref<80x144xf32, #tpu.memory_space<vmem>>) dst(%dma_wait3A_181 : memref<10240x144xf32, #tpu.memory_space<vmem_shared>>)
      %dma_wait3A_182 = arith.constant 0 : i32
      %dma_wait3A_183 = arith.constant 0 : i32
      %dma_wait3A_184 = tpu.memref_slice %arg21[%dma_wait3A_182, %dma_wait3A_183] : memref<10240x144xf32, #tpu.memory_space<vmem_shared>> -> memref<10240x144xf32, #tpu.memory_space<vmem_shared>>
      tpu.wait_indirect_dma semaphore(%arg29 : memref<!tpu.dma_semaphore, #tpu.memory_space<semaphore_mem>>) src(%arg20 : memref<80x144xf32, #tpu.memory_space<vmem>>) dst(%dma_wait3A_184 : memref<10240x144xf32, #tpu.memory_space<vmem_shared>>)
    }
    %scan3A_28 = arith.constant 125 : i32
    %barrier3A_29 = arith.constant 0 : index
    tpu.barrier barrier_id(%barrier3A_29)
    %add3A_30 = arith.addi %mul3A_21, %mul3A_0 : i32
    "tpu.region"() ({
      %run_scoped3A = tpu.sem_alloc : memref<!tpu.dma_semaphore, #tpu.memory_space<semaphore_mem>>
      %dma_start3A = arith.constant 0 : i32
      %dma_start3A_31 = tpu.memref_slice %arg8[%add3A_30, %dma_start3A] : memref<20480x144xf32, #tpu.memory_space<hbm>> -> memref<640x144xf32, #tpu.memory_space<hbm>>
      %dma_start3A_32 = arith.constant 0 : i32
      %dma_start3A_33 = tpu.memref_slice %arg21[%mul3A_0, %dma_start3A_32] : memref<10240x144xf32, #tpu.memory_space<vmem_shared>> -> memref<640x144xf32, #tpu.memory_space<vmem_shared>>
      tpu.enqueue_dma source(%dma_start3A_33 : memref<640x144xf32, #tpu.memory_space<vmem_shared>>) target(%dma_start3A_31 : memref<640x144xf32, #tpu.memory_space<hbm>>) target_semaphore(%run_scoped3A : memref<!tpu.dma_semaphore, #tpu.memory_space<semaphore_mem>>)
      %dma_wait3A = arith.constant 0 : i32
      %dma_wait3A_34 = tpu.memref_slice %arg8[%add3A_30, %dma_wait3A] : memref<20480x144xf32, #tpu.memory_space<hbm>> -> memref<640x144xf32, #tpu.memory_space<hbm>>
      %dma_wait3A_35 = arith.constant 0 : i32
      %dma_wait3A_36 = tpu.memref_slice %arg21[%mul3A_0, %dma_wait3A_35] : memref<10240x144xf32, #tpu.memory_space<vmem_shared>> -> memref<640x144xf32, #tpu.memory_space<vmem_shared>>
      tpu.wait_dma2 semaphore(%run_scoped3A : memref<!tpu.dma_semaphore, #tpu.memory_space<semaphore_mem>>) src(%dma_wait3A_36 : memref<640x144xf32, #tpu.memory_space<vmem_shared>>) dst(%dma_wait3A_34 : memref<640x144xf32, #tpu.memory_space<hbm>>)
      tpu.yield
    }) : () -> ()
    return
  }
}

module attributes {stable_mosaic.version = 14 : i64} {
  func.func @_prep_body(%arg0: i32, %arg1: memref<1000x42xf32, #tpu.memory_space<vmem>>, %arg2: memref<42x252xf32, #tpu.memory_space<vmem>>, %arg3: memref<6x42xf32, #tpu.memory_space<vmem>>, %arg4: memref<6x42xf32, #tpu.memory_space<vmem>>, %arg5: memref<1000x144xf32, #tpu.memory_space<vmem>>, %arg6: memref<1000x144xf32, #tpu.memory_space<vmem>>, %arg7: memref<1000x16xf32, #tpu.memory_space<vmem>>, %arg8: memref<1000x16xf32, #tpu.memory_space<vmem>>, %arg9: memref<1000x48xf32, #tpu.memory_space<vmem>>) attributes {dimension_semantics = [#tpu.dimension_semantics<arbitrary>], iteration_bounds = array<i64: 10>, scalar_prefetch = 0 : i64, scratch_operands = 0 : i64, tpu.core_type = #tpu.core_type<tc>, window_params = [{transform_indices = @transform_0, window_bounds = array<i64: 1000, 42>}, {pipeline_mode = #tpu.pipeline_mode<synchronous>, transform_indices = @transform_1, window_bounds = array<i64: 42, 252>}, {pipeline_mode = #tpu.pipeline_mode<synchronous>, transform_indices = @transform_2, window_bounds = array<i64: 6, 42>}, {pipeline_mode = #tpu.pipeline_mode<synchronous>, transform_indices = @transform_3, window_bounds = array<i64: 6, 42>}, {transform_indices = @transform_4, window_bounds = array<i64: 1000, 144>}, {transform_indices = @transform_5, window_bounds = array<i64: 1000, 144>}, {transform_indices = @transform_6, window_bounds = array<i64: 1000, 16>}, {transform_indices = @transform_7, window_bounds = array<i64: 1000, 16>}, {transform_indices = @transform_8, window_bounds = array<i64: 1000, 48>}]} {
    %get3A = arith.constant 0 : index
    %get3A_0 = arith.constant 0 : index
    %get3A_1 = vector.load %arg1[%get3A, %get3A_0] : memref<1000x42xf32, #tpu.memory_space<vmem>>, vector<1000x42xf32>
    %get3A_2 = arith.constant 0 : index
    %get3A_3 = arith.constant 0 : index
    %get3A_4 = vector.load %arg2[%get3A_2, %get3A_3] : memref<42x252xf32, #tpu.memory_space<vmem>>, vector<42x252xf32>
    %dot_general3A = arith.constant dense<0.000000e+00> : vector<1000x252xf32>
    %dot_general3A_5 = tpu.matmul %get3A_1, %get3A_4, %dot_general3A {dimension_numbers = #tpu.dot_dimension_numbers<[1], [0], [0], [1], [0, 0, 1, 1], [], []>, transpose_lhs_hint = false} : vector<1000x42xf32>, vector<42x252xf32>, vector<1000x252xf32> -> vector<1000x252xf32>
    %broadcast_in_dim3A = arith.constant 1.000000e+00 : f32
    %broadcast_in_dim3A_6 = vector.broadcast %broadcast_in_dim3A : f32 to vector<1000x1xf32>
    %broadcast_in_dim3A_7 = arith.constant 0.000000e+00 : f32
    %broadcast_in_dim3A_8 = vector.broadcast %broadcast_in_dim3A_7 : f32 to vector<1000x5xf32>
    %get3A_9 = arith.constant 0 : index
    %get3A_10 = arith.constant 0 : index
    %get3A_11 = vector.load %arg3[%get3A_9, %get3A_10] : memref<6x42xf32, #tpu.memory_space<vmem>>, vector<6x42xf32>
    %get3A_12 = arith.constant 0 : index
    %get3A_13 = arith.constant 0 : index
    %get3A_14 = vector.load %arg4[%get3A_12, %get3A_13] : memref<6x42xf32, #tpu.memory_space<vmem>>, vector<6x42xf32>
    %slice3A = vector.extract_strided_slice %dot_general3A_5 {offsets = [0, 0], sizes = [1000, 42], strides = [1, 1]} : vector<1000x252xf32> to vector<1000x42xf32>
    %slice3A_15 = vector.extract_strided_slice %get3A_11 {offsets = [0, 0], sizes = [1, 42], strides = [1, 1]} : vector<6x42xf32> to vector<1x42xf32>
    %squeeze3A = vector.shape_cast %slice3A_15 : vector<1x42xf32> to vector<42xf32>
    %broadcast_in_dim3A_16 = vector.shape_cast %squeeze3A : vector<42xf32> to vector<1x42xf32>
    %mul3A = vector.broadcast %broadcast_in_dim3A_16 : vector<1x42xf32> to vector<1000x42xf32>
    %mul3A_17 = arith.mulf %slice3A, %mul3A : vector<1000x42xf32>
    %reduce_sum3A = arith.constant dense<0.000000e+00> : vector<1000xf32>
    %reduce_sum3A_18 = vector.multi_reduction <add>, %mul3A_17, %reduce_sum3A [1] : vector<1000x42xf32> to vector<1000xf32>
    %broadcast_in_dim3A_19 = vector.shape_cast %reduce_sum3A_18 : vector<1000xf32> to vector<1000x1xf32>
    %slice3A_20 = vector.extract_strided_slice %get3A_14 {offsets = [0, 0], sizes = [1, 42], strides = [1, 1]} : vector<6x42xf32> to vector<1x42xf32>
    %squeeze3A_21 = vector.shape_cast %slice3A_20 : vector<1x42xf32> to vector<42xf32>
    %broadcast_in_dim3A_22 = vector.shape_cast %squeeze3A_21 : vector<42xf32> to vector<1x42xf32>
    %mul3A_23 = vector.broadcast %broadcast_in_dim3A_22 : vector<1x42xf32> to vector<1000x42xf32>
    %mul3A_24 = arith.mulf %slice3A, %mul3A_23 : vector<1000x42xf32>
    %reduce_sum3A_25 = arith.constant dense<0.000000e+00> : vector<1000xf32>
    %reduce_sum3A_26 = vector.multi_reduction <add>, %mul3A_24, %reduce_sum3A_25 [1] : vector<1000x42xf32> to vector<1000xf32>
    %broadcast_in_dim3A_27 = vector.shape_cast %reduce_sum3A_26 : vector<1000xf32> to vector<1000x1xf32>
    %concatenate3A = tpu.concatenate %slice3A, %broadcast_in_dim3A_6, %broadcast_in_dim3A_8 in 1 : vector<1000x42xf32>, vector<1000x1xf32>, vector<1000x5xf32> -> vector<1000x48xf32>
    %slice3A_28 = vector.extract_strided_slice %dot_general3A_5 {offsets = [0, 42], sizes = [1000, 42], strides = [1, 1]} : vector<1000x252xf32> to vector<1000x42xf32>
    %slice3A_29 = vector.extract_strided_slice %get3A_11 {offsets = [1, 0], sizes = [1, 42], strides = [1, 1]} : vector<6x42xf32> to vector<1x42xf32>
    %squeeze3A_30 = vector.shape_cast %slice3A_29 : vector<1x42xf32> to vector<42xf32>
    %broadcast_in_dim3A_31 = vector.shape_cast %squeeze3A_30 : vector<42xf32> to vector<1x42xf32>
    %mul3A_32 = vector.broadcast %broadcast_in_dim3A_31 : vector<1x42xf32> to vector<1000x42xf32>
    %mul3A_33 = arith.mulf %slice3A_28, %mul3A_32 : vector<1000x42xf32>
    %reduce_sum3A_34 = arith.constant dense<0.000000e+00> : vector<1000xf32>
    %reduce_sum3A_35 = vector.multi_reduction <add>, %mul3A_33, %reduce_sum3A_34 [1] : vector<1000x42xf32> to vector<1000xf32>
    %broadcast_in_dim3A_36 = vector.shape_cast %reduce_sum3A_35 : vector<1000xf32> to vector<1000x1xf32>
    %slice3A_37 = vector.extract_strided_slice %get3A_14 {offsets = [1, 0], sizes = [1, 42], strides = [1, 1]} : vector<6x42xf32> to vector<1x42xf32>
    %squeeze3A_38 = vector.shape_cast %slice3A_37 : vector<1x42xf32> to vector<42xf32>
    %broadcast_in_dim3A_39 = vector.shape_cast %squeeze3A_38 : vector<42xf32> to vector<1x42xf32>
    %mul3A_40 = vector.broadcast %broadcast_in_dim3A_39 : vector<1x42xf32> to vector<1000x42xf32>
    %mul3A_41 = arith.mulf %slice3A_28, %mul3A_40 : vector<1000x42xf32>
    %reduce_sum3A_42 = arith.constant dense<0.000000e+00> : vector<1000xf32>
    %reduce_sum3A_43 = vector.multi_reduction <add>, %mul3A_41, %reduce_sum3A_42 [1] : vector<1000x42xf32> to vector<1000xf32>
    %broadcast_in_dim3A_44 = vector.shape_cast %reduce_sum3A_43 : vector<1000xf32> to vector<1000x1xf32>
    %concatenate3A_45 = tpu.concatenate %slice3A_28, %broadcast_in_dim3A_6, %broadcast_in_dim3A_8 in 1 : vector<1000x42xf32>, vector<1000x1xf32>, vector<1000x5xf32> -> vector<1000x48xf32>
    %slice3A_46 = vector.extract_strided_slice %dot_general3A_5 {offsets = [0, 84], sizes = [1000, 42], strides = [1, 1]} : vector<1000x252xf32> to vector<1000x42xf32>
    %slice3A_47 = vector.extract_strided_slice %get3A_11 {offsets = [2, 0], sizes = [1, 42], strides = [1, 1]} : vector<6x42xf32> to vector<1x42xf32>
    %squeeze3A_48 = vector.shape_cast %slice3A_47 : vector<1x42xf32> to vector<42xf32>
    %broadcast_in_dim3A_49 = vector.shape_cast %squeeze3A_48 : vector<42xf32> to vector<1x42xf32>
    %mul3A_50 = vector.broadcast %broadcast_in_dim3A_49 : vector<1x42xf32> to vector<1000x42xf32>
    %mul3A_51 = arith.mulf %slice3A_46, %mul3A_50 : vector<1000x42xf32>
    %reduce_sum3A_52 = arith.constant dense<0.000000e+00> : vector<1000xf32>
    %reduce_sum3A_53 = vector.multi_reduction <add>, %mul3A_51, %reduce_sum3A_52 [1] : vector<1000x42xf32> to vector<1000xf32>
    %broadcast_in_dim3A_54 = vector.shape_cast %reduce_sum3A_53 : vector<1000xf32> to vector<1000x1xf32>
    %slice3A_55 = vector.extract_strided_slice %get3A_14 {offsets = [2, 0], sizes = [1, 42], strides = [1, 1]} : vector<6x42xf32> to vector<1x42xf32>
    %squeeze3A_56 = vector.shape_cast %slice3A_55 : vector<1x42xf32> to vector<42xf32>
    %broadcast_in_dim3A_57 = vector.shape_cast %squeeze3A_56 : vector<42xf32> to vector<1x42xf32>
    %mul3A_58 = vector.broadcast %broadcast_in_dim3A_57 : vector<1x42xf32> to vector<1000x42xf32>
    %mul3A_59 = arith.mulf %slice3A_46, %mul3A_58 : vector<1000x42xf32>
    %reduce_sum3A_60 = arith.constant dense<0.000000e+00> : vector<1000xf32>
    %reduce_sum3A_61 = vector.multi_reduction <add>, %mul3A_59, %reduce_sum3A_60 [1] : vector<1000x42xf32> to vector<1000xf32>
    %broadcast_in_dim3A_62 = vector.shape_cast %reduce_sum3A_61 : vector<1000xf32> to vector<1000x1xf32>
    %concatenate3A_63 = tpu.concatenate %slice3A_46, %broadcast_in_dim3A_6, %broadcast_in_dim3A_8 in 1 : vector<1000x42xf32>, vector<1000x1xf32>, vector<1000x5xf32> -> vector<1000x48xf32>
    %slice3A_64 = vector.extract_strided_slice %dot_general3A_5 {offsets = [0, 126], sizes = [1000, 42], strides = [1, 1]} : vector<1000x252xf32> to vector<1000x42xf32>
    %slice3A_65 = vector.extract_strided_slice %get3A_11 {offsets = [3, 0], sizes = [1, 42], strides = [1, 1]} : vector<6x42xf32> to vector<1x42xf32>
    %squeeze3A_66 = vector.shape_cast %slice3A_65 : vector<1x42xf32> to vector<42xf32>
    %broadcast_in_dim3A_67 = vector.shape_cast %squeeze3A_66 : vector<42xf32> to vector<1x42xf32>
    %mul3A_68 = vector.broadcast %broadcast_in_dim3A_67 : vector<1x42xf32> to vector<1000x42xf32>
    %mul3A_69 = arith.mulf %slice3A_64, %mul3A_68 : vector<1000x42xf32>
    %reduce_sum3A_70 = arith.constant dense<0.000000e+00> : vector<1000xf32>
    %reduce_sum3A_71 = vector.multi_reduction <add>, %mul3A_69, %reduce_sum3A_70 [1] : vector<1000x42xf32> to vector<1000xf32>
    %broadcast_in_dim3A_72 = vector.shape_cast %reduce_sum3A_71 : vector<1000xf32> to vector<1000x1xf32>
    %slice3A_73 = vector.extract_strided_slice %get3A_14 {offsets = [3, 0], sizes = [1, 42], strides = [1, 1]} : vector<6x42xf32> to vector<1x42xf32>
    %squeeze3A_74 = vector.shape_cast %slice3A_73 : vector<1x42xf32> to vector<42xf32>
    %broadcast_in_dim3A_75 = vector.shape_cast %squeeze3A_74 : vector<42xf32> to vector<1x42xf32>
    %mul3A_76 = vector.broadcast %broadcast_in_dim3A_75 : vector<1x42xf32> to vector<1000x42xf32>
    %mul3A_77 = arith.mulf %slice3A_64, %mul3A_76 : vector<1000x42xf32>
    %reduce_sum3A_78 = arith.constant dense<0.000000e+00> : vector<1000xf32>
    %reduce_sum3A_79 = vector.multi_reduction <add>, %mul3A_77, %reduce_sum3A_78 [1] : vector<1000x42xf32> to vector<1000xf32>
    %broadcast_in_dim3A_80 = vector.shape_cast %reduce_sum3A_79 : vector<1000xf32> to vector<1000x1xf32>
    %concatenate3A_81 = tpu.concatenate %slice3A_64, %broadcast_in_dim3A_6, %broadcast_in_dim3A_8 in 1 : vector<1000x42xf32>, vector<1000x1xf32>, vector<1000x5xf32> -> vector<1000x48xf32>
    %slice3A_82 = vector.extract_strided_slice %dot_general3A_5 {offsets = [0, 168], sizes = [1000, 42], strides = [1, 1]} : vector<1000x252xf32> to vector<1000x42xf32>
    %slice3A_83 = vector.extract_strided_slice %get3A_11 {offsets = [4, 0], sizes = [1, 42], strides = [1, 1]} : vector<6x42xf32> to vector<1x42xf32>
    %squeeze3A_84 = vector.shape_cast %slice3A_83 : vector<1x42xf32> to vector<42xf32>
    %broadcast_in_dim3A_85 = vector.shape_cast %squeeze3A_84 : vector<42xf32> to vector<1x42xf32>
    %mul3A_86 = vector.broadcast %broadcast_in_dim3A_85 : vector<1x42xf32> to vector<1000x42xf32>
    %mul3A_87 = arith.mulf %slice3A_82, %mul3A_86 : vector<1000x42xf32>
    %reduce_sum3A_88 = arith.constant dense<0.000000e+00> : vector<1000xf32>
    %reduce_sum3A_89 = vector.multi_reduction <add>, %mul3A_87, %reduce_sum3A_88 [1] : vector<1000x42xf32> to vector<1000xf32>
    %broadcast_in_dim3A_90 = vector.shape_cast %reduce_sum3A_89 : vector<1000xf32> to vector<1000x1xf32>
    %slice3A_91 = vector.extract_strided_slice %get3A_14 {offsets = [4, 0], sizes = [1, 42], strides = [1, 1]} : vector<6x42xf32> to vector<1x42xf32>
    %squeeze3A_92 = vector.shape_cast %slice3A_91 : vector<1x42xf32> to vector<42xf32>
    %broadcast_in_dim3A_93 = vector.shape_cast %squeeze3A_92 : vector<42xf32> to vector<1x42xf32>
    %mul3A_94 = vector.broadcast %broadcast_in_dim3A_93 : vector<1x42xf32> to vector<1000x42xf32>
    %mul3A_95 = arith.mulf %slice3A_82, %mul3A_94 : vector<1000x42xf32>
    %reduce_sum3A_96 = arith.constant dense<0.000000e+00> : vector<1000xf32>
    %reduce_sum3A_97 = vector.multi_reduction <add>, %mul3A_95, %reduce_sum3A_96 [1] : vector<1000x42xf32> to vector<1000xf32>
    %broadcast_in_dim3A_98 = vector.shape_cast %reduce_sum3A_97 : vector<1000xf32> to vector<1000x1xf32>
    %concatenate3A_99 = tpu.concatenate %slice3A_82, %broadcast_in_dim3A_6, %broadcast_in_dim3A_8 in 1 : vector<1000x42xf32>, vector<1000x1xf32>, vector<1000x5xf32> -> vector<1000x48xf32>
    %slice3A_100 = vector.extract_strided_slice %dot_general3A_5 {offsets = [0, 210], sizes = [1000, 42], strides = [1, 1]} : vector<1000x252xf32> to vector<1000x42xf32>
    %slice3A_101 = vector.extract_strided_slice %get3A_11 {offsets = [5, 0], sizes = [1, 42], strides = [1, 1]} : vector<6x42xf32> to vector<1x42xf32>
    %squeeze3A_102 = vector.shape_cast %slice3A_101 : vector<1x42xf32> to vector<42xf32>
    %broadcast_in_dim3A_103 = vector.shape_cast %squeeze3A_102 : vector<42xf32> to vector<1x42xf32>
    %mul3A_104 = vector.broadcast %broadcast_in_dim3A_103 : vector<1x42xf32> to vector<1000x42xf32>
    %mul3A_105 = arith.mulf %slice3A_100, %mul3A_104 : vector<1000x42xf32>
    %reduce_sum3A_106 = arith.constant dense<0.000000e+00> : vector<1000xf32>
    %reduce_sum3A_107 = vector.multi_reduction <add>, %mul3A_105, %reduce_sum3A_106 [1] : vector<1000x42xf32> to vector<1000xf32>
    %broadcast_in_dim3A_108 = vector.shape_cast %reduce_sum3A_107 : vector<1000xf32> to vector<1000x1xf32>
    %slice3A_109 = vector.extract_strided_slice %get3A_14 {offsets = [5, 0], sizes = [1, 42], strides = [1, 1]} : vector<6x42xf32> to vector<1x42xf32>
    %squeeze3A_110 = vector.shape_cast %slice3A_109 : vector<1x42xf32> to vector<42xf32>
    %broadcast_in_dim3A_111 = vector.shape_cast %squeeze3A_110 : vector<42xf32> to vector<1x42xf32>
    %mul3A_112 = vector.broadcast %broadcast_in_dim3A_111 : vector<1x42xf32> to vector<1000x42xf32>
    %mul3A_113 = arith.mulf %slice3A_100, %mul3A_112 : vector<1000x42xf32>
    %reduce_sum3A_114 = arith.constant dense<0.000000e+00> : vector<1000xf32>
    %reduce_sum3A_115 = vector.multi_reduction <add>, %mul3A_113, %reduce_sum3A_114 [1] : vector<1000x42xf32> to vector<1000xf32>
    %broadcast_in_dim3A_116 = vector.shape_cast %reduce_sum3A_115 : vector<1000xf32> to vector<1000x1xf32>
    %concatenate3A_117 = tpu.concatenate %slice3A_100, %broadcast_in_dim3A_6, %broadcast_in_dim3A_8 in 1 : vector<1000x42xf32>, vector<1000x1xf32>, vector<1000x5xf32> -> vector<1000x48xf32>
    %concatenate3A_118 = tpu.concatenate %concatenate3A, %concatenate3A_45, %concatenate3A_63 in 1 : vector<1000x48xf32>, vector<1000x48xf32>, vector<1000x48xf32> -> vector<1000x144xf32>
    %swap3A = arith.constant 0 : index
    %swap3A_119 = arith.constant 0 : index
    %swap3A_120 = vector.load %arg5[%swap3A, %swap3A_119] : memref<1000x144xf32, #tpu.memory_space<vmem>>, vector<1000x144xf32>
    tpu.vector_store %arg5[%swap3A, %swap3A_119], %concatenate3A_118 {strides = array<i32>} : memref<1000x144xf32, #tpu.memory_space<vmem>>, vector<1000x144xf32>,
    %concatenate3A_121 = tpu.concatenate %concatenate3A_81, %concatenate3A_99, %concatenate3A_117 in 1 : vector<1000x48xf32>, vector<1000x48xf32>, vector<1000x48xf32> -> vector<1000x144xf32>
    %swap3A_122 = arith.constant 0 : index
    %swap3A_123 = arith.constant 0 : index
    %swap3A_124 = vector.load %arg6[%swap3A_122, %swap3A_123] : memref<1000x144xf32, #tpu.memory_space<vmem>>, vector<1000x144xf32>
    tpu.vector_store %arg6[%swap3A_122, %swap3A_123], %concatenate3A_121 {strides = array<i32>} : memref<1000x144xf32, #tpu.memory_space<vmem>>, vector<1000x144xf32>,
    %broadcast_in_dim3A_125 = arith.constant 0.000000e+00 : f32
    %broadcast_in_dim3A_126 = vector.broadcast %broadcast_in_dim3A_125 : f32 to vector<1000x10xf32>
    %concatenate3A_127 = tpu.concatenate %broadcast_in_dim3A_19, %broadcast_in_dim3A_36, %broadcast_in_dim3A_54, %broadcast_in_dim3A_72, %broadcast_in_dim3A_90, %broadcast_in_dim3A_108, %broadcast_in_dim3A_126 in 1 : vector<1000x1xf32>, vector<1000x1xf32>, vector<1000x1xf32>, vector<1000x1xf32>, vector<1000x1xf32>, vector<1000x1xf32>, vector<1000x10xf32> -> vector<1000x16xf32>
    %swap3A_128 = arith.constant 0 : index
    %swap3A_129 = arith.constant 0 : index
    %swap3A_130 = vector.load %arg7[%swap3A_128, %swap3A_129] : memref<1000x16xf32, #tpu.memory_space<vmem>>, vector<1000x16xf32>
    tpu.vector_store %arg7[%swap3A_128, %swap3A_129], %concatenate3A_127 {strides = array<i32>} : memref<1000x16xf32, #tpu.memory_space<vmem>>, vector<1000x16xf32>,
    %concatenate3A_131 = tpu.concatenate %broadcast_in_dim3A_27, %broadcast_in_dim3A_44, %broadcast_in_dim3A_62, %broadcast_in_dim3A_80, %broadcast_in_dim3A_98, %broadcast_in_dim3A_116, %broadcast_in_dim3A_126 in 1 : vector<1000x1xf32>, vector<1000x1xf32>, vector<1000x1xf32>, vector<1000x1xf32>, vector<1000x1xf32>, vector<1000x1xf32>, vector<1000x10xf32> -> vector<1000x16xf32>
    %swap3A_132 = arith.constant 0 : index
    %swap3A_133 = arith.constant 0 : index
    %swap3A_134 = vector.load %arg8[%swap3A_132, %swap3A_133] : memref<1000x16xf32, #tpu.memory_space<vmem>>, vector<1000x16xf32>
    tpu.vector_store %arg8[%swap3A_132, %swap3A_133], %concatenate3A_131 {strides = array<i32>} : memref<1000x16xf32, #tpu.memory_space<vmem>>, vector<1000x16xf32>,
    %concatenate3A_135 = tpu.concatenate %get3A_1, %broadcast_in_dim3A_6, %broadcast_in_dim3A_8 in 1 : vector<1000x42xf32>, vector<1000x1xf32>, vector<1000x5xf32> -> vector<1000x48xf32>
    %swap3A_136 = arith.constant 0 : index
    %swap3A_137 = arith.constant 0 : index
    %swap3A_138 = vector.load %arg9[%swap3A_136, %swap3A_137] : memref<1000x48xf32, #tpu.memory_space<vmem>>, vector<1000x48xf32>
    tpu.vector_store %arg9[%swap3A_136, %swap3A_137], %concatenate3A_135 {strides = array<i32>} : memref<1000x48xf32, #tpu.memory_space<vmem>>, vector<1000x48xf32>,
    return
  }
  func.func @transform_0(%arg0: i32) -> (i32, i32) {
    %c0_i32 = arith.constant 0 : i32
    %c0_i32_0 = arith.constant 0 : i32
    return %arg0, %c0_i32 : i32, i32
  }
  func.func @transform_1(%arg0: i32) -> (i32, i32) {
    %c0_i32 = arith.constant 0 : i32
    %c0_i32_0 = arith.constant 0 : i32
    %c0_i32_1 = arith.constant 0 : i32
    return %c0_i32, %c0_i32_0 : i32, i32
  }
  func.func @transform_2(%arg0: i32) -> (i32, i32) {
    %c0_i32 = arith.constant 0 : i32
    %c0_i32_0 = arith.constant 0 : i32
    %c0_i32_1 = arith.constant 0 : i32
    return %c0_i32, %c0_i32_0 : i32, i32
  }
  func.func @transform_3(%arg0: i32) -> (i32, i32) {
    %c0_i32 = arith.constant 0 : i32
    %c0_i32_0 = arith.constant 0 : i32
    %c0_i32_1 = arith.constant 0 : i32
    return %c0_i32, %c0_i32_0 : i32, i32
  }
  func.func @transform_4(%arg0: i32) -> (i32, i32) {
    %c0_i32 = arith.constant 0 : i32
    %c0_i32_0 = arith.constant 0 : i32
    return %arg0, %c0_i32 : i32, i32
  }
  func.func @transform_5(%arg0: i32) -> (i32, i32) {
    %c0_i32 = arith.constant 0 : i32
    %c0_i32_0 = arith.constant 0 : i32
    return %arg0, %c0_i32 : i32, i32
  }
  func.func @transform_6(%arg0: i32) -> (i32, i32) {
    %c0_i32 = arith.constant 0 : i32
    %c0_i32_0 = arith.constant 0 : i32
    return %arg0, %c0_i32 : i32, i32
  }
  func.func @transform_7(%arg0: i32) -> (i32, i32) {
    %c0_i32 = arith.constant 0 : i32
    %c0_i32_0 = arith.constant 0 : i32
    return %arg0, %c0_i32 : i32, i32
  }
  func.func @transform_8(%arg0: i32) -> (i32, i32) {
    %c0_i32 = arith.constant 0 : i32
    %c0_i32_0 = arith.constant 0 : i32
    return %arg0, %c0_i32 : i32, i32
  }
}

module attributes {stable_mosaic.version = 14 : i64} {
  func.func @_nodes_body(%arg0: i32, %arg1: memref<1000x42xf32, #tpu.memory_space<vmem>>, %arg2: memref<1000x48xf32, #tpu.memory_space<vmem>>, %arg3: memref<1000x144xf32, #tpu.memory_space<vmem>>, %arg4: memref<1000x144xf32, #tpu.memory_space<vmem>>, %arg5: memref<42x42xf32, #tpu.memory_space<vmem>>, %arg6: memref<42xf32, #tpu.memory_space<vmem>>, %arg7: memref<6x42xf32, #tpu.memory_space<vmem>>, %arg8: memref<6x1000x84xf32, #tpu.memory_space<vmem>>) attributes {dimension_semantics = [#tpu.dimension_semantics<arbitrary>], iteration_bounds = array<i64: 10>, scalar_prefetch = 0 : i64, scratch_operands = 0 : i64, tpu.core_type = #tpu.core_type<tc>, window_params = [{transform_indices = @transform_0, window_bounds = array<i64: 1000, 42>}, {transform_indices = @transform_1, window_bounds = array<i64: 1000, 48>}, {transform_indices = @transform_2, window_bounds = array<i64: 1000, 144>}, {transform_indices = @transform_3, window_bounds = array<i64: 1000, 144>}, {pipeline_mode = #tpu.pipeline_mode<synchronous>, transform_indices = @transform_4, window_bounds = array<i64: 42, 42>}, {pipeline_mode = #tpu.pipeline_mode<synchronous>, transform_indices = @transform_5, window_bounds = array<i64: 42>}, {pipeline_mode = #tpu.pipeline_mode<synchronous>, transform_indices = @transform_6, window_bounds = array<i64: 6, 42>}, {transform_indices = @transform_7, window_bounds = array<i64: 6, 1000, 84>}]} {
    %get3A = arith.constant 0 : index
    %get3A_0 = arith.constant 0 : index
    %get3A_1 = vector.load %arg1[%get3A, %get3A_0] : memref<1000x42xf32, #tpu.memory_space<vmem>>, vector<1000x42xf32>
    %get3A_2 = arith.constant 0 : index
    %get3A_3 = arith.constant 0 : index
    %get3A_4 = vector.load %arg2[%get3A_2, %get3A_3] : memref<1000x48xf32, #tpu.memory_space<vmem>>, vector<1000x48xf32>
    %slice3A = vector.extract_strided_slice %get3A_4 {offsets = [0, 42], sizes = [1000, 1], strides = [1, 1]} : vector<1000x48xf32> to vector<1000x1xf32>
    %gt3A = arith.constant 0.000000e+00 : f32
    %gt3A_5 = vector.broadcast %gt3A : f32 to vector<1000x1xf32>
    %gt3A_6 = arith.cmpf ogt, %slice3A, %gt3A_5 : vector<1000x1xf32>
    %slice3A_7 = vector.extract_strided_slice %get3A_4 {offsets = [0, 0], sizes = [1000, 42], strides = [1, 1]} : vector<1000x48xf32> to vector<1000x42xf32>
    %max3A = arith.constant 1.000000e+00 : f32
    %max3A_8 = vector.broadcast %max3A : f32 to vector<1000x1xf32>
    %max3A_9 = arith.maximumf %slice3A, %max3A_8 : vector<1000x1xf32>
    %div3A = vector.broadcast %max3A_9 : vector<1000x1xf32> to vector<1000x42xf32>
    %div3A_10 = arith.divf %slice3A_7, %div3A : vector<1000x42xf32>
    %jit3A = arith.constant 0.000000e+00 : f32
    %broadcast_in_dim3A = vector.shape_cast %gt3A_6 : vector<1000x1xi1> to vector<1000x1xi1>
    %broadcast_in_dim3A_11 = vector.broadcast %broadcast_in_dim3A : vector<1000x1xi1> to vector<1000x42xi1>
    %broadcast_in_dim3A_12 = vector.broadcast %jit3A : f32 to vector<1000x42xf32>
    %select_n3A = arith.select %broadcast_in_dim3A_11, %div3A_10, %broadcast_in_dim3A_12 : vector<1000x42xi1>, vector<1000x42xf32>
    %add3A = arith.addf %get3A_1, %select_n3A : vector<1000x42xf32>
    %get3A_13 = arith.constant 0 : index
    %get3A_14 = arith.constant 0 : index
    %get3A_15 = vector.load %arg5[%get3A_13, %get3A_14] : memref<42x42xf32, #tpu.memory_space<vmem>>, vector<42x42xf32>
    %dot_general3A = arith.constant dense<0.000000e+00> : vector<1000x42xf32>
    %dot_general3A_16 = tpu.matmul %add3A, %get3A_15, %dot_general3A {dimension_numbers = #tpu.dot_dimension_numbers<[1], [0], [0], [1], [0, 0, 1, 1], [], []>, transpose_lhs_hint = false} : vector<1000x42xf32>, vector<42x42xf32>, vector<1000x42xf32> -> vector<1000x42xf32>
    %get3A_17 = arith.constant 0 : index
    %get3A_18 = vector.load %arg6[%get3A_17] : memref<42xf32, #tpu.memory_space<vmem>>, vector<42xf32>
    %broadcast_in_dim3A_19 = vector.shape_cast %get3A_18 : vector<42xf32> to vector<1x42xf32>
    %add3A_20 = vector.broadcast %broadcast_in_dim3A_19 : vector<1x42xf32> to vector<1000x42xf32>
    %add3A_21 = arith.addf %dot_general3A_16, %add3A_20 : vector<1000x42xf32>
    %get3A_22 = arith.constant 0 : index
    %get3A_23 = arith.constant 0 : index
    %get3A_24 = vector.load %arg7[%get3A_22, %get3A_23] : memref<6x42xf32, #tpu.memory_space<vmem>>, vector<6x42xf32>
    %get3A_25 = arith.constant 0 : index
    %get3A_26 = arith.constant 0 : index
    %get3A_27 = vector.load %arg3[%get3A_25, %get3A_26] : memref<1000x144xf32, #tpu.memory_space<vmem>>, vector<1000x48xf32>
    %slice3A_28 = vector.extract_strided_slice %get3A_27 {offsets = [0, 42], sizes = [1000, 1], strides = [1, 1]} : vector<1000x48xf32> to vector<1000x1xf32>
    %max3A_29 = arith.constant 9.99999971E-10 : f32
    %max3A_30 = vector.broadcast %max3A_29 : f32 to vector<1000x1xf32>
    %max3A_31 = arith.maximumf %slice3A_28, %max3A_30 : vector<1000x1xf32>
    %slice3A_32 = vector.extract_strided_slice %get3A_27 {offsets = [0, 0], sizes = [1000, 42], strides = [1, 1]} : vector<1000x48xf32> to vector<1000x42xf32>
    %div3A_33 = vector.broadcast %max3A_31 : vector<1000x1xf32> to vector<1000x42xf32>
    %div3A_34 = arith.divf %slice3A_32, %div3A_33 : vector<1000x42xf32>
    %slice3A_35 = vector.extract_strided_slice %get3A_24 {offsets = [0, 0], sizes = [1, 42], strides = [1, 1]} : vector<6x42xf32> to vector<1x42xf32>
    %squeeze3A = vector.shape_cast %slice3A_35 : vector<1x42xf32> to vector<42xf32>
    %broadcast_in_dim3A_36 = vector.shape_cast %squeeze3A : vector<42xf32> to vector<1x42xf32>
    %add3A_37 = vector.broadcast %broadcast_in_dim3A_36 : vector<1x42xf32> to vector<1000x42xf32>
    %add3A_38 = arith.addf %div3A_34, %add3A_37 : vector<1000x42xf32>
    %concatenate3A = tpu.concatenate %add3A_21, %add3A_38 in 1 : vector<1000x42xf32>, vector<1000x42xf32> -> vector<1000x84xf32>
    %swap3A = arith.constant 0 : index
    %swap3A_39 = arith.constant 0 : index
    %swap3A_40 = arith.constant 0 : index
    %swap3A_41 = vector.load %arg8[%swap3A, %swap3A_39, %swap3A_40] : memref<6x1000x84xf32, #tpu.memory_space<vmem>>, vector<1x1000x84xf32>
    %swap3A_42 = vector.shape_cast %swap3A_41 : vector<1x1000x84xf32> to vector<1000x84xf32>
    %swap3A_43 = vector.shape_cast %concatenate3A : vector<1000x84xf32> to vector<1x1000x84xf32>
    tpu.vector_store %arg8[%swap3A, %swap3A_39, %swap3A_40], %swap3A_43 {strides = array<i32>} : memref<6x1000x84xf32, #tpu.memory_space<vmem>>, vector<1x1000x84xf32>,
    %get3A_44 = arith.constant 0 : index
    %get3A_45 = arith.constant 48 : index
    %get3A_46 = vector.load %arg3[%get3A_44, %get3A_45] : memref<1000x144xf32, #tpu.memory_space<vmem>>, vector<1000x48xf32>
    %slice3A_47 = vector.extract_strided_slice %get3A_46 {offsets = [0, 42], sizes = [1000, 1], strides = [1, 1]} : vector<1000x48xf32> to vector<1000x1xf32>
    %max3A_48 = arith.constant 9.99999971E-10 : f32
    %max3A_49 = vector.broadcast %max3A_48 : f32 to vector<1000x1xf32>
    %max3A_50 = arith.maximumf %slice3A_47, %max3A_49 : vector<1000x1xf32>
    %slice3A_51 = vector.extract_strided_slice %get3A_46 {offsets = [0, 0], sizes = [1000, 42], strides = [1, 1]} : vector<1000x48xf32> to vector<1000x42xf32>
    %div3A_52 = vector.broadcast %max3A_50 : vector<1000x1xf32> to vector<1000x42xf32>
    %div3A_53 = arith.divf %slice3A_51, %div3A_52 : vector<1000x42xf32>
    %slice3A_54 = vector.extract_strided_slice %get3A_24 {offsets = [1, 0], sizes = [1, 42], strides = [1, 1]} : vector<6x42xf32> to vector<1x42xf32>
    %squeeze3A_55 = vector.shape_cast %slice3A_54 : vector<1x42xf32> to vector<42xf32>
    %broadcast_in_dim3A_56 = vector.shape_cast %squeeze3A_55 : vector<42xf32> to vector<1x42xf32>
    %add3A_57 = vector.broadcast %broadcast_in_dim3A_56 : vector<1x42xf32> to vector<1000x42xf32>
    %add3A_58 = arith.addf %div3A_53, %add3A_57 : vector<1000x42xf32>
    %concatenate3A_59 = tpu.concatenate %add3A_21, %add3A_58 in 1 : vector<1000x42xf32>, vector<1000x42xf32> -> vector<1000x84xf32>
    %swap3A_60 = arith.constant 1 : index
    %swap3A_61 = arith.constant 0 : index
    %swap3A_62 = arith.constant 0 : index
    %swap3A_63 = vector.load %arg8[%swap3A_60, %swap3A_61, %swap3A_62] : memref<6x1000x84xf32, #tpu.memory_space<vmem>>, vector<1x1000x84xf32>
    %swap3A_64 = vector.shape_cast %swap3A_63 : vector<1x1000x84xf32> to vector<1000x84xf32>
    %swap3A_65 = vector.shape_cast %concatenate3A_59 : vector<1000x84xf32> to vector<1x1000x84xf32>
    tpu.vector_store %arg8[%swap3A_60, %swap3A_61, %swap3A_62], %swap3A_65 {strides = array<i32>} : memref<6x1000x84xf32, #tpu.memory_space<vmem>>, vector<1x1000x84xf32>,
    %get3A_66 = arith.constant 0 : index
    %get3A_67 = arith.constant 96 : index
    %get3A_68 = vector.load %arg3[%get3A_66, %get3A_67] : memref<1000x144xf32, #tpu.memory_space<vmem>>, vector<1000x48xf32>
    %slice3A_69 = vector.extract_strided_slice %get3A_68 {offsets = [0, 42], sizes = [1000, 1], strides = [1, 1]} : vector<1000x48xf32> to vector<1000x1xf32>
    %max3A_70 = arith.constant 9.99999971E-10 : f32
    %max3A_71 = vector.broadcast %max3A_70 : f32 to vector<1000x1xf32>
    %max3A_72 = arith.maximumf %slice3A_69, %max3A_71 : vector<1000x1xf32>
    %slice3A_73 = vector.extract_strided_slice %get3A_68 {offsets = [0, 0], sizes = [1000, 42], strides = [1, 1]} : vector<1000x48xf32> to vector<1000x42xf32>
    %div3A_74 = vector.broadcast %max3A_72 : vector<1000x1xf32> to vector<1000x42xf32>
    %div3A_75 = arith.divf %slice3A_73, %div3A_74 : vector<1000x42xf32>
    %slice3A_76 = vector.extract_strided_slice %get3A_24 {offsets = [2, 0], sizes = [1, 42], strides = [1, 1]} : vector<6x42xf32> to vector<1x42xf32>
    %squeeze3A_77 = vector.shape_cast %slice3A_76 : vector<1x42xf32> to vector<42xf32>
    %broadcast_in_dim3A_78 = vector.shape_cast %squeeze3A_77 : vector<42xf32> to vector<1x42xf32>
    %add3A_79 = vector.broadcast %broadcast_in_dim3A_78 : vector<1x42xf32> to vector<1000x42xf32>
    %add3A_80 = arith.addf %div3A_75, %add3A_79 : vector<1000x42xf32>
    %concatenate3A_81 = tpu.concatenate %add3A_21, %add3A_80 in 1 : vector<1000x42xf32>, vector<1000x42xf32> -> vector<1000x84xf32>
    %swap3A_82 = arith.constant 2 : index
    %swap3A_83 = arith.constant 0 : index
    %swap3A_84 = arith.constant 0 : index
    %swap3A_85 = vector.load %arg8[%swap3A_82, %swap3A_83, %swap3A_84] : memref<6x1000x84xf32, #tpu.memory_space<vmem>>, vector<1x1000x84xf32>
    %swap3A_86 = vector.shape_cast %swap3A_85 : vector<1x1000x84xf32> to vector<1000x84xf32>
    %swap3A_87 = vector.shape_cast %concatenate3A_81 : vector<1000x84xf32> to vector<1x1000x84xf32>
    tpu.vector_store %arg8[%swap3A_82, %swap3A_83, %swap3A_84], %swap3A_87 {strides = array<i32>} : memref<6x1000x84xf32, #tpu.memory_space<vmem>>, vector<1x1000x84xf32>,
    %get3A_88 = arith.constant 0 : index
    %get3A_89 = arith.constant 0 : index
    %get3A_90 = vector.load %arg4[%get3A_88, %get3A_89] : memref<1000x144xf32, #tpu.memory_space<vmem>>, vector<1000x48xf32>
    %slice3A_91 = vector.extract_strided_slice %get3A_90 {offsets = [0, 42], sizes = [1000, 1], strides = [1, 1]} : vector<1000x48xf32> to vector<1000x1xf32>
    %max3A_92 = arith.constant 9.99999971E-10 : f32
    %max3A_93 = vector.broadcast %max3A_92 : f32 to vector<1000x1xf32>
    %max3A_94 = arith.maximumf %slice3A_91, %max3A_93 : vector<1000x1xf32>
    %slice3A_95 = vector.extract_strided_slice %get3A_90 {offsets = [0, 0], sizes = [1000, 42], strides = [1, 1]} : vector<1000x48xf32> to vector<1000x42xf32>
    %div3A_96 = vector.broadcast %max3A_94 : vector<1000x1xf32> to vector<1000x42xf32>
    %div3A_97 = arith.divf %slice3A_95, %div3A_96 : vector<1000x42xf32>
    %slice3A_98 = vector.extract_strided_slice %get3A_24 {offsets = [3, 0], sizes = [1, 42], strides = [1, 1]} : vector<6x42xf32> to vector<1x42xf32>
    %squeeze3A_99 = vector.shape_cast %slice3A_98 : vector<1x42xf32> to vector<42xf32>
    %broadcast_in_dim3A_100 = vector.shape_cast %squeeze3A_99 : vector<42xf32> to vector<1x42xf32>
    %add3A_101 = vector.broadcast %broadcast_in_dim3A_100 : vector<1x42xf32> to vector<1000x42xf32>
    %add3A_102 = arith.addf %div3A_97, %add3A_101 : vector<1000x42xf32>
    %concatenate3A_103 = tpu.concatenate %add3A_21, %add3A_102 in 1 : vector<1000x42xf32>, vector<1000x42xf32> -> vector<1000x84xf32>
    %swap3A_104 = arith.constant 3 : index
    %swap3A_105 = arith.constant 0 : index
    %swap3A_106 = arith.constant 0 : index
    %swap3A_107 = vector.load %arg8[%swap3A_104, %swap3A_105, %swap3A_106] : memref<6x1000x84xf32, #tpu.memory_space<vmem>>, vector<1x1000x84xf32>
    %swap3A_108 = vector.shape_cast %swap3A_107 : vector<1x1000x84xf32> to vector<1000x84xf32>
    %swap3A_109 = vector.shape_cast %concatenate3A_103 : vector<1000x84xf32> to vector<1x1000x84xf32>
    tpu.vector_store %arg8[%swap3A_104, %swap3A_105, %swap3A_106], %swap3A_109 {strides = array<i32>} : memref<6x1000x84xf32, #tpu.memory_space<vmem>>, vector<1x1000x84xf32>,
    %get3A_110 = arith.constant 0 : index
    %get3A_111 = arith.constant 48 : index
    %get3A_112 = vector.load %arg4[%get3A_110, %get3A_111] : memref<1000x144xf32, #tpu.memory_space<vmem>>, vector<1000x48xf32>
    %slice3A_113 = vector.extract_strided_slice %get3A_112 {offsets = [0, 42], sizes = [1000, 1], strides = [1, 1]} : vector<1000x48xf32> to vector<1000x1xf32>
    %max3A_114 = arith.constant 9.99999971E-10 : f32
    %max3A_115 = vector.broadcast %max3A_114 : f32 to vector<1000x1xf32>
    %max3A_116 = arith.maximumf %slice3A_113, %max3A_115 : vector<1000x1xf32>
    %slice3A_117 = vector.extract_strided_slice %get3A_112 {offsets = [0, 0], sizes = [1000, 42], strides = [1, 1]} : vector<1000x48xf32> to vector<1000x42xf32>
    %div3A_118 = vector.broadcast %max3A_116 : vector<1000x1xf32> to vector<1000x42xf32>
    %div3A_119 = arith.divf %slice3A_117, %div3A_118 : vector<1000x42xf32>
    %slice3A_120 = vector.extract_strided_slice %get3A_24 {offsets = [4, 0], sizes = [1, 42], strides = [1, 1]} : vector<6x42xf32> to vector<1x42xf32>
    %squeeze3A_121 = vector.shape_cast %slice3A_120 : vector<1x42xf32> to vector<42xf32>
    %broadcast_in_dim3A_122 = vector.shape_cast %squeeze3A_121 : vector<42xf32> to vector<1x42xf32>
    %add3A_123 = vector.broadcast %broadcast_in_dim3A_122 : vector<1x42xf32> to vector<1000x42xf32>
    %add3A_124 = arith.addf %div3A_119, %add3A_123 : vector<1000x42xf32>
    %concatenate3A_125 = tpu.concatenate %add3A_21, %add3A_124 in 1 : vector<1000x42xf32>, vector<1000x42xf32> -> vector<1000x84xf32>
    %swap3A_126 = arith.constant 4 : index
    %swap3A_127 = arith.constant 0 : index
    %swap3A_128 = arith.constant 0 : index
    %swap3A_129 = vector.load %arg8[%swap3A_126, %swap3A_127, %swap3A_128] : memref<6x1000x84xf32, #tpu.memory_space<vmem>>, vector<1x1000x84xf32>
    %swap3A_130 = vector.shape_cast %swap3A_129 : vector<1x1000x84xf32> to vector<1000x84xf32>
    %swap3A_131 = vector.shape_cast %concatenate3A_125 : vector<1000x84xf32> to vector<1x1000x84xf32>
    tpu.vector_store %arg8[%swap3A_126, %swap3A_127, %swap3A_128], %swap3A_131 {strides = array<i32>} : memref<6x1000x84xf32, #tpu.memory_space<vmem>>, vector<1x1000x84xf32>,
    %get3A_132 = arith.constant 0 : index
    %get3A_133 = arith.constant 96 : index
    %get3A_134 = vector.load %arg4[%get3A_132, %get3A_133] : memref<1000x144xf32, #tpu.memory_space<vmem>>, vector<1000x48xf32>
    %slice3A_135 = vector.extract_strided_slice %get3A_134 {offsets = [0, 42], sizes = [1000, 1], strides = [1, 1]} : vector<1000x48xf32> to vector<1000x1xf32>
    %max3A_136 = arith.constant 9.99999971E-10 : f32
    %max3A_137 = vector.broadcast %max3A_136 : f32 to vector<1000x1xf32>
    %max3A_138 = arith.maximumf %slice3A_135, %max3A_137 : vector<1000x1xf32>
    %slice3A_139 = vector.extract_strided_slice %get3A_134 {offsets = [0, 0], sizes = [1000, 42], strides = [1, 1]} : vector<1000x48xf32> to vector<1000x42xf32>
    %div3A_140 = vector.broadcast %max3A_138 : vector<1000x1xf32> to vector<1000x42xf32>
    %div3A_141 = arith.divf %slice3A_139, %div3A_140 : vector<1000x42xf32>
    %slice3A_142 = vector.extract_strided_slice %get3A_24 {offsets = [5, 0], sizes = [1, 42], strides = [1, 1]} : vector<6x42xf32> to vector<1x42xf32>
    %squeeze3A_143 = vector.shape_cast %slice3A_142 : vector<1x42xf32> to vector<42xf32>
    %broadcast_in_dim3A_144 = vector.shape_cast %squeeze3A_143 : vector<42xf32> to vector<1x42xf32>
    %add3A_145 = vector.broadcast %broadcast_in_dim3A_144 : vector<1x42xf32> to vector<1000x42xf32>
    %add3A_146 = arith.addf %div3A_141, %add3A_145 : vector<1000x42xf32>
    %concatenate3A_147 = tpu.concatenate %add3A_21, %add3A_146 in 1 : vector<1000x42xf32>, vector<1000x42xf32> -> vector<1000x84xf32>
    %swap3A_148 = arith.constant 5 : index
    %swap3A_149 = arith.constant 0 : index
    %swap3A_150 = arith.constant 0 : index
    %swap3A_151 = vector.load %arg8[%swap3A_148, %swap3A_149, %swap3A_150] : memref<6x1000x84xf32, #tpu.memory_space<vmem>>, vector<1x1000x84xf32>
    %swap3A_152 = vector.shape_cast %swap3A_151 : vector<1x1000x84xf32> to vector<1000x84xf32>
    %swap3A_153 = vector.shape_cast %concatenate3A_147 : vector<1000x84xf32> to vector<1x1000x84xf32>
    tpu.vector_store %arg8[%swap3A_148, %swap3A_149, %swap3A_150], %swap3A_153 {strides = array<i32>} : memref<6x1000x84xf32, #tpu.memory_space<vmem>>, vector<1x1000x84xf32>,
    return
  }
  func.func @transform_0(%arg0: i32) -> (i32, i32) {
    %c0_i32 = arith.constant 0 : i32
    %c0_i32_0 = arith.constant 0 : i32
    return %arg0, %c0_i32 : i32, i32
  }
  func.func @transform_1(%arg0: i32) -> (i32, i32) {
    %c0_i32 = arith.constant 0 : i32
    %c0_i32_0 = arith.constant 0 : i32
    return %arg0, %c0_i32 : i32, i32
  }
  func.func @transform_2(%arg0: i32) -> (i32, i32) {
    %c0_i32 = arith.constant 0 : i32
    %c0_i32_0 = arith.constant 0 : i32
    return %arg0, %c0_i32 : i32, i32
  }
  func.func @transform_3(%arg0: i32) -> (i32, i32) {
    %c0_i32 = arith.constant 0 : i32
    %c0_i32_0 = arith.constant 0 : i32
    return %arg0, %c0_i32 : i32, i32
  }
  func.func @transform_4(%arg0: i32) -> (i32, i32) {
    %c0_i32 = arith.constant 0 : i32
    %c0_i32_0 = arith.constant 0 : i32
    %c0_i32_1 = arith.constant 0 : i32
    return %c0_i32, %c0_i32_0 : i32, i32
  }
  func.func @transform_5(%arg0: i32) -> i32 {
    %c0_i32 = arith.constant 0 : i32
    %c0_i32_0 = arith.constant 0 : i32
    return %c0_i32 : i32
  }
  func.func @transform_6(%arg0: i32) -> (i32, i32) {
    %c0_i32 = arith.constant 0 : i32
    %c0_i32_0 = arith.constant 0 : i32
    %c0_i32_1 = arith.constant 0 : i32
    return %c0_i32, %c0_i32_0 : i32, i32
  }
  func.func @transform_7(%arg0: i32) -> (i32, i32, i32) {
    %c0_i32 = arith.constant 0 : i32
    %c0_i32_0 = arith.constant 0 : i32
    %c0_i32_1 = arith.constant 0 : i32
    return %c0_i32, %arg0, %c0_i32_0 : i32, i32, i32
  }
}

module attributes {stable_mosaic.version = 14 : i64} {
  func.func @_pool_body(%arg0: i32, %arg1: memref<1x10000x84xf32, #tpu.memory_space<vmem>>, %arg2: memref<10000x1xi32, #tpu.memory_space<vmem>>, %arg3: memref<1x10000xi32, #tpu.memory_space<vmem>>, %arg4: memref<336x168xf32, #tpu.memory_space<vmem>>, %arg5: memref<336x84xf32, #tpu.memory_space<vmem>>, %arg6: memref<336xf32, #tpu.memory_space<vmem>>, %arg7: memref<336xf32, #tpu.memory_space<vmem>>, %arg8: memref<1x168x32xf32, #tpu.memory_space<vmem>>, %arg9: memref<1x1x32xf32, #tpu.memory_space<vmem>>, %arg10: memref<1x32x16xf32, #tpu.memory_space<vmem>>, %arg11: memref<1x1x16xf32, #tpu.memory_space<vmem>>, %arg12: memref<1x16x1xf32, #tpu.memory_space<vmem>>, %arg13: memref<1x1x1xf32, #tpu.memory_space<vmem>>, %arg14: memref<1x64x1xf32, #tpu.memory_space<vmem>>) attributes {dimension_semantics = [#tpu.dimension_semantics<arbitrary>], iteration_bounds = array<i64: 6>, scalar_prefetch = 0 : i64, scratch_operands = 0 : i64, tpu.core_type = #tpu.core_type<tc>, window_params = [{transform_indices = @transform_0, window_bounds = array<i64: 1, 10000, 84>}, {pipeline_mode = #tpu.pipeline_mode<synchronous>, transform_indices = @transform_1, window_bounds = array<i64: 10000, 1>}, {pipeline_mode = #tpu.pipeline_mode<synchronous>, transform_indices = @transform_2, window_bounds = array<i64: 1, 10000>}, {pipeline_mode = #tpu.pipeline_mode<synchronous>, transform_indices = @transform_3, window_bounds = array<i64: 336, 168>}, {pipeline_mode = #tpu.pipeline_mode<synchronous>, transform_indices = @transform_4, window_bounds = array<i64: 336, 84>}, {pipeline_mode = #tpu.pipeline_mode<synchronous>, transform_indices = @transform_5, window_bounds = array<i64: 336>}, {pipeline_mode = #tpu.pipeline_mode<synchronous>, transform_indices = @transform_6, window_bounds = array<i64: 336>}, {transform_indices = @transform_7, window_bounds = array<i64: 1, 168, 32>}, {transform_indices = @transform_8, window_bounds = array<i64: 1, 1, 32>}, {transform_indices = @transform_9, window_bounds = array<i64: 1, 32, 16>}, {transform_indices = @transform_10, window_bounds = array<i64: 1, 1, 16>}, {transform_indices = @transform_11, window_bounds = array<i64: 1, 16, 1>}, {transform_indices = @transform_12, window_bounds = array<i64: 1, 1, 1>}, {transform_indices = @transform_13, window_bounds = array<i64: 1, 64, 1>}]} {
    %get3A = arith.constant 0 : index
    %get3A_0 = arith.constant 0 : index
    %get3A_1 = arith.constant 0 : index
    %get3A_2 = vector.load %arg1[%get3A, %get3A_0, %get3A_1] : memref<1x10000x84xf32, #tpu.memory_space<vmem>>, vector<1x10000x84xf32>
    %get3A_3 = vector.shape_cast %get3A_2 : vector<1x10000x84xf32> to vector<10000x84xf32>
    %get3A_4 = arith.constant 0 : index
    %get3A_5 = arith.constant 0 : index
    %get3A_6 = vector.load %arg2[%get3A_4, %get3A_5] : memref<10000x1xi32, #tpu.memory_space<vmem>>, vector<10000x1xi32>
    %get3A_7 = arith.constant 0 : index
    %get3A_8 = arith.constant 0 : index
    %get3A_9 = vector.load %arg3[%get3A_7, %get3A_8] : memref<1x10000xi32, #tpu.memory_space<vmem>>, vector<1x10000xi32>
    %iota3A = tpu.iota {dimensions = array<i32: 1>} : vector<10000x64xi32>
    %eq3A = vector.broadcast %get3A_6 : vector<10000x1xi32> to vector<10000x64xi32>
    %eq3A_10 = arith.cmpi eq, %iota3A, %eq3A : vector<10000x64xi32>
    %convert_element_type3A = arith.extui %eq3A_10 : vector<10000x64xi1> to vector<10000x64xi32>
    %convert_element_type3A_11 = arith.sitofp %convert_element_type3A : vector<10000x64xi32> to vector<10000x64xf32>
    %iota3A_12 = tpu.iota {dimensions = array<i32: 0>} : vector<64x10000xi32>
    %eq3A_13 = vector.broadcast %get3A_9 : vector<1x10000xi32> to vector<64x10000xi32>
    %eq3A_14 = arith.cmpi eq, %iota3A_12, %eq3A_13 : vector<64x10000xi32>
    %convert_element_type3A_15 = arith.extui %eq3A_14 : vector<64x10000xi1> to vector<64x10000xi32>
    %convert_element_type3A_16 = arith.sitofp %convert_element_type3A_15 : vector<64x10000xi32> to vector<64x10000xf32>
    %get3A_17 = arith.constant 0 : index
    %get3A_18 = arith.constant 0 : index
    %get3A_19 = vector.load %arg4[%get3A_17, %get3A_18] : memref<336x168xf32, #tpu.memory_space<vmem>>, vector<336x168xf32>
    %get3A_20 = arith.constant 0 : index
    %get3A_21 = arith.constant 0 : index
    %get3A_22 = vector.load %arg5[%get3A_20, %get3A_21] : memref<336x84xf32, #tpu.memory_space<vmem>>, vector<336x84xf32>
    %get3A_23 = arith.constant 0 : index
    %get3A_24 = vector.load %arg6[%get3A_23] : memref<336xf32, #tpu.memory_space<vmem>>, vector<336xf32>
    %broadcast_in_dim3A = vector.shape_cast %get3A_24 : vector<336xf32> to vector<1x336xf32>
    %get3A_25 = arith.constant 0 : index
    %get3A_26 = vector.load %arg7[%get3A_25] : memref<336xf32, #tpu.memory_space<vmem>>, vector<336xf32>
    %broadcast_in_dim3A_27 = vector.shape_cast %get3A_26 : vector<336xf32> to vector<1x336xf32>
    %broadcast_in_dim3A_28 = arith.constant 0.000000e+00 : f32
    %broadcast_in_dim3A_29 = vector.broadcast %broadcast_in_dim3A_28 : f32 to vector<64x84xf32>
    %broadcast_in_dim3A_30 = arith.constant 0.000000e+00 : f32
    %broadcast_in_dim3A_31 = vector.broadcast %broadcast_in_dim3A_30 : f32 to vector<64x84xf32>
    %broadcast_in_dim3A_32 = arith.constant 0.000000e+00 : f32
    %broadcast_in_dim3A_33 = vector.broadcast %broadcast_in_dim3A_32 : f32 to vector<64x168xf32>
    %dot_general3A = arith.constant dense<0.000000e+00> : vector<64x336xf32>
    %dot_general3A_34 = tpu.matmul %broadcast_in_dim3A_33, %get3A_19, %dot_general3A {dimension_numbers = #tpu.dot_dimension_numbers<[1], [1], [0], [0], [0, 0, 1, 0], [], []>, transpose_lhs_hint = false} : vector<64x168xf32>, vector<336x168xf32>, vector<64x336xf32> -> vector<64x336xf32>
    %add3A = vector.broadcast %broadcast_in_dim3A : vector<1x336xf32> to vector<64x336xf32>
    %add3A_35 = arith.addf %dot_general3A_34, %add3A : vector<64x336xf32>
    %dot_general3A_36 = arith.constant dense<0.000000e+00> : vector<64x336xf32>
    %dot_general3A_37 = tpu.matmul %broadcast_in_dim3A_29, %get3A_22, %dot_general3A_36 {dimension_numbers = #tpu.dot_dimension_numbers<[1], [1], [0], [0], [0, 0, 1, 0], [], []>, transpose_lhs_hint = false} : vector<64x84xf32>, vector<336x84xf32>, vector<64x336xf32> -> vector<64x336xf32>
    %add3A_38 = arith.addf %add3A_35, %dot_general3A_37 : vector<64x336xf32>
    %add3A_39 = vector.broadcast %broadcast_in_dim3A_27 : vector<1x336xf32> to vector<64x336xf32>
    %add3A_40 = arith.addf %add3A_38, %add3A_39 : vector<64x336xf32>
    %slice3A = vector.extract_strided_slice %add3A_40 {offsets = [0, 0], sizes = [64, 84], strides = [1, 1]} : vector<64x336xf32> to vector<64x84xf32>
    %logistic3A = arith.negf %slice3A : vector<64x84xf32>
    %logistic3A_41 = math.exp %logistic3A : vector<64x84xf32>
    %logistic3A_42 = arith.constant 1.000000e+00 : f32
    %logistic3A_43 = vector.broadcast %logistic3A_42 : f32 to vector<64x84xf32>
    %logistic3A_44 = arith.addf %logistic3A_43, %logistic3A_41 : vector<64x84xf32>
    %logistic3A_45 = arith.divf %logistic3A_43, %logistic3A_44 : vector<64x84xf32>
    %slice3A_46 = vector.extract_strided_slice %add3A_40 {offsets = [0, 84], sizes = [64, 84], strides = [1, 1]} : vector<64x336xf32> to vector<64x84xf32>
    %logistic3A_47 = arith.negf %slice3A_46 : vector<64x84xf32>
    %logistic3A_48 = math.exp %logistic3A_47 : vector<64x84xf32>
    %logistic3A_49 = arith.constant 1.000000e+00 : f32
    %logistic3A_50 = vector.broadcast %logistic3A_49 : f32 to vector<64x84xf32>
    %logistic3A_51 = arith.addf %logistic3A_50, %logistic3A_48 : vector<64x84xf32>
    %logistic3A_52 = arith.divf %logistic3A_50, %logistic3A_51 : vector<64x84xf32>
    %slice3A_53 = vector.extract_strided_slice %add3A_40 {offsets = [0, 168], sizes = [64, 84], strides = [1, 1]} : vector<64x336xf32> to vector<64x84xf32>
    %tanh3A = math.tanh %slice3A_53 : vector<64x84xf32>
    %slice3A_54 = vector.extract_strided_slice %add3A_40 {offsets = [0, 252], sizes = [64, 84], strides = [1, 1]} : vector<64x336xf32> to vector<64x84xf32>
    %logistic3A_55 = arith.negf %slice3A_54 : vector<64x84xf32>
    %logistic3A_56 = math.exp %logistic3A_55 : vector<64x84xf32>
    %logistic3A_57 = arith.constant 1.000000e+00 : f32
    %logistic3A_58 = vector.broadcast %logistic3A_57 : f32 to vector<64x84xf32>
    %logistic3A_59 = arith.addf %logistic3A_58, %logistic3A_56 : vector<64x84xf32>
    %logistic3A_60 = arith.divf %logistic3A_58, %logistic3A_59 : vector<64x84xf32>
    %mul3A = arith.mulf %logistic3A_52, %broadcast_in_dim3A_31 : vector<64x84xf32>
    %mul3A_61 = arith.mulf %logistic3A_45, %tanh3A : vector<64x84xf32>
    %add3A_62 = arith.addf %mul3A, %mul3A_61 : vector<64x84xf32>
    %tanh3A_63 = math.tanh %add3A_62 : vector<64x84xf32>
    %mul3A_64 = arith.mulf %logistic3A_60, %tanh3A_63 : vector<64x84xf32>
    %dot_general3A_65 = arith.constant dense<0.000000e+00> : vector<10000x64xf32>
    %dot_general3A_66 = tpu.matmul %get3A_3, %mul3A_64, %dot_general3A_65 {dimension_numbers = #tpu.dot_dimension_numbers<[1], [1], [0], [0], [0, 0, 1, 0], [], []>, transpose_lhs_hint = false} : vector<10000x84xf32>, vector<64x84xf32>, vector<10000x64xf32> -> vector<10000x64xf32>
    %mul3A_67 = arith.mulf %dot_general3A_66, %convert_element_type3A_11 : vector<10000x64xf32>
    %reduce_sum3A = arith.constant dense<0.000000e+00> : vector<10000xf32>
    %reduce_sum3A_68 = vector.multi_reduction <add>, %mul3A_67, %reduce_sum3A [1] : vector<10000x64xf32> to vector<10000xf32>
    %broadcast_in_dim3A_69 = vector.shape_cast %reduce_sum3A_68 : vector<10000xf32> to vector<10000x1xf32>
    %jit3A = arith.constant 0xFF800000 : f32
    %broadcast_in_dim3A_70 = vector.broadcast %jit3A : f32 to vector<10000x64xf32>
    %select_n3A = arith.select %eq3A_10, %dot_general3A_66, %broadcast_in_dim3A_70 : vector<10000x64xi1>, vector<10000x64xf32>
    %reduce_max3A = arith.constant dense<0xFF800000> : vector<64xf32>
    %reduce_max3A_71 = vector.multi_reduction <maximumf>, %select_n3A, %reduce_max3A [0] : vector<10000x64xf32> to vector<64xf32>
    %broadcast_in_dim3A_72 = vector.shape_cast %reduce_max3A_71 : vector<64xf32> to vector<1x64xf32>
    %is_finite3A = tpu.weird %broadcast_in_dim3A_72 : vector<1x64xf32> -> vector<1x64xi1>
    %is_finite3A_73 = arith.constant dense<true> : vector<1x64xi1>
    %is_finite3A_74 = arith.xori %is_finite3A, %is_finite3A_73 : vector<1x64xi1>
    %jit3A_75 = arith.constant 0.000000e+00 : f32
    %broadcast_in_dim3A_76 = vector.broadcast %jit3A_75 : f32 to vector<1x64xf32>
    %select_n3A_77 = arith.select %is_finite3A_74, %broadcast_in_dim3A_72, %broadcast_in_dim3A_76 : vector<1x64xi1>, vector<1x64xf32>
    %mul3A_78 = vector.broadcast %select_n3A_77 : vector<1x64xf32> to vector<10000x64xf32>
    %mul3A_79 = arith.mulf %convert_element_type3A_11, %mul3A_78 : vector<10000x64xf32>
    %reduce_sum3A_80 = arith.constant dense<0.000000e+00> : vector<10000xf32>
    %reduce_sum3A_81 = vector.multi_reduction <add>, %mul3A_79, %reduce_sum3A_80 [1] : vector<10000x64xf32> to vector<10000xf32>
    %broadcast_in_dim3A_82 = vector.shape_cast %reduce_sum3A_81 : vector<10000xf32> to vector<10000x1xf32>
    %sub3A = arith.subf %broadcast_in_dim3A_69, %broadcast_in_dim3A_82 : vector<10000x1xf32>
    %exp3A = math.exp %sub3A : vector<10000x1xf32>
    %mul3A_83 = vector.broadcast %exp3A : vector<10000x1xf32> to vector<10000x64xf32>
    %mul3A_84 = arith.mulf %convert_element_type3A_11, %mul3A_83 : vector<10000x64xf32>
    %reduce_sum3A_85 = arith.constant dense<0.000000e+00> : vector<64xf32>
    %reduce_sum3A_86 = vector.multi_reduction <add>, %mul3A_84, %reduce_sum3A_85 [0] : vector<10000x64xf32> to vector<64xf32>
    %broadcast_in_dim3A_87 = vector.shape_cast %reduce_sum3A_86 : vector<64xf32> to vector<1x64xf32>
    %mul3A_88 = vector.broadcast %broadcast_in_dim3A_87 : vector<1x64xf32> to vector<10000x64xf32>
    %mul3A_89 = arith.mulf %convert_element_type3A_11, %mul3A_88 : vector<10000x64xf32>
    %reduce_sum3A_90 = arith.constant dense<0.000000e+00> : vector<10000xf32>
    %reduce_sum3A_91 = vector.multi_reduction <add>, %mul3A_89, %reduce_sum3A_90 [1] : vector<10000x64xf32> to vector<10000xf32>
    %broadcast_in_dim3A_92 = vector.shape_cast %reduce_sum3A_91 : vector<10000xf32> to vector<10000x1xf32>
    %max3A = arith.constant 9.99999971E-10 : f32
    %max3A_93 = vector.broadcast %max3A : f32 to vector<10000x1xf32>
    %max3A_94 = arith.maximumf %broadcast_in_dim3A_92, %max3A_93 : vector<10000x1xf32>
    %div3A = arith.divf %exp3A, %max3A_94 : vector<10000x1xf32>
    %mul3A_95 = vector.broadcast %div3A : vector<10000x1xf32> to vector<10000x84xf32>
    %mul3A_96 = arith.mulf %mul3A_95, %get3A_3 : vector<10000x84xf32>
    %dot_general3A_97 = arith.constant dense<0.000000e+00> : vector<64x84xf32>
    %dot_general3A_98 = tpu.matmul %convert_element_type3A_16, %mul3A_96, %dot_general3A_97 {dimension_numbers = #tpu.dot_dimension_numbers<[1], [0], [0], [1], [0, 0, 1, 1], [], []>, transpose_lhs_hint = false} : vector<64x10000xf32>, vector<10000x84xf32>, vector<64x84xf32> -> vector<64x84xf32>
    %concatenate3A = tpu.concatenate %mul3A_64, %dot_general3A_98 in 1 : vector<64x84xf32>, vector<64x84xf32> -> vector<64x168xf32>
    %dot_general3A_99 = arith.constant dense<0.000000e+00> : vector<64x336xf32>
    %dot_general3A_100 = tpu.matmul %concatenate3A, %get3A_19, %dot_general3A_99 {dimension_numbers = #tpu.dot_dimension_numbers<[1], [1], [0], [0], [0, 0, 1, 0], [], []>, transpose_lhs_hint = false} : vector<64x168xf32>, vector<336x168xf32>, vector<64x336xf32> -> vector<64x336xf32>
    %add3A_101 = vector.broadcast %broadcast_in_dim3A : vector<1x336xf32> to vector<64x336xf32>
    %add3A_102 = arith.addf %dot_general3A_100, %add3A_101 : vector<64x336xf32>
    %dot_general3A_103 = arith.constant dense<0.000000e+00> : vector<64x336xf32>
    %dot_general3A_104 = tpu.matmul %mul3A_64, %get3A_22, %dot_general3A_103 {dimension_numbers = #tpu.dot_dimension_numbers<[1], [1], [0], [0], [0, 0, 1, 0], [], []>, transpose_lhs_hint = false} : vector<64x84xf32>, vector<336x84xf32>, vector<64x336xf32> -> vector<64x336xf32>
    %add3A_105 = arith.addf %add3A_102, %dot_general3A_104 : vector<64x336xf32>
    %add3A_106 = vector.broadcast %broadcast_in_dim3A_27 : vector<1x336xf32> to vector<64x336xf32>
    %add3A_107 = arith.addf %add3A_105, %add3A_106 : vector<64x336xf32>
    %slice3A_108 = vector.extract_strided_slice %add3A_107 {offsets = [0, 0], sizes = [64, 84], strides = [1, 1]} : vector<64x336xf32> to vector<64x84xf32>
    %logistic3A_109 = arith.negf %slice3A_108 : vector<64x84xf32>
    %logistic3A_110 = math.exp %logistic3A_109 : vector<64x84xf32>
    %logistic3A_111 = arith.constant 1.000000e+00 : f32
    %logistic3A_112 = vector.broadcast %logistic3A_111 : f32 to vector<64x84xf32>
    %logistic3A_113 = arith.addf %logistic3A_112, %logistic3A_110 : vector<64x84xf32>
    %logistic3A_114 = arith.divf %logistic3A_112, %logistic3A_113 : vector<64x84xf32>
    %slice3A_115 = vector.extract_strided_slice %add3A_107 {offsets = [0, 84], sizes = [64, 84], strides = [1, 1]} : vector<64x336xf32> to vector<64x84xf32>
    %logistic3A_116 = arith.negf %slice3A_115 : vector<64x84xf32>
    %logistic3A_117 = math.exp %logistic3A_116 : vector<64x84xf32>
    %logistic3A_118 = arith.constant 1.000000e+00 : f32
    %logistic3A_119 = vector.broadcast %logistic3A_118 : f32 to vector<64x84xf32>
    %logistic3A_120 = arith.addf %logistic3A_119, %logistic3A_117 : vector<64x84xf32>
    %logistic3A_121 = arith.divf %logistic3A_119, %logistic3A_120 : vector<64x84xf32>
    %slice3A_122 = vector.extract_strided_slice %add3A_107 {offsets = [0, 168], sizes = [64, 84], strides = [1, 1]} : vector<64x336xf32> to vector<64x84xf32>
    %tanh3A_123 = math.tanh %slice3A_122 : vector<64x84xf32>
    %slice3A_124 = vector.extract_strided_slice %add3A_107 {offsets = [0, 252], sizes = [64, 84], strides = [1, 1]} : vector<64x336xf32> to vector<64x84xf32>
    %logistic3A_125 = arith.negf %slice3A_124 : vector<64x84xf32>
    %logistic3A_126 = math.exp %logistic3A_125 : vector<64x84xf32>
    %logistic3A_127 = arith.constant 1.000000e+00 : f32
    %logistic3A_128 = vector.broadcast %logistic3A_127 : f32 to vector<64x84xf32>
    %logistic3A_129 = arith.addf %logistic3A_128, %logistic3A_126 : vector<64x84xf32>
    %logistic3A_130 = arith.divf %logistic3A_128, %logistic3A_129 : vector<64x84xf32>
    %mul3A_131 = arith.mulf %logistic3A_121, %add3A_62 : vector<64x84xf32>
    %mul3A_132 = arith.mulf %logistic3A_114, %tanh3A_123 : vector<64x84xf32>
    %add3A_133 = arith.addf %mul3A_131, %mul3A_132 : vector<64x84xf32>
    %tanh3A_134 = math.tanh %add3A_133 : vector<64x84xf32>
    %mul3A_135 = arith.mulf %logistic3A_130, %tanh3A_134 : vector<64x84xf32>
    %dot_general3A_136 = arith.constant dense<0.000000e+00> : vector<10000x64xf32>
    %dot_general3A_137 = tpu.matmul %get3A_3, %mul3A_135, %dot_general3A_136 {dimension_numbers = #tpu.dot_dimension_numbers<[1], [1], [0], [0], [0, 0, 1, 0], [], []>, transpose_lhs_hint = false} : vector<10000x84xf32>, vector<64x84xf32>, vector<10000x64xf32> -> vector<10000x64xf32>
    %mul3A_138 = arith.mulf %dot_general3A_137, %convert_element_type3A_11 : vector<10000x64xf32>
    %reduce_sum3A_139 = arith.constant dense<0.000000e+00> : vector<10000xf32>
    %reduce_sum3A_140 = vector.multi_reduction <add>, %mul3A_138, %reduce_sum3A_139 [1] : vector<10000x64xf32> to vector<10000xf32>
    %broadcast_in_dim3A_141 = vector.shape_cast %reduce_sum3A_140 : vector<10000xf32> to vector<10000x1xf32>
    %jit3A_142 = arith.constant 0xFF800000 : f32
    %broadcast_in_dim3A_143 = vector.broadcast %jit3A_142 : f32 to vector<10000x64xf32>
    %select_n3A_144 = arith.select %eq3A_10, %dot_general3A_137, %broadcast_in_dim3A_143 : vector<10000x64xi1>, vector<10000x64xf32>
    %reduce_max3A_145 = arith.constant dense<0xFF800000> : vector<64xf32>
    %reduce_max3A_146 = vector.multi_reduction <maximumf>, %select_n3A_144, %reduce_max3A_145 [0] : vector<10000x64xf32> to vector<64xf32>
    %broadcast_in_dim3A_147 = vector.shape_cast %reduce_max3A_146 : vector<64xf32> to vector<1x64xf32>
    %is_finite3A_148 = tpu.weird %broadcast_in_dim3A_147 : vector<1x64xf32> -> vector<1x64xi1>
    %is_finite3A_149 = arith.constant dense<true> : vector<1x64xi1>
    %is_finite3A_150 = arith.xori %is_finite3A_148, %is_finite3A_149 : vector<1x64xi1>
    %jit3A_151 = arith.constant 0.000000e+00 : f32
    %broadcast_in_dim3A_152 = vector.broadcast %jit3A_151 : f32 to vector<1x64xf32>
    %select_n3A_153 = arith.select %is_finite3A_150, %broadcast_in_dim3A_147, %broadcast_in_dim3A_152 : vector<1x64xi1>, vector<1x64xf32>
    %mul3A_154 = vector.broadcast %select_n3A_153 : vector<1x64xf32> to vector<10000x64xf32>
    %mul3A_155 = arith.mulf %convert_element_type3A_11, %mul3A_154 : vector<10000x64xf32>
    %reduce_sum3A_156 = arith.constant dense<0.000000e+00> : vector<10000xf32>
    %reduce_sum3A_157 = vector.multi_reduction <add>, %mul3A_155, %reduce_sum3A_156 [1] : vector<10000x64xf32> to vector<10000xf32>
    %broadcast_in_dim3A_158 = vector.shape_cast %reduce_sum3A_157 : vector<10000xf32> to vector<10000x1xf32>
    %sub3A_159 = arith.subf %broadcast_in_dim3A_141, %broadcast_in_dim3A_158 : vector<10000x1xf32>
    %exp3A_160 = math.exp %sub3A_159 : vector<10000x1xf32>
    %mul3A_161 = vector.broadcast %exp3A_160 : vector<10000x1xf32> to vector<10000x64xf32>
    %mul3A_162 = arith.mulf %convert_element_type3A_11, %mul3A_161 : vector<10000x64xf32>
    %reduce_sum3A_163 = arith.constant dense<0.000000e+00> : vector<64xf32>
    %reduce_sum3A_164 = vector.multi_reduction <add>, %mul3A_162, %reduce_sum3A_163 [0] : vector<10000x64xf32> to vector<64xf32>
    %broadcast_in_dim3A_165 = vector.shape_cast %reduce_sum3A_164 : vector<64xf32> to vector<1x64xf32>
    %mul3A_166 = vector.broadcast %broadcast_in_dim3A_165 : vector<1x64xf32> to vector<10000x64xf32>
    %mul3A_167 = arith.mulf %convert_element_type3A_11, %mul3A_166 : vector<10000x64xf32>
    %reduce_sum3A_168 = arith.constant dense<0.000000e+00> : vector<10000xf32>
    %reduce_sum3A_169 = vector.multi_reduction <add>, %mul3A_167, %reduce_sum3A_168 [1] : vector<10000x64xf32> to vector<10000xf32>
    %broadcast_in_dim3A_170 = vector.shape_cast %reduce_sum3A_169 : vector<10000xf32> to vector<10000x1xf32>
    %max3A_171 = arith.constant 9.99999971E-10 : f32
    %max3A_172 = vector.broadcast %max3A_171 : f32 to vector<10000x1xf32>
    %max3A_173 = arith.maximumf %broadcast_in_dim3A_170, %max3A_172 : vector<10000x1xf32>
    %div3A_174 = arith.divf %exp3A_160, %max3A_173 : vector<10000x1xf32>
    %mul3A_175 = vector.broadcast %div3A_174 : vector<10000x1xf32> to vector<10000x84xf32>
    %mul3A_176 = arith.mulf %mul3A_175, %get3A_3 : vector<10000x84xf32>
    %dot_general3A_177 = arith.constant dense<0.000000e+00> : vector<64x84xf32>
    %dot_general3A_178 = tpu.matmul %convert_element_type3A_16, %mul3A_176, %dot_general3A_177 {dimension_numbers = #tpu.dot_dimension_numbers<[1], [0], [0], [1], [0, 0, 1, 1], [], []>, transpose_lhs_hint = false} : vector<64x10000xf32>, vector<10000x84xf32>, vector<64x84xf32> -> vector<64x84xf32>
    %concatenate3A_179 = tpu.concatenate %mul3A_135, %dot_general3A_178 in 1 : vector<64x84xf32>, vector<64x84xf32> -> vector<64x168xf32>
    %get3A_180 = arith.constant 0 : index
    %get3A_181 = arith.constant 0 : index
    %get3A_182 = arith.constant 0 : index
    %get3A_183 = vector.load %arg8[%get3A_180, %get3A_181, %get3A_182] : memref<1x168x32xf32, #tpu.memory_space<vmem>>, vector<1x168x32xf32>
    %get3A_184 = vector.shape_cast %get3A_183 : vector<1x168x32xf32> to vector<168x32xf32>
    %dot_general3A_185 = arith.constant dense<0.000000e+00> : vector<64x32xf32>
    %dot_general3A_186 = tpu.matmul %concatenate3A_179, %get3A_184, %dot_general3A_185 {dimension_numbers = #tpu.dot_dimension_numbers<[1], [0], [0], [1], [0, 0, 1, 1], [], []>, transpose_lhs_hint = false} : vector<64x168xf32>, vector<168x32xf32>, vector<64x32xf32> -> vector<64x32xf32>
    %get3A_187 = arith.constant 0 : index
    %get3A_188 = arith.constant 0 : index
    %get3A_189 = arith.constant 0 : index
    %get3A_190 = vector.load %arg9[%get3A_187, %get3A_188, %get3A_189] : memref<1x1x32xf32, #tpu.memory_space<vmem>>, vector<1x1x32xf32>
    %get3A_191 = vector.shape_cast %get3A_190 : vector<1x1x32xf32> to vector<1x32xf32>
    %add3A_192 = vector.broadcast %get3A_191 : vector<1x32xf32> to vector<64x32xf32>
    %add3A_193 = arith.addf %dot_general3A_186, %add3A_192 : vector<64x32xf32>
    %gt3A = arith.constant 0.000000e+00 : f32
    %gt3A_194 = vector.broadcast %gt3A : f32 to vector<64x32xf32>
    %gt3A_195 = arith.cmpf ogt, %add3A_193, %gt3A_194 : vector<64x32xf32>
    %min3A = arith.constant 0.000000e+00 : f32
    %min3A_196 = vector.broadcast %min3A : f32 to vector<64x32xf32>
    %min3A_197 = arith.minimumf %add3A_193, %min3A_196 : vector<64x32xf32>
    %exp3A_198 = math.exp %min3A_197 : vector<64x32xf32>
    %sub3A_199 = arith.constant 1.000000e+00 : f32
    %sub3A_200 = vector.broadcast %sub3A_199 : f32 to vector<64x32xf32>
    %sub3A_201 = arith.subf %exp3A_198, %sub3A_200 : vector<64x32xf32>
    %select_n3A_202 = arith.select %gt3A_195, %add3A_193, %sub3A_201 : vector<64x32xi1>, vector<64x32xf32>
    %get3A_203 = arith.constant 0 : index
    %get3A_204 = arith.constant 0 : index
    %get3A_205 = arith.constant 0 : index
    %get3A_206 = vector.load %arg10[%get3A_203, %get3A_204, %get3A_205] : memref<1x32x16xf32, #tpu.memory_space<vmem>>, vector<1x32x16xf32>
    %get3A_207 = vector.shape_cast %get3A_206 : vector<1x32x16xf32> to vector<32x16xf32>
    %dot_general3A_208 = arith.constant dense<0.000000e+00> : vector<64x16xf32>
    %dot_general3A_209 = tpu.matmul %select_n3A_202, %get3A_207, %dot_general3A_208 {dimension_numbers = #tpu.dot_dimension_numbers<[1], [0], [0], [1], [0, 0, 1, 1], [], []>, transpose_lhs_hint = false} : vector<64x32xf32>, vector<32x16xf32>, vector<64x16xf32> -> vector<64x16xf32>
    %get3A_210 = arith.constant 0 : index
    %get3A_211 = arith.constant 0 : index
    %get3A_212 = arith.constant 0 : index
    %get3A_213 = vector.load %arg11[%get3A_210, %get3A_211, %get3A_212] : memref<1x1x16xf32, #tpu.memory_space<vmem>>, vector<1x1x16xf32>
    %get3A_214 = vector.shape_cast %get3A_213 : vector<1x1x16xf32> to vector<1x16xf32>
    %add3A_215 = vector.broadcast %get3A_214 : vector<1x16xf32> to vector<64x16xf32>
    %add3A_216 = arith.addf %dot_general3A_209, %add3A_215 : vector<64x16xf32>
    %gt3A_217 = arith.constant 0.000000e+00 : f32
    %gt3A_218 = vector.broadcast %gt3A_217 : f32 to vector<64x16xf32>
    %gt3A_219 = arith.cmpf ogt, %add3A_216, %gt3A_218 : vector<64x16xf32>
    %min3A_220 = arith.constant 0.000000e+00 : f32
    %min3A_221 = vector.broadcast %min3A_220 : f32 to vector<64x16xf32>
    %min3A_222 = arith.minimumf %add3A_216, %min3A_221 : vector<64x16xf32>
    %exp3A_223 = math.exp %min3A_222 : vector<64x16xf32>
    %sub3A_224 = arith.constant 1.000000e+00 : f32
    %sub3A_225 = vector.broadcast %sub3A_224 : f32 to vector<64x16xf32>
    %sub3A_226 = arith.subf %exp3A_223, %sub3A_225 : vector<64x16xf32>
    %select_n3A_227 = arith.select %gt3A_219, %add3A_216, %sub3A_226 : vector<64x16xi1>, vector<64x16xf32>
    %get3A_228 = arith.constant 0 : index
    %get3A_229 = arith.constant 0 : index
    %get3A_230 = arith.constant 0 : index
    %get3A_231 = vector.load %arg12[%get3A_228, %get3A_229, %get3A_230] : memref<1x16x1xf32, #tpu.memory_space<vmem>>, vector<1x16x1xf32>
    %get3A_232 = vector.shape_cast %get3A_231 : vector<1x16x1xf32> to vector<16x1xf32>
    %dot_general3A_233 = arith.constant dense<0.000000e+00> : vector<64x1xf32>
    %dot_general3A_234 = tpu.matmul %select_n3A_227, %get3A_232, %dot_general3A_233 {dimension_numbers = #tpu.dot_dimension_numbers<[1], [0], [0], [1], [0, 0, 1, 1], [], []>, transpose_lhs_hint = false} : vector<64x16xf32>, vector<16x1xf32>, vector<64x1xf32> -> vector<64x1xf32>
    %get3A_235 = arith.constant 0 : index
    %get3A_236 = arith.constant 0 : index
    %get3A_237 = arith.constant 0 : index
    %get3A_238 = vector.load %arg13[%get3A_235, %get3A_236, %get3A_237] : memref<1x1x1xf32, #tpu.memory_space<vmem>>, vector<1x1x1xf32>
    %get3A_239 = vector.shape_cast %get3A_238 : vector<1x1x1xf32> to vector<1x1xf32>
    %add3A_240 = vector.broadcast %get3A_239 : vector<1x1xf32> to vector<64x1xf32>
    %add3A_241 = arith.addf %dot_general3A_234, %add3A_240 : vector<64x1xf32>
    %swap3A = arith.constant 0 : index
    %swap3A_242 = arith.constant 0 : index
    %swap3A_243 = arith.constant 0 : index
    %swap3A_244 = vector.load %arg14[%swap3A, %swap3A_242, %swap3A_243] : memref<1x64x1xf32, #tpu.memory_space<vmem>>, vector<1x64x1xf32>
    %swap3A_245 = vector.shape_cast %swap3A_244 : vector<1x64x1xf32> to vector<64x1xf32>
    %swap3A_246 = vector.shape_cast %add3A_241 : vector<64x1xf32> to vector<1x64x1xf32>
    tpu.vector_store %arg14[%swap3A, %swap3A_242, %swap3A_243], %swap3A_246 {strides = array<i32>} : memref<1x64x1xf32, #tpu.memory_space<vmem>>, vector<1x64x1xf32>,
    return
  }
  func.func @transform_0(%arg0: i32) -> (i32, i32, i32) {
    %c0_i32 = arith.constant 0 : i32
    %c0_i32_0 = arith.constant 0 : i32
    %c0_i32_1 = arith.constant 0 : i32
    return %arg0, %c0_i32, %c0_i32_0 : i32, i32, i32
  }
  func.func @transform_1(%arg0: i32) -> (i32, i32) {
    %c0_i32 = arith.constant 0 : i32
    %c0_i32_0 = arith.constant 0 : i32
    %c0_i32_1 = arith.constant 0 : i32
    return %c0_i32, %c0_i32_0 : i32, i32
  }
  func.func @transform_2(%arg0: i32) -> (i32, i32) {
    %c0_i32 = arith.constant 0 : i32
    %c0_i32_0 = arith.constant 0 : i32
    %c0_i32_1 = arith.constant 0 : i32
    return %c0_i32, %c0_i32_0 : i32, i32
  }
  func.func @transform_3(%arg0: i32) -> (i32, i32) {
    %c0_i32 = arith.constant 0 : i32
    %c0_i32_0 = arith.constant 0 : i32
    %c0_i32_1 = arith.constant 0 : i32
    return %c0_i32, %c0_i32_0 : i32, i32
  }
  func.func @transform_4(%arg0: i32) -> (i32, i32) {
    %c0_i32 = arith.constant 0 : i32
    %c0_i32_0 = arith.constant 0 : i32
    %c0_i32_1 = arith.constant 0 : i32
    return %c0_i32, %c0_i32_0 : i32, i32
  }
  func.func @transform_5(%arg0: i32) -> i32 {
    %c0_i32 = arith.constant 0 : i32
    %c0_i32_0 = arith.constant 0 : i32
    return %c0_i32 : i32
  }
  func.func @transform_6(%arg0: i32) -> i32 {
    %c0_i32 = arith.constant 0 : i32
    %c0_i32_0 = arith.constant 0 : i32
    return %c0_i32 : i32
  }
  func.func @transform_7(%arg0: i32) -> (i32, i32, i32) {
    %c0_i32 = arith.constant 0 : i32
    %c0_i32_0 = arith.constant 0 : i32
    %c0_i32_1 = arith.constant 0 : i32
    return %arg0, %c0_i32, %c0_i32_0 : i32, i32, i32
  }
  func.func @transform_8(%arg0: i32) -> (i32, i32, i32) {
    %c0_i32 = arith.constant 0 : i32
    %c0_i32_0 = arith.constant 0 : i32
    %c0_i32_1 = arith.constant 0 : i32
    return %arg0, %c0_i32, %c0_i32_0 : i32, i32, i32
  }
  func.func @transform_9(%arg0: i32) -> (i32, i32, i32) {
    %c0_i32 = arith.constant 0 : i32
    %c0_i32_0 = arith.constant 0 : i32
    %c0_i32_1 = arith.constant 0 : i32
    return %arg0, %c0_i32, %c0_i32_0 : i32, i32, i32
  }
  func.func @transform_10(%arg0: i32) -> (i32, i32, i32) {
    %c0_i32 = arith.constant 0 : i32
    %c0_i32_0 = arith.constant 0 : i32
    %c0_i32_1 = arith.constant 0 : i32
    return %arg0, %c0_i32, %c0_i32_0 : i32, i32, i32
  }
  func.func @transform_11(%arg0: i32) -> (i32, i32, i32) {
    %c0_i32 = arith.constant 0 : i32
    %c0_i32_0 = arith.constant 0 : i32
    %c0_i32_1 = arith.constant 0 : i32
    return %arg0, %c0_i32, %c0_i32_0 : i32, i32, i32
  }
  func.func @transform_12(%arg0: i32) -> (i32, i32, i32) {
    %c0_i32 = arith.constant 0 : i32
    %c0_i32_0 = arith.constant 0 : i32
    %c0_i32_1 = arith.constant 0 : i32
    return %arg0, %c0_i32, %c0_i32_0 : i32, i32, i32
  }
  func.func @transform_13(%arg0: i32) -> (i32, i32, i32) {
    %c0_i32 = arith.constant 0 : i32
    %c0_i32_0 = arith.constant 0 : i32
    %c0_i32_1 = arith.constant 0 : i32
    return %arg0, %c0_i32, %c0_i32_0 : i32, i32, i32
  }
}

</mosaic_0001>

<sc_bundles>
// kernel: kernel.10.cloned.1.call-start
scs
__scs_entry_jumppad:
0x0: {  	(pc) =	sbr.rel $0x88, $3  }
0x1: {  	(tag) =	ssettag $0x0;
	lr =	simm.s32 $0x1  }
0x2: {  	[smem:$0x3F8E] =	sst lr;
	_ =	strace $0xD0000000  }
0x3: {  	_ = 	snop  }
0x4: {  	_ = 	snop  }
0x5: {  	_ = 	snop  }
0x6: {  	_ = 	snop  }
0x7: {  	_ = 	snop  }
__scs_overlays_trampoline_lowered:
0x8: {  	[smem:$0x3F9D] =	sst s0  }
0x9: {  	[smem:$0x3F9E] =	sst s1  }
0xa: {  	[smem:$0x3F9F] =	sst s2  }
0xb: {  	[smem:$0x3FA0] =	sst s3  }
0xc: {  	[smem:$0x3FA1] =	sst s4  }
0xd: {  	[smem:$0x3FA2] =	sst s5  }
0xe: {  	[smem:$0x3FA3] =	sst s6  }
0xf: {  	[smem:$0x3FA4] =	sst s7  }
0x10: {  	[smem:$0x3FA5] =	sst s8  }
0x11: {  	[smem:$0x3FA6] =	sst s9;
	s0 =	simm.s32 @!p0 $0x0  }
0x12: {  	s1 =	sld [smem:$0x3F8C];
	s0 =	simm.s32 @p0 $0x1  }
0x13: {  	[smem:$0x3FA7] =	sst s0;
	s0 =	simm.s32 @!p1 $0x0  }
0x14: {  	s2 =	sld [smem:$0x3F8B];
	s0 =	simm.s32 @p1 $0x1  }
0x15: {  	[smem:$0x3FA8] =	sst s0;
	s0 =	simm.s32 @!p2 $0x0  }
0x16: {  	s3 =	sld [smem:$0x3FDB];
	s0 =	simm.s32 @p2 $0x1  }
0x17: {  	s4 =	simm.s32 $0x1BF5;
	[smem:$0x3FAA] =	sst s0  }
0x18: {  	s0 =	sld [smem:$0x3F8D];
	_ =	swait.ge [sflag:s4], $0x0  }
0x19: {  	s7 =	sld [smem:$0x3F8E]  }
0x1a: {  	s8 =	sadd.s32 $0xFFFFE003, lr  }
0x1b: {  	s9 =	sadd.s32 $0xFFFFFEF7, lr;
	s5 =	simm.s32 $0xFFFFFFFF;
	p2 =	slt.u32 s8, $0xFFFFF086  }
0x1c: {  	p1 =	slt.u32 s9, $0xF7A;
	s5 =	simm.s32 @!p2 $0x0  }
0x1d: {  	s5 =	simm.s32 @p1 $0x1;
	p0 =	seq.s32 s7, s2  }
0x1e: {  	s7 =	smul.u32 @!p0 $0xF7A, s2;
	p2 =	seq.s32 @!p0 s5, $0x0  }
0x1f: {  	s9 =	smul.u32 $0xF7A, s1;
	s8 =	simm.s32 @!p0 $0x1BF5;
	p2 =	por !p2, p0  }
0x20: {  	[sflag:s8] =	ssyncset.s32 @!p0 $0xFFFFF086;
	s6 =	sadd.s32 @!p0 s3, s7;
	s7 =	simm.s32 @!p0 $0x108  }
0x21: {  	s3 =	sadd.s32 s3, s9;
	s6 =	sadd.s32 @!p0 $0x88, s6;
	s7 =	simm.s32 @p2 $0x1082  }
0x22: {  	[simem:s7], [sflag:s8] =	dma.local @!p0 [hbm:s6], $0xF7A  }
0x23: {  	s9 =	sor.u32 $0xD0000000, s2;
	s6 =	simm.s32 $0x108;
	_ =	swait.ge @!p0 [sflag:s8], $0x0  }
0x24: {  	s3 =	sadd.s32 $0x88, s3;
	s6 =	simm.s32 @!p1 $0x1082;
	[sflag:s4] =	ssyncset.s32 $0xFFFFF086  }
0x25: {  	[simem:s6], [sflag:s4] =	dma.local [hbm:s3], $0xF7A  }
0x26: {  	[smem:$0x3F8E] =	sst s1;
	(tag) =	ssettag s2;
	_ =	strace s9  }
0x27: {  	s1 =	sld [smem:$0x3F9E]  }
0x28: {  	s2 =	sld [smem:$0x3F9F]  }
0x29: {  	s4 =	sld [smem:$0x3FA1]  }
0x2a: {  	p0 =	seq.s32 s5, $0x0;
	s5 =	sld [smem:$0x3FA2]  }
0x2b: {  	s6 =	sld [smem:$0x3FA3]  }
0x2c: {  	s7 =	sld [smem:$0x3FA4]  }
0x2d: {  	s3 =	simm.s32 $0x108;
	s8 =	sld [smem:$0x3FA5]  }
0x2e: {  	s3 =	simm.s32 @!p0 $0x1082;
	s9 =	sld [smem:$0x3FA6]  }
0x2f: {  	lr =	sadd.s32 s0, s3;
	s0 =	sld [smem:$0x3F9D]  }
0x30: {  	s3 =	sld [smem:$0x3FA0]  }
0x31: {  	[smem:$0x3FA9] =	sst s10  }
0x32: {  	s10 =	sld [smem:$0x3FA7];
	_ =	sdelay $0x3  }
0x33: {  	p0 =	seq.s32 s10, $0x1;
	s10 =	sld [smem:$0x3FA9];
	_ =	sdelay $0x3  }
0x34: {  	[smem:$0x3FA9] =	sst s10  }
0x35: {  	s10 =	sld [smem:$0x3FA8];
	_ =	sdelay $0x3  }
0x36: {  	p1 =	seq.s32 s10, $0x1;
	s10 =	sld [smem:$0x3FA9];
	_ =	sdelay $0x3  }
0x37: {  	[smem:$0x3FA9] =	sst s10  }
0x38: {  	s10 =	sld [smem:$0x3FAA]  }
0x39: {  	_ = 	snop;
	(pc) =	sbr.ind lr, $3  }
0x3a: {  	_ = 	snop  }
0x3b: {  	_ = 	snop  }
0x3c: {  	p2 =	seq.s32 s10, $0x1;
	s10 =	sld [smem:$0x3FA9]  }
0x3d: {  	_ =	shalt  }
0x3e: {  	_ =	shalt  }
0x3f: {  	_ =	shalt  }
0x40: {  	_ =	shalt  }
0x41: {  	_ =	shalt  }
0x42: {  	_ =	shalt  }
0x43: {  	_ =	shalt  }
0x44: {  	_ =	shalt  }
0x45: {  	_ =	shalt  }
0x46: {  	_ =	shalt  }
0x47: {  	_ =	shalt  }
0x48: {  	_ =	shalt  }
0x49: {  	_ =	shalt  }
0x4a: {  	_ =	shalt  }
0x4b: {  	_ =	shalt  }
0x4c: {  	_ =	shalt  }
0x4d: {  	_ =	shalt  }
0x4e: {  	_ =	shalt  }
0x4f: {  	_ =	shalt  }
0x50: {  	_ =	shalt  }
0x51: {  	_ =	shalt  }
0x52: {  	_ =	shalt  }
0x53: {  	_ =	shalt  }
0x54: {  	_ =	shalt  }
0x55: {  	_ =	shalt  }
0x56: {  	_ =	shalt  }
0x57: {  	_ =	shalt  }
0x58: {  	_ =	shalt  }
0x59: {  	_ =	shalt  }
0x5a: {  	_ =	shalt  }
0x5b: {  	_ =	shalt  }
0x5c: {  	_ =	shalt  }
0x5d: {  	_ =	shalt  }
0x5e: {  	_ =	shalt  }
0x5f: {  	_ =	shalt  }
0x60: {  	_ =	shalt  }
0x61: {  	_ =	shalt  }
0x62: {  	_ =	shalt  }
0x63: {  	_ =	shalt  }
0x64: {  	_ =	shalt  }
0x65: {  	_ =	shalt  }
0x66: {  	_ =	shalt  }
0x67: {  	_ =	shalt  }
0x68: {  	_ =	shalt  }
0x69: {  	_ =	shalt  }
0x6a: {  	_ =	shalt  }
0x6b: {  	_ =	shalt  }
0x6c: {  	_ =	shalt  }
0x6d: {  	_ =	shalt  }
0x6e: {  	_ =	shalt  }
0x6f: {  	_ =	shalt  }
0x70: {  	_ =	shalt  }
0x71: {  	_ =	shalt  }
0x72: {  	_ =	shalt  }
0x73: {  	_ =	shalt  }
0x74: {  	_ =	shalt  }
0x75: {  	_ =	shalt  }
0x76: {  	_ =	shalt  }
0x77: {  	_ =	shalt  }
0x78: {  	_ =	shalt  }
0x79: {  	_ =	shalt  }
0x7a: {  	_ =	shalt  }
0x7b: {  	_ =	shalt  }
0x7c: {  	_ =	shalt  }
0x7d: {  	_ =	shalt  }
0x7e: {  	_ =	shalt  }
0x7f: {  	_ =	shalt  }
0x80: {  	_ =	shalt  }
0x81: {  	_ =	shalt  }
0x82: {  	_ =	shalt  }
0x83: {  	_ =	shalt  }
0x84: {  	_ =	shalt  }
0x85: {  	_ =	shalt  }
0x86: {  	_ =	shalt  }
0x87: {  	_ =	shalt  }
.Lfunc_end0:
.L_simem_size_0:
called_computation.1_lowered:
.L_overlay_start_0:
0x88: {  	s2 =	sld [smem:$0x3FD9]  }
0x89: {  	s3 =	sld [smem:$0x3FFE];
	_ =	sdelay $0x1  }
0x8a: {  	s1 =	srdreg.scid  }
0x8b: {  	s0 =	sand.u32 $0x1, s1  }
0x8c: {  	s16 =	sshll.u32 s0, $0xA;
	s2 =	sadd.s32 s3, s2  }
0x8d: {  	s2 =	sadd.s32 s2, s16  }
0x8e: {  	[smem:$0x3FB5] =	sst s2  }
0x8f: {  	_ = 	snop  }
0x90: {  	(tm) =	ssettm $0x1  }
0x91: {  	s17 =	sld [smem:$0x3FFB];
	_ =	sdelay $0x3  }
0x92: {  	_ =	strace s17  }
0x93: {  	s2 =	sld [smem:$0x3FFC];
	_ =	sdelay $0x3  }
0x94: {  	_ =	strace s2  }
0x95: {  	s2 =	sld [smem:$0x3FFD];
	_ =	sdelay $0x3  }
0x96: {  	_ =	strace s2  }
0x97: {  	_ =	strace $0x8FFFFFFF  }
0x98: {  	s18 =	sld [smem:$0x3FDB];
	_ =	sdelay $0x1  }
0x99: {  	s19 =	simm.s32 $_scs_section_size  }
0x9a: {  	s4 =	simm.s32 $_size__tile_overlayer_lowered;
	s5 =	simm.s32 $_tile_overlayer_lowered  }
0x9b: {  	s22 =	simm.s32 $0x1BFF;
	s21 =	sshll.u32 s5, $0x1;
	s2 =	sadd.s32 s19, s18  }
0x9c: {  	s6 =	simm.s32 $0x0;
	s20 =	sshll.u32 s4, $0x1;
	s4 =	sadd.s32 s21, s2  }
0x9d: {  	[timem:s6], [sflag:s22] =	dma.local [hbm:s4], s20  }
0x9e: {  	_ =	swait.ge [sflag:s22], s20  }
0x9f: {  	s3 =	ssub.s32 $0x0, s20;
	[sflag:s22] =	ssyncset.done $0x0  }
0xa0: {  	[sflag:s22] =	ssyncadd.s32 s3;
	_ =	sdelay $0x1  }
0xa1: {  	s23 =	simm.s32 $0x1B8B  }
0xa2: {  	_ =	swait.ge [sflag:s23], $0x1  }
0xa3: {  	[sflag:s23] =	ssyncset.done $0x0  }
0xa4: {  	s25 =	simm.s32 $0x1B8E;
	s24 =	sld [smem:$0x3FFE];
	[sflag:s23] =	ssyncadd.s32 $0xFFFFFFFF  }
0xa5: {  	s26 =	simm.s32 $execute0_lowered;
	[smem:$0x3FD2] =	sst s25  }
0xa6: {  	s4 =	sshll.u32 s26, $0x1;
	_ =	strace $0x80000046;
	[dreg:$0x1] =	wrdreg $0xFFFFFFFF  }
0xa7: {  	s28 =	simm.s32 $_size_execute0_lowered;
	s2 =	sadd.s32 s2, s4;
	[dreg:$0x0] =	wrdreg $0x0  }
0xa8: {  	s4 =	sshll.u32 s28, $0x1;
	[dreg:$0x2] =	wrdreg s2  }
0xa9: {  	[dreg:$0x3] =	wrdreg s4  }
0xaa: {  	[dreg:$0x4] =	wrdreg $0xC0  }
0xab: {  	_ =	task [dreg:s6], $0x5FFFF  }
0xac: {  	[dreg:$0x1] =	wrdreg $0xFFFFFFFF  }
0xad: {  	[dreg:$0x0] =	wrdreg $0x60  }
0xae: {  	[dreg:$0x2] =	wrdreg s24  }
0xaf: {  	[dreg:$0x3] =	wrdreg $0x1F400  }
0xb0: {  	[dreg:$0x4] =	wrdreg $0xA  }
0xb1: {  	_ =	task.clear_ibuf [dreg:s6], $0x5FFFF;
	_ =	strace $0x90000046  }
0xb2: {  	s29 =	simm.s32 $0xA;
	_ =	strace $0x80000048  }
0xb3: {  	_ =	swait.ge [sflag:s29], $0x1  }
0xb4: {  	[sflag:s29] =	ssyncadd.s32 $0xFFFFFFFF  }
0xb5: {  	_ =	strace $0x90000048  }
0xb6: {  	_ =	sfence  }
0xb7: {  	s30 =	sld [smem:$0x0];
	_ =	sdelay $0x2  }
0xb8: {  	s31 =	sshll.u32 s1, $0xD;
	s1 =	sshrl.u32 s1, $0x2  }
0xb9: {  	s3 =	sand.u32 $0x4000, s31;
	s1 =	sadd.s32 s1, s30  }
0xba: {  	s0 =	sor.u32 s3, s0;
	s1 =	sshll.u32 s1, $0x11  }
0xbb: {  	s0 =	sor.u32 s1, s0  }
0xbc: {  	s0 =	sadd.s32 $0x8F2B, s0  }
0xbd: {  	[sflag:s0] =	ssyncadd.remote.s32 $0x1  }
0xbe: {  	_ =	sfence.sel $0xFFFF  }
0xbf: {  	[dreg:$0x0] =	wrdreg $0xFFFFFFFF;
	(pc) =	sbr.abs _section_cstart, $3  }
0xc0: {  	[dreg:$0x1] =	wrdreg $0xFFFFFFFF  }
0xc1: {  	_ =	task.clear_ibuf [dreg:s6], $0x2FFFF;
	_ =	strace $0x9FFFFFFF  }
0xc2: {  	(tm) =	ssettm $0x7FFFFFFF  }
0xc3: {  	_ =	shalt  }
tec
execute0_lowered:
.L_overlay_start_1:
0x0: {  	(tag) =	ssettag $0x1  }
0x1: {  	s5 =	rddreg [dreg:$0x0]  }
0x2: {  	s2 =	rddreg [dreg:$0x1]  }
0x3: {  	s1 =	stileid.u32;
	s4 =	srdreg.scid  }
0x4: {  	s3 =	simm.s32 $0x0;
	s18 =	simm.s32 $0xA0;
	s19 =	simm.s32 $0xFA0  }
0x5: {  	s20 =	simm.s32 $0xFF0;
	s21 =	simm.s32 $0x1040;
	s22 =	simm.s32 $0x1  }
0x6: {  	s23 =	simm.s32 $0x2;
	s24 =	simm.s32 $0x3;
	s6 =	smul.u32 $0x7800, s1  }
0x7: {  	s7 =	sand.u32 $0x1, s4;
	s8 =	smul.u32 $0xF00, s1;
	[smem:$0x7FF] =	sst s3  }
0x8: {  	s14 =	sadd.s32 $0xC000, s5;
	s13 =	sadd.s32 $0x2200, s5;
	s12 =	smul.u32 $0x2710, s1  }
0x9: {  	s4 =	sadd.s32 $0xB2200, s5;
	s28 =	sshll.u32 s1, $0x6;
	s9 =	smul.u32 $0xF000, s7  }
0xa: {  	_ =	strace $0x80000047;
	s10 =	smul.u32 $0x27100, s7;
	s7 =	ssub.s32 $0x2, s7  }
0xb: {  	s11 =	sshrl.u32 s6, $0x3;
	s25 =	sshrl.u32 s7, $0x1;
	s17 =	sadd.s32 s6, s2  }
0xc: {  	s6 =	sor.u32 $0x1C05, s28;
	s11 =	sadd.s32 s11, s5;
	s8 =	sadd.s32 s8, s9  }
0xd: {  	s10 =	sadd.s32 s12, s10;
	s15 =	ssub.s32 s7, s25;
	s25 =	simm.s32 $0x4  }
0xe: {  	s26 =	sadd.s32 s8, s5;
	s16 =	sshrl.u32 s10, $0x3;
	s5 =	sadd.s32 $0xC0E00, s11  }
0xf: {  	s30 =	sadd.s32 $0x50, s10;
	s10 =	smax.u32 s15, $0x1;
	s15 =	sshrl.u32 s17, $0x3  }
0x10: {  	s17 =	simm.s32 $0x50;
	s29 =	sadd.s32 $0x4D8, s16;
	s9 =	sadd.s32 $0xCFE00, s26  }
0x11: {  	s11 =	sadd.s32 s16, s13;
	s31 =	sshrl.u32 s30, $0x3;
	s12 =	sadd.s32 s16, s14  }
0x12: {  	s16 =	simm.s32 $0x5;
	s26 =	simm.s32 $0x0;
	s7 =	sadd.s32 s14, s29  }
0x13: {  	s8 =	sadd.s32 s13, s29;
	s13 =	sadd.s32 s31, s13;
	s14 =	sadd.s32 s31, s14  }
.LBB2_1:
0x14: {  	[spmem:s15], [sflag:s6] =	dma.local [hbm:s5], $0xF00  }
0x15: {  	_ =	swait.ge [sflag:s16], $0xF00  }
0x16: {  	[sflag:s16] =	ssyncset.done $0x0  }
0x17: {  	[sflag:s16] =	ssyncadd.s32 $0xFFFFF100  }
0x18: {  	s28 =	sadd.s32 $0x0, s12;
	[bflag:$0x0] =	sbarrier.arrive $0xFFFF  }
0x19: {  	[tilespmem:s3], [sflag:$0x5] =	stream.linear.gather [hbm4b:s28+s3], $0x50, $0x38;
	[tilespmem:$0x9740] =	vst v63  }
0x1a: {  	_ =	swait.ge [sflag:s16], $0x50  }
0x1b: {  	[sflag:s16] =	ssyncset.done $0x0  }
0x1c: {  	s28 =	sadd.s32 $0x0, s11;
	[sflag:s16] =	ssyncadd.s32 $0xFFFFFFB0  }
0x1d: {  	[tilespmem:s17], [sflag:$0x5] =	stream.linear.gather [hbm4b:s28+s3], $0x50, $0x38;
	[tilespmem:$0x9740] =	vst v63  }
0x1e: {  	_ =	swait.ge [sflag:s16], $0x50  }
0x1f: {  	[sflag:s16] =	ssyncset.done $0x0  }
0x20: {  	[sflag:s16] =	ssyncadd.s32 $0xFFFFFFB0  }
0x21: {  	[tilespmem:s18], [sflag:$0x1] =	stream.indirect.gather [hbm4b:s4+s17], $0x30, s3, s17, $0xb8;
	[tilespmem:$0x9740] =	vst v63  }
0x22: {  	s28 =	sadd.s32 $0x0, s14  }
0x23: {  	[tilespmem:s19], [sflag:$0x5] =	stream.linear.gather [hbm4b:s28+s3], $0x50, $0x38;
	[tilespmem:$0x9740] =	vst v63  }
0x24: {  	_ =	swait.ge [sflag:s16], $0x50  }
0x25: {  	[sflag:s16] =	ssyncset.done $0x0  }
0x26: {  	s28 =	sadd.s32 $0x0, s13;
	[sflag:s16] =	ssyncadd.s32 $0xFFFFFFB0  }
0x27: {  	[tilespmem:s20], [sflag:$0x5] =	stream.linear.gather [hbm4b:s28+s3], $0x50, $0x38;
	[tilespmem:$0x9740] =	vst v63  }
0x28: {  	_ =	swait.ge [sflag:s16], $0x50  }
0x29: {  	[sflag:s16] =	ssyncset.done $0x0  }
0x2a: {  	[sflag:s16] =	ssyncadd.s32 $0xFFFFFFB0  }
0x2b: {  	[tilespmem:s21], [sflag:$0x2] =	stream.indirect.gather [hbm4b:s4+s17], $0x30, s19, s17, $0xb8;
	[tilespmem:$0x9740] =	vst v63  }
0x2c: {  	_ =	swait.ge [sflag:s22], $0xF00  }
0x2d: {  	[sflag:s22] =	ssyncset.done $0x0  }
0x2e: {  	[sflag:s22] =	ssyncadd.s32 $0xFFFFF100  }
0x2f: {  	[spmem:s2] =	stream.indirect.scatter.add.f32 [tilespmem:s18], [sflag:$0x3], $0x30, s17, s17, $0xb8;
	[tilespmem:$0x9740] =	vst v63  }
0x30: {  	_ =	swait.ge [sflag:s23], $0xF00  }
0x31: {  	[sflag:s23] =	ssyncset.done $0x0  }
0x32: {  	[sflag:s23] =	ssyncadd.s32 $0xFFFFF100  }
0x33: {  	[spmem:s2] =	stream.indirect.scatter.add.f32 [tilespmem:s21], [sflag:$0x4], $0x30, s20, s17, $0xb8;
	[tilespmem:$0x9740] =	vst v63  }
0x34: {  	_ =	swait.ge [sflag:s24], $0xF00  }
0x35: {  	[sflag:s24] =	ssyncset.done $0x0  }
0x36: {  	[sflag:s24] =	ssyncadd.s32 $0xFFFFF100  }
0x37: {  	_ =	swait.ge [sflag:s25], $0xF00  }
0x38: {  	s30 =	simm.s32 $0x28;
	s28 =	simm.s32 $0x14;
	[sflag:s25] =	ssyncset.done $0x0  }
.LBB2_2:
0x39: {  	s31 =	sadd.s32 s28, s12  }
0x3a: {  	[sflag:s25] =	ssyncadd.s32 $0xFFFFF100;
	s0 =	smov.u32 s30;
	s29 =	sadd.s32 $0x14, s30  }
0x3b: {  	[tilespmem:s3], [sflag:$0x5] =	stream.linear.gather [hbm4b:s31+s3], $0x50, $0x38;
	[tilespmem:$0x9740] =	vst v63  }
0x3c: {  	p0 =	sne.s32 s30, $0x4C4;
	_ =	swait.ge [sflag:s16], $0x50  }
0x3d: {  	[sflag:s16] =	ssyncset.done $0x0  }
0x3e: {  	s30 =	sadd.s32 s28, s11;
	[sflag:s16] =	ssyncadd.s32 $0xFFFFFFB0  }
0x3f: {  	[tilespmem:s17], [sflag:$0x5] =	stream.linear.gather [hbm4b:s30+s3], $0x50, $0x38;
	[tilespmem:$0x9740] =	vst v63  }
0x40: {  	_ =	swait.ge [sflag:s16], $0x50  }
0x41: {  	[sflag:s16] =	ssyncset.done $0x0  }
0x42: {  	[sflag:s16] =	ssyncadd.s32 $0xFFFFFFB0  }
0x43: {  	[tilespmem:s18], [sflag:$0x1] =	stream.indirect.gather [hbm4b:s4+s17], $0x30, s3, s17, $0xb8;
	[tilespmem:$0x9740] =	vst v63  }
0x44: {  	s30 =	sadd.s32 s28, s14  }
0x45: {  	[tilespmem:s19], [sflag:$0x5] =	stream.linear.gather [hbm4b:s30+s3], $0x50, $0x38;
	[tilespmem:$0x9740] =	vst v63  }
0x46: {  	_ =	swait.ge [sflag:s16], $0x50  }
0x47: {  	[sflag:s16] =	ssyncset.done $0x0  }
0x48: {  	s30 =	sadd.s32 s28, s13;
	s28 =	smov.u32 s0;
	[sflag:s16] =	ssyncadd.s32 $0xFFFFFFB0  }
0x49: {  	[tilespmem:s20], [sflag:$0x5] =	stream.linear.gather [hbm4b:s30+s3], $0x50, $0x38;
	[tilespmem:$0x9740] =	vst v63  }
0x4a: {  	_ =	swait.ge [sflag:s16], $0x50  }
0x4b: {  	[sflag:s16] =	ssyncset.done $0x0  }
0x4c: {  	[sflag:s16] =	ssyncadd.s32 $0xFFFFFFB0  }
0x4d: {  	[tilespmem:s21], [sflag:$0x2] =	stream.indirect.gather [hbm4b:s4+s17], $0x30, s19, s17, $0xb8;
	[tilespmem:$0x9740] =	vst v63  }
0x4e: {  	_ =	swait.ge [sflag:s22], $0xF00  }
0x4f: {  	[sflag:s22] =	ssyncset.done $0x0  }
0x50: {  	[sflag:s22] =	ssyncadd.s32 $0xFFFFF100  }
0x51: {  	[spmem:s2] =	stream.indirect.scatter.add.f32 [tilespmem:s18], [sflag:$0x3], $0x30, s17, s17, $0xb8;
	[tilespmem:$0x9740] =	vst v63  }
0x52: {  	_ =	swait.ge [sflag:s23], $0xF00  }
0x53: {  	[sflag:s23] =	ssyncset.done $0x0  }
0x54: {  	[sflag:s23] =	ssyncadd.s32 $0xFFFFF100  }
0x55: {  	[spmem:s2] =	stream.indirect.scatter.add.f32 [tilespmem:s21], [sflag:$0x4], $0x30, s20, s17, $0xb8;
	[tilespmem:$0x9740] =	vst v63  }
.Ltmp0:
0x56: {  	_ =	swait.ge [sflag:s24], $0xF00;
	(pc) =	sbr.rel @p0 .LBB2_2-.Ltmp0, $4  }
0x57: {  	[sflag:s24] =	ssyncset.done $0x0  }
0x58: {  	[sflag:s24] =	ssyncadd.s32 $0xFFFFF100  }
0x59: {  	_ =	swait.ge [sflag:s25], $0xF00  }
0x5a: {  	s30 =	smov.u32 s29;
	[sflag:s25] =	ssyncset.done $0x0  }
0x5b: {  	s0 =	sadd.s32 s28, s12;
	[sflag:s25] =	ssyncadd.s32 $0xFFFFF100  }
0x5c: {  	[tilespmem:s3], [sflag:$0x5] =	stream.linear.gather [hbm4b:s0+s3], $0x50, $0x38;
	[tilespmem:$0x9740] =	vst v63  }
0x5d: {  	_ =	swait.ge [sflag:s16], $0x50  }
0x5e: {  	[sflag:s16] =	ssyncset.done $0x0  }
0x5f: {  	s29 =	sadd.s32 s28, s11;
	[sflag:s16] =	ssyncadd.s32 $0xFFFFFFB0  }
0x60: {  	[tilespmem:s17], [sflag:$0x5] =	stream.linear.gather [hbm4b:s29+s3], $0x50, $0x38;
	[tilespmem:$0x9740] =	vst v63  }
0x61: {  	_ =	swait.ge [sflag:s16], $0x50  }
0x62: {  	[sflag:s16] =	ssyncset.done $0x0  }
0x63: {  	[sflag:s16] =	ssyncadd.s32 $0xFFFFFFB0  }
0x64: {  	[tilespmem:s18], [sflag:$0x1] =	stream.indirect.gather [hbm4b:s4+s17], $0x30, s3, s17, $0xb8;
	[tilespmem:$0x9740] =	vst v63  }
0x65: {  	s30 =	sadd.s32 s28, s14  }
0x66: {  	[tilespmem:s19], [sflag:$0x5] =	stream.linear.gather [hbm4b:s30+s3], $0x50, $0x38;
	[tilespmem:$0x9740] =	vst v63  }
0x67: {  	_ =	swait.ge [sflag:s16], $0x50  }
0x68: {  	[sflag:s16] =	ssyncset.done $0x0  }
0x69: {  	s31 =	sadd.s32 s28, s13;
	[sflag:s16] =	ssyncadd.s32 $0xFFFFFFB0  }
0x6a: {  	[tilespmem:s20], [sflag:$0x5] =	stream.linear.gather [hbm4b:s31+s3], $0x50, $0x38;
	[tilespmem:$0x9740] =	vst v63  }
0x6b: {  	_ =	swait.ge [sflag:s16], $0x50  }
0x6c: {  	[sflag:s16] =	ssyncset.done $0x0  }
0x6d: {  	[sflag:s16] =	ssyncadd.s32 $0xFFFFFFB0  }
0x6e: {  	[tilespmem:s21], [sflag:$0x2] =	stream.indirect.gather [hbm4b:s4+s17], $0x30, s19, s17, $0xb8;
	[tilespmem:$0x9740] =	vst v63  }
0x6f: {  	_ =	swait.ge [sflag:s22], $0xF00  }
0x70: {  	[sflag:s22] =	ssyncset.done $0x0  }
0x71: {  	[sflag:s22] =	ssyncadd.s32 $0xFFFFF100  }
0x72: {  	[spmem:s2] =	stream.indirect.scatter.add.f32 [tilespmem:s18], [sflag:$0x3], $0x30, s17, s17, $0xb8;
	[tilespmem:$0x9740] =	vst v63  }
0x73: {  	_ =	swait.ge [sflag:s23], $0xF00  }
0x74: {  	[sflag:s23] =	ssyncset.done $0x0  }
0x75: {  	[sflag:s23] =	ssyncadd.s32 $0xFFFFF100  }
0x76: {  	[spmem:s2] =	stream.indirect.scatter.add.f32 [tilespmem:s21], [sflag:$0x4], $0x30, s20, s17, $0xb8;
	[tilespmem:$0x9740] =	vst v63  }
0x77: {  	_ =	swait.ge [sflag:s24], $0xF00  }
0x78: {  	[sflag:s24] =	ssyncset.done $0x0  }
0x79: {  	[sflag:s24] =	ssyncadd.s32 $0xFFFFF100  }
0x7a: {  	_ =	swait.ge [sflag:s25], $0xF00  }
0x7b: {  	[sflag:s25] =	ssyncset.done $0x0  }
0x7c: {  	[sflag:s25] =	ssyncadd.s32 $0xFFFFF100  }
0x7d: {  	[tilespmem:s3], [sflag:$0x5] =	stream.linear.gather [hbm4b:s7+s3], $0x50, $0x38;
	[tilespmem:$0x9740] =	vst v63  }
0x7e: {  	_ =	swait.ge [sflag:s16], $0x50  }
0x7f: {  	[sflag:s16] =	ssyncset.done $0x0  }
0x80: {  	[sflag:s16] =	ssyncadd.s32 $0xFFFFFFB0  }
0x81: {  	[tilespmem:s17], [sflag:$0x5] =	stream.linear.gather [hbm4b:s8+s3], $0x50, $0x38;
	[tilespmem:$0x9740] =	vst v63  }
0x82: {  	_ =	swait.ge [sflag:s16], $0x50  }
0x83: {  	[sflag:s16] =	ssyncset.done $0x0  }
0x84: {  	[sflag:s16] =	ssyncadd.s32 $0xFFFFFFB0  }
0x85: {  	[tilespmem:s18], [sflag:$0x1] =	stream.indirect.gather [hbm4b:s4+s17], $0x30, s3, s17, $0xb8;
	[tilespmem:$0x9740] =	vst v63  }
0x86: {  	_ =	swait.ge [sflag:s22], $0xF00  }
0x87: {  	[sflag:s22] =	ssyncset.done $0x0  }
0x88: {  	[sflag:s22] =	ssyncadd.s32 $0xFFFFF100  }
0x89: {  	[spmem:s2] =	stream.indirect.scatter.add.f32 [tilespmem:s18], [sflag:$0x5], $0x30, s17, s17, $0xb8;
	[tilespmem:$0x9740] =	vst v63  }
0x8a: {  	_ =	swait.ge [sflag:s16], $0xF00  }
0x8b: {  	s26 =	sadd.s32 $0x1, s26;
	[sflag:s16] =	ssyncset.done $0x0  }
0x8c: {  	p0 =	sne.s32 s26, s10;
	[sflag:s16] =	ssyncadd.s32 $0xFFFFF100  }
.Ltmp1:
0x8d: {  	[bflag:$0x0] =	sbarrier.arrive $0xFFFF;
	(pc) =	sbr.rel @p0 .LBB2_1-.Ltmp1, $4  }
0x8e: {  	[hbm:s9], [sflag:s6] =	dma.local [spmem:s15], $0xF00  }
0x8f: {  	_ =	swait.ge [sflag:s16], $0xF00  }
0x90: {  	[sflag:s16] =	ssyncset.done $0x0  }
0x91: {  	[sflag:s16] =	ssyncadd.s32 $0xFFFFF100  }
0x92: {  	_ =	sfence.sel $0x180000  }
0x93: {  	[bflag:$0x0] =	sbarrier.arrive $0xFFFF  }
0x94: {  	_ =	strace $0x90000047  }
0x95: {  	[bflag:$0x2] =	sbarrier.arrive $0xFFFF  }
0x96: {  	p0 =	sne.s32 s1, $0x0;
	s0 =	rddreg [dreg:$0x2]  }
0x97: {  	s0 =	sadd.s32 @!p0 $0x100000, s0  }
0x98: {  	[sflag:s0] =	ssyncadd.tile.s32 @!p0 $0x1;
	_ =	shalt  }
.Lfunc_end2:
_tile_overlayer_lowered:
.L_overlay_start_2:
0x99: {  	(tag) =	ssettag $0x2  }
0x9a: {  	s0 =	rddreg [dreg:$0x0];
	s2 =	stileid.u32  }
0x9b: {  	s1 =	rddreg [dreg:$0x1];
	p0 =	sne.s32 s2, $0x0  }
0x9c: {  	s3 =	rddreg [dreg:$0x2];
	[bflag:$0x3] =	sbarrier.arrive $0xFFFF;
	s2 =	simm.s32 @!p0 $0x1C05  }
0x9d: {  	[timem:s3], [sflag:s2] =	dma.local @!p0 [hbm:s0], s1  }
0x9e: {  	s0 =	simm.s32 @!p0 $0x5  }
0x9f: {  	_ =	swait.ge @!p0 [sflag:s0], s1  }
0xa0: {  	s1 =	ssub.s32 @!p0 $0x0, s1;
	[sflag:s0] =	ssyncset.done @!p0 $0x0  }
0xa1: {  	[sflag:s0] =	ssyncadd.s32 @!p0 s1  }
0xa2: {  	[bflag:$0x3] =	sbarrier.arrive $0xFFFF  }
0xa3: {  	_ =	shalt  }

// kernel: kernel.7.cloned.1.call-start
scs
__scs_entry_jumppad:
0x0: {  	(pc) =	sbr.rel $0x88, $3  }
0x1: {  	(tag) =	ssettag $0x0;
	lr =	simm.s32 $0x1  }
0x2: {  	[smem:$0x3F8E] =	sst lr;
	_ =	strace $0xD0000000  }
0x3: {  	_ = 	snop  }
0x4: {  	_ = 	snop  }
0x5: {  	_ = 	snop  }
0x6: {  	_ = 	snop  }
0x7: {  	_ = 	snop  }
__scs_overlays_trampoline_lowered:
0x8: {  	[smem:$0x3F9D] =	sst s0  }
0x9: {  	[smem:$0x3F9E] =	sst s1  }
0xa: {  	[smem:$0x3F9F] =	sst s2  }
0xb: {  	[smem:$0x3FA0] =	sst s3  }
0xc: {  	[smem:$0x3FA1] =	sst s4  }
0xd: {  	[smem:$0x3FA2] =	sst s5  }
0xe: {  	[smem:$0x3FA3] =	sst s6  }
0xf: {  	[smem:$0x3FA4] =	sst s7  }
0x10: {  	[smem:$0x3FA5] =	sst s8  }
0x11: {  	[smem:$0x3FA6] =	sst s9;
	s0 =	simm.s32 @!p0 $0x0  }
0x12: {  	s1 =	sld [smem:$0x3F8C];
	s0 =	simm.s32 @p0 $0x1  }
0x13: {  	[smem:$0x3FA7] =	sst s0;
	s0 =	simm.s32 @!p1 $0x0  }
0x14: {  	s2 =	sld [smem:$0x3F8B];
	s0 =	simm.s32 @p1 $0x1  }
0x15: {  	[smem:$0x3FA8] =	sst s0;
	s0 =	simm.s32 @!p2 $0x0  }
0x16: {  	s3 =	sld [smem:$0x3FDB];
	s0 =	simm.s32 @p2 $0x1  }
0x17: {  	s4 =	simm.s32 $0x1BF5;
	[smem:$0x3FAA] =	sst s0  }
0x18: {  	s0 =	sld [smem:$0x3F8D];
	_ =	swait.ge [sflag:s4], $0x0  }
0x19: {  	s7 =	sld [smem:$0x3F8E]  }
0x1a: {  	s8 =	sadd.s32 $0xFFFFE003, lr  }
0x1b: {  	s9 =	sadd.s32 $0xFFFFFEF7, lr;
	s5 =	simm.s32 $0xFFFFFFFF;
	p2 =	slt.u32 s8, $0xFFFFF086  }
0x1c: {  	p1 =	slt.u32 s9, $0xF7A;
	s5 =	simm.s32 @!p2 $0x0  }
0x1d: {  	s5 =	simm.s32 @p1 $0x1;
	p0 =	seq.s32 s7, s2  }
0x1e: {  	s7 =	smul.u32 @!p0 $0xF7A, s2;
	p2 =	seq.s32 @!p0 s5, $0x0  }
0x1f: {  	s9 =	smul.u32 $0xF7A, s1;
	s8 =	simm.s32 @!p0 $0x1BF5;
	p2 =	por !p2, p0  }
0x20: {  	[sflag:s8] =	ssyncset.s32 @!p0 $0xFFFFF086;
	s6 =	sadd.s32 @!p0 s3, s7;
	s7 =	simm.s32 @!p0 $0x108  }
0x21: {  	s3 =	sadd.s32 s3, s9;
	s6 =	sadd.s32 @!p0 $0x88, s6;
	s7 =	simm.s32 @p2 $0x1082  }
0x22: {  	[simem:s7], [sflag:s8] =	dma.local @!p0 [hbm:s6], $0xF7A  }
0x23: {  	s9 =	sor.u32 $0xD0000000, s2;
	s6 =	simm.s32 $0x108;
	_ =	swait.ge @!p0 [sflag:s8], $0x0  }
0x24: {  	s3 =	sadd.s32 $0x88, s3;
	s6 =	simm.s32 @!p1 $0x1082;
	[sflag:s4] =	ssyncset.s32 $0xFFFFF086  }
0x25: {  	[simem:s6], [sflag:s4] =	dma.local [hbm:s3], $0xF7A  }
0x26: {  	[smem:$0x3F8E] =	sst s1;
	(tag) =	ssettag s2;
	_ =	strace s9  }
0x27: {  	s1 =	sld [smem:$0x3F9E]  }
0x28: {  	s2 =	sld [smem:$0x3F9F]  }
0x29: {  	s4 =	sld [smem:$0x3FA1]  }
0x2a: {  	p0 =	seq.s32 s5, $0x0;
	s5 =	sld [smem:$0x3FA2]  }
0x2b: {  	s6 =	sld [smem:$0x3FA3]  }
0x2c: {  	s7 =	sld [smem:$0x3FA4]  }
0x2d: {  	s3 =	simm.s32 $0x108;
	s8 =	sld [smem:$0x3FA5]  }
0x2e: {  	s3 =	simm.s32 @!p0 $0x1082;
	s9 =	sld [smem:$0x3FA6]  }
0x2f: {  	lr =	sadd.s32 s0, s3;
	s0 =	sld [smem:$0x3F9D]  }
0x30: {  	s3 =	sld [smem:$0x3FA0]  }
0x31: {  	[smem:$0x3FA9] =	sst s10  }
0x32: {  	s10 =	sld [smem:$0x3FA7];
	_ =	sdelay $0x3  }
0x33: {  	p0 =	seq.s32 s10, $0x1;
	s10 =	sld [smem:$0x3FA9];
	_ =	sdelay $0x3  }
0x34: {  	[smem:$0x3FA9] =	sst s10  }
0x35: {  	s10 =	sld [smem:$0x3FA8];
	_ =	sdelay $0x3  }
0x36: {  	p1 =	seq.s32 s10, $0x1;
	s10 =	sld [smem:$0x3FA9];
	_ =	sdelay $0x3  }
0x37: {  	[smem:$0x3FA9] =	sst s10  }
0x38: {  	s10 =	sld [smem:$0x3FAA]  }
0x39: {  	_ = 	snop;
	(pc) =	sbr.ind lr, $3  }
0x3a: {  	_ = 	snop  }
0x3b: {  	_ = 	snop  }
0x3c: {  	p2 =	seq.s32 s10, $0x1;
	s10 =	sld [smem:$0x3FA9]  }
0x3d: {  	_ =	shalt  }
0x3e: {  	_ =	shalt  }
0x3f: {  	_ =	shalt  }
0x40: {  	_ =	shalt  }
0x41: {  	_ =	shalt  }
0x42: {  	_ =	shalt  }
0x43: {  	_ =	shalt  }
0x44: {  	_ =	shalt  }
0x45: {  	_ =	shalt  }
0x46: {  	_ =	shalt  }
0x47: {  	_ =	shalt  }
0x48: {  	_ =	shalt  }
0x49: {  	_ =	shalt  }
0x4a: {  	_ =	shalt  }
0x4b: {  	_ =	shalt  }
0x4c: {  	_ =	shalt  }
0x4d: {  	_ =	shalt  }
0x4e: {  	_ =	shalt  }
0x4f: {  	_ =	shalt  }
0x50: {  	_ =	shalt  }
0x51: {  	_ =	shalt  }
0x52: {  	_ =	shalt  }
0x53: {  	_ =	shalt  }
0x54: {  	_ =	shalt  }
0x55: {  	_ =	shalt  }
0x56: {  	_ =	shalt  }
0x57: {  	_ =	shalt  }
0x58: {  	_ =	shalt  }
0x59: {  	_ =	shalt  }
0x5a: {  	_ =	shalt  }
0x5b: {  	_ =	shalt  }
0x5c: {  	_ =	shalt  }
0x5d: {  	_ =	shalt  }
0x5e: {  	_ =	shalt  }
0x5f: {  	_ =	shalt  }
0x60: {  	_ =	shalt  }
0x61: {  	_ =	shalt  }
0x62: {  	_ =	shalt  }
0x63: {  	_ =	shalt  }
0x64: {  	_ =	shalt  }
0x65: {  	_ =	shalt  }
0x66: {  	_ =	shalt  }
0x67: {  	_ =	shalt  }
0x68: {  	_ =	shalt  }
0x69: {  	_ =	shalt  }
0x6a: {  	_ =	shalt  }
0x6b: {  	_ =	shalt  }
0x6c: {  	_ =	shalt  }
0x6d: {  	_ =	shalt  }
0x6e: {  	_ =	shalt  }
0x6f: {  	_ =	shalt  }
0x70: {  	_ =	shalt  }
0x71: {  	_ =	shalt  }
0x72: {  	_ =	shalt  }
0x73: {  	_ =	shalt  }
0x74: {  	_ =	shalt  }
0x75: {  	_ =	shalt  }
0x76: {  	_ =	shalt  }
0x77: {  	_ =	shalt  }
0x78: {  	_ =	shalt  }
0x79: {  	_ =	shalt  }
0x7a: {  	_ =	shalt  }
0x7b: {  	_ =	shalt  }
0x7c: {  	_ =	shalt  }
0x7d: {  	_ =	shalt  }
0x7e: {  	_ =	shalt  }
0x7f: {  	_ =	shalt  }
0x80: {  	_ =	shalt  }
0x81: {  	_ =	shalt  }
0x82: {  	_ =	shalt  }
0x83: {  	_ =	shalt  }
0x84: {  	_ =	shalt  }
0x85: {  	_ =	shalt  }
0x86: {  	_ =	shalt  }
0x87: {  	_ =	shalt  }
.Lfunc_end0:
.L_simem_size_0:
called_computation_lowered:
.L_overlay_start_0:
0x88: {  	s2 =	sld [smem:$0x3FD9]  }
0x89: {  	s3 =	sld [smem:$0x3FFE];
	_ =	sdelay $0x1  }
0x8a: {  	s1 =	srdreg.scid  }
0x8b: {  	s0 =	sand.u32 $0x1, s1  }
0x8c: {  	s17 =	sshll.u32 s0, $0xA;
	s2 =	sadd.s32 s3, s2  }
0x8d: {  	s2 =	sadd.s32 s2, s17  }
0x8e: {  	[smem:$0x3FB5] =	sst s2  }
0x8f: {  	_ = 	snop  }
0x90: {  	(tm) =	ssettm $0x1  }
0x91: {  	s18 =	sld [smem:$0x3FFB];
	_ =	sdelay $0x3  }
0x92: {  	_ =	strace s18  }
0x93: {  	s2 =	sld [smem:$0x3FFC];
	_ =	sdelay $0x3  }
0x94: {  	_ =	strace s2  }
0x95: {  	s2 =	sld [smem:$0x3FFD];
	_ =	sdelay $0x3  }
0x96: {  	_ =	strace s2  }
0x97: {  	_ =	strace $0x8FFFFFFF  }
0x98: {  	s19 =	sld [smem:$0x3FDB];
	_ =	sdelay $0x1  }
0x99: {  	s20 =	simm.s32 $_scs_section_size  }
0x9a: {  	s4 =	simm.s32 $_size__tile_overlayer_lowered;
	s5 =	simm.s32 $_tile_overlayer_lowered  }
0x9b: {  	s6 =	simm.s32 $0x1BFF;
	s21 =	sshll.u32 s5, $0x1;
	s3 =	sadd.s32 s20, s19  }
0x9c: {  	s22 =	simm.s32 $0x0;
	s4 =	sshll.u32 s4, $0x1;
	s5 =	sadd.s32 s21, s3  }
0x9d: {  	[timem:s22], [sflag:s6] =	dma.local [hbm:s5], s4  }
0x9e: {  	_ =	swait.ge [sflag:s6], s4  }
0x9f: {  	s4 =	ssub.s32 $0x0, s4;
	[sflag:s6] =	ssyncset.done $0x0  }
0xa0: {  	[sflag:s6] =	ssyncadd.s32 s4;
	_ =	sdelay $0x1  }
0xa1: {  	s23 =	simm.s32 $0x1B8B  }
0xa2: {  	_ =	swait.ge [sflag:s23], $0x1  }
0xa3: {  	[sflag:s23] =	ssyncset.done $0x0  }
0xa4: {  	[sflag:s23] =	ssyncadd.s32 $0xFFFFFFFF  }
0xa5: {  	s4 =	sld [smem:$0x0]  }
0xa6: {  	s5 =	sand.u32 $0xFFFFFFFE, s1  }
0xa7: {  	p0 =	sne.s32 s1, s5  }
0xa8: {  	s5 =	sshll.u32 @p0 s5, $0xE  }
0xa9: {  	s5 =	sadd.s32 @p0 $0x11B8D, s5;
	s6 =	sshll.u32 @p0 s4, $0x11  }
0xaa: {  	s5 =	sor.u32 @p0 s6, s5  }
0xab: {  	[sflag:s5] =	ssyncadd.remote.s32 @p0 $0x1;
	_ =	sdelay $0x1  }
0xac: {  	s5 =	simm.s32 @p0 $0x1B8D  }
0xad: {  	_ =	swait.eq @p0 [sflag:s5], $0x1  }
0xae: {  	[sflag:s5] =	ssyncadd.s32 @p0 $0xFFFFFFFF  }
0xaf: {  	s6 =	sshll.u32 @!p0 s1, $0xE  }
0xb0: {  	s6 =	sor.u32 @!p0 $0x4000, s6;
	s5 =	simm.s32 @!p0 $0x1B8D  }
0xb1: {  	s4 =	sshll.u32 @!p0 s4, $0x11;
	s6 =	sadd.s32 @!p0 $0x11B8D, s6;
	_ =	swait.eq @!p0 [sflag:s5], $0x1  }
0xb2: {  	s4 =	sor.u32 @!p0 s4, s6;
	[sflag:s5] =	ssyncadd.s32 @!p0 $0xFFFFFFFF  }
0xb3: {  	s25 =	simm.s32 $0x1B8E;
	s24 =	sld [smem:$0x3FFE];
	[sflag:s4] =	ssyncadd.remote.s32 @!p0 $0x1  }
0xb4: {  	s26 =	simm.s32 $execute0_lowered;
	[smem:$0x3FD2] =	sst s25  }
0xb5: {  	s5 =	sshll.u32 s26, $0x1;
	_ =	strace $0x80000049;
	[dreg:$0x1] =	wrdreg $0xFFFFFFFF  }
0xb6: {  	s28 =	simm.s32 $_size_execute0_lowered;
	s3 =	sadd.s32 s3, s5;
	[dreg:$0x0] =	wrdreg $0x0  }
0xb7: {  	s5 =	sshll.u32 s28, $0x1;
	[dreg:$0x2] =	wrdreg s3  }
0xb8: {  	[dreg:$0x3] =	wrdreg s5  }
0xb9: {  	[dreg:$0x4] =	wrdreg $0xC0  }
0xba: {  	_ =	task [dreg:s22], $0x5FFFF  }
0xbb: {  	[dreg:$0x1] =	wrdreg $0xFFFFFFFF  }
0xbc: {  	[dreg:$0x0] =	wrdreg $0x60  }
0xbd: {  	[dreg:$0x2] =	wrdreg s24  }
0xbe: {  	[dreg:$0x3] =	wrdreg $0x6FE00  }
0xbf: {  	[dreg:$0x4] =	wrdreg $0x9  }
0xc0: {  	_ =	task.clear_ibuf [dreg:s22], $0x5FFFF;
	_ =	strace $0x90000049  }
0xc1: {  	s29 =	simm.s32 $0x9;
	_ =	strace $0x8000004B  }
0xc2: {  	_ =	swait.ge [sflag:s29], $0x1  }
0xc3: {  	[sflag:s29] =	ssyncadd.s32 $0xFFFFFFFF  }
0xc4: {  	_ =	strace $0x9000004B  }
0xc5: {  	_ =	sfence  }
0xc6: {  	s30 =	sld [smem:$0x0];
	_ =	sdelay $0x2  }
0xc7: {  	s31 =	sshll.u32 s1, $0xD;
	s1 =	sshrl.u32 s1, $0x2  }
0xc8: {  	s4 =	sand.u32 $0x4000, s31;
	s1 =	sadd.s32 s1, s30  }
0xc9: {  	s0 =	sor.u32 s4, s0;
	s1 =	sshll.u32 s1, $0x11  }
0xca: {  	s0 =	sor.u32 s1, s0  }
0xcb: {  	s0 =	sadd.s32 $0x8F2B, s0  }
0xcc: {  	[sflag:s0] =	ssyncadd.remote.s32 $0x1  }
0xcd: {  	_ =	sfence.sel $0xFFFF  }
0xce: {  	[dreg:$0x0] =	wrdreg $0xFFFFFFFF;
	(pc) =	sbr.abs _section_cstart, $3  }
0xcf: {  	[dreg:$0x1] =	wrdreg $0xFFFFFFFF  }
0xd0: {  	_ =	task.clear_ibuf [dreg:s22], $0x2FFFF;
	_ =	strace $0x9FFFFFFF  }
0xd1: {  	(tm) =	ssettm $0x7FFFFFFF  }
tec
execute0_lowered:
.L_overlay_start_1:
0x0: {  	(tag) =	ssettag $0x1  }
0x1: {  	s0 =	rddreg [dreg:$0x0]  }
0x2: {  	s2 =	rddreg [dreg:$0x1];
	s3 =	simm.s32 $0x0;
	s15 =	stileid.u32  }
0x3: {  	s5 =	srdreg.scid;
	s16 =	simm.s32 $0x50;
	s21 =	simm.s32 $0xF0  }
0x4: {  	s22 =	simm.s32 $0x140;
	s23 =	simm.s32 $0x190;
	s24 =	simm.s32 $0x42E0  }
0x5: {  	s25 =	simm.s32 $0xBE0;
	s28 =	simm.s32 $0x1;
	s29 =	simm.s32 $0x2  }
0x6: {  	s30 =	simm.s32 $0x3;
	s31 =	simm.s32 $0x4;
	[smem:$0x7FF] =	sst s3  }
0x7: {  	s1 =	smul.u32 $0x16800, s15;
	s4 =	sadd.s32 $0xC000, s0;
	s9 =	sand.u32 $0x1, s5  }
0x8: {  	s10 =	smul.u32 $0x2D00, s15;
	s5 =	sadd.s32 $0x2200, s0;
	s6 =	sadd.s32 $0xEDE00, s0  }
0x9: {  	s7 =	sadd.s32 $0xF2E00, s0;
	s8 =	sadd.s32 $0x15E00, s0;
	s19 =	sshll.u32 s15, $0x6  }
0xa: {  	_ =	strace $0x8000004A;
	s11 =	smul.u32 $0x2D000, s9;
	s12 =	ssub.s32 $0x2, s9  }
0xb: {  	s13 =	sshrl.u32 s1, $0x3;
	s17 =	sshrl.u32 s12, $0x1;
	s1 =	sadd.s32 s1, s2  }
0xc: {  	s10 =	sadd.s32 s10, s11;
	s18 =	ssub.s32 s12, s17;
	s12 =	smul.u32 $0x3, s9  }
0xd: {  	s13 =	sadd.s32 s13, s0;
	s17 =	sor.u32 $0x1C09, s19;
	s9 =	smul.u32 $0x2710, s9  }
0xe: {  	s11 =	smul.u32 $0x4E20, s15;
	s19 =	sshrl.u32 s1, $0x3;
	s15 =	simm.s32 $0x9  }
0xf: {  	s1 =	simm.s32 $0x6;
	s0 =	sadd.s32 s10, s0;
	[dreg:$0x4] =	wrdreg s17  }
0x10: {  	s13 =	sadd.s32 $0x6DE00, s13;
	s26 =	smax.u32 s18, $0x1;
	[dreg:$0x7] =	wrdreg s19  }
0x11: {  	s18 =	simm.s32 $0x15E0;
	[dreg:$0x3] =	wrdreg s13;
	s20 =	sadd.s32 $0x1, s12  }
0x12: {  	s14 =	sadd.s32 $0x2, s12;
	s0 =	sadd.s32 $0xF7E00, s0;
	[dreg:$0x6] =	wrdreg s26  }
0x13: {  	s26 =	simm.s32 $0x10E0;
	v0 =	vmov s12;
	v3 =	vmov s9;
	s9 =	simm.s32 $0x7;
	s12 =	simm.s32 $0x8  }
0x14: {  	s13 =	simm.s32 $0x0;
	[dreg:$0x5] =	wrdreg s0;
	s0 =	simm.s32 $0x5;
	v1 =	vmov s20;
	v2 =	vmov s14  }
.LBB2_1:
0x15: {  	[dreg:$0x8] =	wrdreg s13  }
0x16: {  	s10 =	rddreg [dreg:$0x3]  }
0x17: {  	[spmem:s19], [sflag:s17] =	dma.local [hbm:s10], $0x2D00  }
0x18: {  	_ =	swait.ge [sflag:s15], $0x2D00  }
0x19: {  	[sflag:s15] =	ssyncset.done $0x0  }
0x1a: {  	[sflag:s15] =	ssyncadd.s32 $0xFFFFD300  }
0x1b: {  	s10 =	simm.s32 $0x0;
	[bflag:$0x0] =	sbarrier.arrive $0xFFFF  }
.LBB2_2:
0x1c: {  	s13 =	smul.u32 $0xA0, s10;
	_ =	sdelay $0x1  }
0x1d: {  	s13 =	sadd.s32 s11, s13  }
0x1e: {  	s13 =	sshrl.u32 s13, $0x3  }
0x1f: {  	s14 =	sadd.s32 s4, s13  }
0x20: {  	[tilespmem:s3], [sflag:$0x9] =	stream.linear.gather [hbm4b:s14+s3], $0x50, $0x38;
	[tilespmem:$0x1D7E0] =	vst v63  }
0x21: {  	_ =	swait.ge [sflag:s15], $0x50  }
0x22: {  	[sflag:s15] =	ssyncset.done $0x0  }
0x23: {  	s19 =	sadd.s32 s5, s13;
	[sflag:s15] =	ssyncadd.s32 $0xFFFFFFB0  }
0x24: {  	[tilespmem:s16], [sflag:$0x9] =	stream.linear.gather [hbm4b:s19+s3], $0x50, $0x38;
	[tilespmem:$0x1D7E0] =	vst v63  }
0x25: {  	_ =	swait.ge [sflag:s15], $0x50  }
0x26: {  	[sflag:s15] =	ssyncset.done $0x0  }
0x27: {  	[sflag:s15] =	ssyncadd.s32 $0xFFFFFFB0  }
0x28: {  	v4 =	vld [tilespmem:$0x0]  }
0x29: {  	v5 =	vld [tilespmem:$0x10]  }
0x2a: {  	v6 =	vld [tilespmem:$0x20]  }
0x2b: {  	v7 =	vld [tilespmem:$0x30]  }
0x2c: {  	v8 =	vld [tilespmem:$0x40]  }
0x2d: {  	v4 =	vadd.s32 v3, v4  }
0x2e: {  	[tilespmem:$0xA0] =	vst v4;
	v4 =	vadd.s32 v3, v5  }
0x2f: {  	[tilespmem:$0xB0] =	vst v4;
	v4 =	vadd.s32 v3, v6  }
0x30: {  	[tilespmem:$0xC0] =	vst v4;
	v4 =	vadd.s32 v3, v7  }
0x31: {  	[tilespmem:$0xD0] =	vst v4;
	v4 =	vadd.s32 v3, v8  }
0x32: {  	s20 =	simm.s32 $0xA0;
	[tilespmem:$0xE0] =	vst v4  }
0x33: {  	[tilespmem:s18], [sflag:$0x1] =	stream.indirect.gather [hbm4b:s8+s16], $0x90, s20, s16, $0xb8;
	[tilespmem:$0x1D7E0] =	vst v63  }
0x34: {  	s17 =	simm.s32 $0x1E0  }
0x35: {  	[tilespmem:s17], [sflag:$0x2] =	stream.indirect.gather [hbm4b:s6+s16], $0x10, s3, s16, $0xb8;
	[tilespmem:$0x1D7E0] =	vst v63  }
0x36: {  	s13 =	sadd.s32 $0xA, s13;
	s19 =	simm.s32 $0x6E0  }
0x37: {  	[tilespmem:s19], [sflag:$0x3] =	stream.indirect.gather [hbm4b:s7+s16], $0x10, s16, s16, $0xb8;
	[tilespmem:$0x1D7E0] =	vst v63  }
0x38: {  	s20 =	sadd.s32 s4, s13  }
0x39: {  	[tilespmem:s21], [sflag:$0x9] =	stream.linear.gather [hbm4b:s20+s3], $0x50, $0x38;
	[tilespmem:$0x1D7E0] =	vst v63  }
0x3a: {  	_ =	swait.ge [sflag:s15], $0x50  }
0x3b: {  	[sflag:s15] =	ssyncset.done $0x0  }
0x3c: {  	s13 =	sadd.s32 s5, s13;
	[sflag:s15] =	ssyncadd.s32 $0xFFFFFFB0  }
0x3d: {  	[tilespmem:s22], [sflag:$0x9] =	stream.linear.gather [hbm4b:s13+s3], $0x50, $0x38;
	[tilespmem:$0x1D7E0] =	vst v63  }
0x3e: {  	_ =	swait.ge [sflag:s15], $0x50  }
0x3f: {  	[sflag:s15] =	ssyncset.done $0x0  }
0x40: {  	[sflag:s15] =	ssyncadd.s32 $0xFFFFFFB0  }
0x41: {  	v4 =	vld [tilespmem:$0xF0]  }
0x42: {  	v5 =	vld [tilespmem:$0x100]  }
0x43: {  	v6 =	vld [tilespmem:$0x110]  }
0x44: {  	v7 =	vld [tilespmem:$0x120]  }
0x45: {  	v46 =	vld [tilespmem:$0x130]  }
0x46: {  	v4 =	vadd.s32 v3, v4  }
0x47: {  	[tilespmem:$0x190] =	vst v4;
	v4 =	vadd.s32 v3, v5  }
0x48: {  	[tilespmem:$0x1A0] =	vst v4;
	v4 =	vadd.s32 v3, v6  }
0x49: {  	[tilespmem:$0x1B0] =	vst v4;
	v4 =	vadd.s32 v3, v7  }
0x4a: {  	[tilespmem:$0x1C0] =	vst v4;
	v4 =	vadd.s32 v3, v46  }
0x4b: {  	[tilespmem:$0x1D0] =	vst v4  }
0x4c: {  	[tilespmem:s24], [sflag:$0x4] =	stream.indirect.gather [hbm4b:s8+s16], $0x90, s23, s16, $0xb8;
	[tilespmem:$0x1D7E0] =	vst v63  }
0x4d: {  	_ = 	snop  }
0x4e: {  	[tilespmem:s25], [sflag:$0x5] =	stream.indirect.gather [hbm4b:s6+s16], $0x10, s21, s16, $0xb8;
	[tilespmem:$0x1D7E0] =	vst v63  }
0x4f: {  	_ = 	snop  }
0x50: {  	[tilespmem:s26], [sflag:$0x6] =	stream.indirect.gather [hbm4b:s7+s16], $0x10, s22, s16, $0xb8;
	[tilespmem:$0x1D7E0] =	vst v63  }
0x51: {  	_ =	swait.ge [sflag:s28], $0x2D00  }
0x52: {  	[sflag:s28] =	ssyncset.done $0x0  }
0x53: {  	[sflag:s28] =	ssyncadd.s32 $0xFFFFD300  }
0x54: {  	_ =	swait.ge [sflag:s29], $0x500  }
0x55: {  	[sflag:s29] =	ssyncset.done $0x0  }
0x56: {  	[sflag:s29] =	ssyncadd.s32 $0xFFFFFB00  }
0x57: {  	_ =	swait.ge [sflag:s30], $0x500  }
0x58: {  	[sflag:s30] =	ssyncset.done $0x0  }
0x59: {  	s13 =	simm.s32 $0x30;
	[sflag:s30] =	ssyncadd.s32 $0xFFFFFB00  }
0x5a: {  	v4 =	vld [tilespmem:s13+$0x1B0]  }
0x5b: {  	v5 =	vld [tilespmem:s13+$0x6B0];
	_ =	sdelay $0x4  }
0x5c: {  	v4 =	vadd.f32 v5, v4;
	_ =	sdelay $0x1  }
0x5d: {  	v5 =	vmul.f32 $2.000000030e-01, v4  }
0x5e: {  	vm0 =	vge.f32 v4, $0.0e+00  }
0x5f: {  	v4 =	vsel vm0, v4, v5  }
0x60: {  	v4 =	vmul.f32 $1.442695020e+00, v4;
	_ =	sdelay $0x1  }
0x61: {  	(erf) = vpow2.f32 v4;
	_ =	sdelay $0x5  }
0x62: {  	s14 =	simm.s32 $0x1700  }
0x63: {  	v5 =	vld [tilespmem:s14+$0xFFFFFEE0]  }
0x64: {  	v6 =	vld [tilespmem:s14+$0xFFFFFEF0]  }
0x65: {  	v7 =	vld [tilespmem:s14+$0xFFFFFF30];
	v47 =	vpop (erf)  }
0x66: {  	v4 =	vld [tilespmem:s14+$0xFFFFFF10];
	v10 =	vperm.xlane v47, v0  }
0x67: {  	v9 =	vld [tilespmem:s14+$0xFFFFFF40]  }
0x68: {  	v12 =	vld [tilespmem:s14+$0xFFFFFF50];
	v13 =	vperm.xlane v47, v1;
	v5 =	vmul.f32 v5, v10  }
0x69: {  	v14 =	vld [tilespmem:s14+$0xFFFFFF00];
	v6 =	vmul.f32 v6, v10  }
0x6a: {  	v11 =	vld [tilespmem:s14+$0xFFFFFF60];
	v8 =	vperm.xlane v47, v2;
	v7 =	vmul.f32 v7, v13;
	[tilespmem:s14+$0xFFFFFEE0] =	vst v5  }
0x6b: {  	v15 =	vld [tilespmem:s14+$0xFFFFFF20];
	v4 =	vmul.f32 v4, v13;
	[tilespmem:s14+$0xFFFFFEF0] =	vst v6  }
0x6c: {  	v5 =	vmul.f32 v9, v8;
	[tilespmem:s14+$0xFFFFFF30] =	vst v7  }
0x6d: {  	v6 =	vmul.f32 v12, v8;
	[tilespmem:s14+$0xFFFFFF10] =	vst v4  }
0x6e: {  	v4 =	vmul.f32 v14, v10;
	[tilespmem:s14+$0xFFFFFF40] =	vst v5  }
0x6f: {  	v5 =	vmul.f32 v11, v8;
	[tilespmem:s14+$0xFFFFFF50] =	vst v6  }
0x70: {  	v6 =	vmul.f32 v15, v13;
	[tilespmem:s14+$0xFFFFFF00] =	vst v4  }
0x71: {  	[tilespmem:s14+$0xFFFFFF60] =	vst v5  }
0x72: {  	[tilespmem:s14+$0xFFFFFF20] =	vst v6  }
0x73: {  	v4 =	vld [tilespmem:s13+$0x1C0]  }
0x74: {  	v5 =	vld [tilespmem:s13+$0x6C0];
	_ =	sdelay $0x4  }
0x75: {  	v4 =	vadd.f32 v5, v4;
	_ =	sdelay $0x1  }
0x76: {  	v5 =	vmul.f32 $2.000000030e-01, v4  }
0x77: {  	vm14 =	vge.f32 v4, $0.0e+00  }
0x78: {  	v4 =	vsel vm14, v4, v5  }
0x79: {  	v4 =	vmul.f32 $1.442695020e+00, v4;
	_ =	sdelay $0x1  }
0x7a: {  	(erf) = vpow2.f32 v4;
	_ =	sdelay $0x6  }
0x7b: {  	v5 =	vld [tilespmem:s14+$0xFFFFFF80]  }
0x7c: {  	v6 =	vld [tilespmem:s14+$0xFFFFFFE0]  }
0x7d: {  	v7 =	vld [tilespmem:s14+$0xFFFFFF70];
	v48 =	vpop (erf)  }
0x7e: {  	v4 =	vld [tilespmem:s14+$0xFFFFFFD0];
	v50 =	vperm.xlane v48, v0  }
0x7f: {  	v49 =	vld [tilespmem:s14+$0xFFFFFF90];
	v52 =	vperm.xlane v48, v2  }
0x80: {  	v53 =	vld [tilespmem:s14+$0xFFFFFFF0];
	v5 =	vmul.f32 v5, v50  }
0x81: {  	v54 =	vld [tilespmem:s14+$0xFFFFFFB0];
	v6 =	vmul.f32 v6, v52  }
0x82: {  	v55 =	vld [tilespmem:s14+$0xFFFFFFC0];
	v7 =	vmul.f32 v7, v50;
	[tilespmem:s14+$0xFFFFFF80] =	vst v5  }
0x83: {  	v51 =	vld [tilespmem:s14+$0xFFFFFFA0];
	v4 =	vmul.f32 v4, v52;
	[tilespmem:s14+$0xFFFFFFE0] =	vst v6  }
0x84: {  	v5 =	vmul.f32 v49, v50;
	v6 =	vperm.xlane v48, v1;
	[tilespmem:s14+$0xFFFFFF70] =	vst v7  }
0x85: {  	v7 =	vmul.f32 v53, v52;
	[tilespmem:s14+$0xFFFFFFD0] =	vst v4  }
0x86: {  	[tilespmem:s14+$0xFFFFFF90] =	vst v5;
	v5 =	vmul.f32 v54, v6  }
0x87: {  	v4 =	vmul.f32 v55, v6;
	[tilespmem:s14+$0xFFFFFFF0] =	vst v7  }
0x88: {  	v6 =	vmul.f32 v51, v6;
	[tilespmem:s14+$0xFFFFFFB0] =	vst v5  }
0x89: {  	[tilespmem:s14+$0xFFFFFFC0] =	vst v4  }
0x8a: {  	[tilespmem:s14+$0xFFFFFFA0] =	vst v6  }
0x8b: {  	v4 =	vld [tilespmem:s13+$0x1D0]  }
0x8c: {  	v5 =	vld [tilespmem:s13+$0x6D0];
	_ =	sdelay $0x4  }
0x8d: {  	v4 =	vadd.f32 v5, v4;
	_ =	sdelay $0x1  }
0x8e: {  	v5 =	vmul.f32 $2.000000030e-01, v4  }
0x8f: {  	vm15 =	vge.f32 v4, $0.0e+00  }
0x90: {  	v4 =	vsel vm15, v4, v5  }
0x91: {  	v4 =	vmul.f32 $1.442695020e+00, v4;
	_ =	sdelay $0x1  }
0x92: {  	(erf) = vpow2.f32 v4;
	_ =	sdelay $0x6  }
0x93: {  	v6 =	vld [tilespmem:s14+$0x0]  }
0x94: {  	v7 =	vld [tilespmem:s14+$0x70]  }
0x95: {  	v56 =	vld [tilespmem:s14+$0x10];
	v57 =	vpop (erf)  }
0x96: {  	v5 =	vld [tilespmem:s14+$0x80];
	v59 =	vperm.xlane v57, v0  }
0x97: {  	v4 =	vld [tilespmem:s14+$0x50];
	v61 =	vperm.xlane v57, v2  }
0x98: {  	v58 =	vld [tilespmem:s14+$0x60];
	v6 =	vmul.f32 v6, v59  }
0x99: {  	v62 =	vld [tilespmem:s14+$0x40];
	v7 =	vmul.f32 v7, v61  }
0x9a: {  	v60 =	vld [tilespmem:s14+$0x20];
	v9 =	vperm.xlane v57, v1;
	v8 =	vmul.f32 v56, v59;
	[tilespmem:s14+$0x0] =	vst v6  }
0x9b: {  	v5 =	vmul.f32 v5, v61;
	[tilespmem:s14+$0x70] =	vst v7  }
0x9c: {  	v63 =	vld [tilespmem:s14+$0x30];
	v4 =	vmul.f32 v4, v9;
	[tilespmem:s14+$0x10] =	vst v8  }
0x9d: {  	v6 =	vmul.f32 v58, v61;
	[tilespmem:s14+$0x80] =	vst v5  }
0x9e: {  	v5 =	vmul.f32 v62, v9;
	[tilespmem:s14+$0x50] =	vst v4  }
0x9f: {  	v7 =	vmul.f32 v60, v59;
	[tilespmem:s14+$0x60] =	vst v6  }
0xa0: {  	[tilespmem:s14+$0x40] =	vst v5  }
0xa1: {  	s17 =	simm.s32 $0x1C0;
	s19 =	simm.s32 $0x1700;
	v4 =	vmul.f32 v63, v9;
	[tilespmem:s14+$0x20] =	vst v7  }
.LBB2_3:
0xa2: {  	p0 =	sne.s32 s17, $0x13C0  }
0xa3: {  	[tilespmem:s14+$0x30] =	vst v4;
	s19 =	sadd.s32 $0x240, s19;
	s20 =	smov.u32 s17;
	s17 =	sadd.s32 $0x100, s17  }
0xa4: {  	v4 =	vld [tilespmem:s13+$0x1E0]  }
0xa5: {  	v5 =	vld [tilespmem:s13+$0x6E0];
	_ =	sdelay $0x4  }
0xa6: {  	v4 =	vadd.f32 v5, v4;
	_ =	sdelay $0x1  }
0xa7: {  	v5 =	vmul.f32 $2.000000030e-01, v4  }
0xa8: {  	vm0 =	vge.f32 v4, $0.0e+00  }
0xa9: {  	v4 =	vsel vm0, v4, v5  }
0xaa: {  	v4 =	vmul.f32 $1.442695020e+00, v4;
	_ =	sdelay $0x1  }
0xab: {  	(erf) = vpow2.f32 v4;
	_ =	sdelay $0x2  }
0xac: {  	v4 =	vld [tilespmem:s14+$0x100]  }
0xad: {  	v5 =	vld [tilespmem:s14+$0x90]  }
0xae: {  	v6 =	vld [tilespmem:s14+$0x110]  }
0xaf: {  	v7 =	vld [tilespmem:s14+$0xA0]  }
0xb0: {  	v8 =	vld [tilespmem:s14+$0xF0]  }
0xb1: {  	v9 =	vld [tilespmem:s14+$0xB0]  }
0xb2: {  	v10 =	vld [tilespmem:s14+$0xC0];
	v11 =	vpop (erf)  }
0xb3: {  	v12 =	vperm.xlane v11, v0;
	v13 =	vperm.xlane v11, v1;
	v14 =	vld [tilespmem:s14+$0xD0]  }
0xb4: {  	v11 =	vperm.xlane v11, v2;
	v15 =	vld [tilespmem:s14+$0xE0]  }
0xb5: {  	v5 =	vmul.f32 v5, v12;
	v7 =	vmul.f32 v7, v12  }
0xb6: {  	v6 =	vmul.f32 v6, v11;
	v9 =	vmul.f32 v9, v12  }
0xb7: {  	v8 =	vmul.f32 v8, v11;
	[tilespmem:s14+$0x90] =	vst v5;
	v5 =	vmul.f32 v10, v13  }
0xb8: {  	v4 =	vmul.f32 v4, v11;
	[tilespmem:s14+$0xA0] =	vst v7;
	v7 =	vmul.f32 v14, v13  }
0xb9: {  	v10 =	vmul.f32 v15, v13;
	[tilespmem:s14+$0x110] =	vst v6  }
0xba: {  	[tilespmem:s14+$0x100] =	vst v4  }
0xbb: {  	[tilespmem:s14+$0xE0] =	vst v10  }
0xbc: {  	[tilespmem:s14+$0xF0] =	vst v8  }
0xbd: {  	[tilespmem:s14+$0xB0] =	vst v9  }
0xbe: {  	[tilespmem:s14+$0xC0] =	vst v5  }
0xbf: {  	s13 =	sshra.s32 s20, $0x2;
	[tilespmem:s14+$0xD0] =	vst v7;
	s14 =	smov.u32 s19  }
0xc0: {  	v4 =	vld [tilespmem:s13+$0x1B0]  }
0xc1: {  	v5 =	vld [tilespmem:s13+$0x6B0];
	_ =	sdelay $0x4  }
0xc2: {  	v4 =	vadd.f32 v5, v4;
	_ =	sdelay $0x1  }
0xc3: {  	vm0 =	vge.f32 v4, $0.0e+00;
	v5 =	vmul.f32 $2.000000030e-01, v4;
	_ =	sdelay $0x1  }
0xc4: {  	v4 =	vsel vm0, v4, v5  }
0xc5: {  	v4 =	vmul.f32 $1.442695020e+00, v4;
	_ =	sdelay $0x1  }
0xc6: {  	(erf) = vpow2.f32 v4;
	_ =	sdelay $0x2  }
0xc7: {  	v4 =	vld [tilespmem:s19+$0xFFFFFF10]  }
0xc8: {  	v5 =	vld [tilespmem:s19+$0xFFFFFF60]  }
0xc9: {  	v6 =	vld [tilespmem:s19+$0xFFFFFF40]  }
0xca: {  	v7 =	vld [tilespmem:s19+$0xFFFFFEF0]  }
0xcb: {  	v8 =	vld [tilespmem:s19+$0xFFFFFEE0]  }
0xcc: {  	v9 =	vld [tilespmem:s19+$0xFFFFFF30]  }
0xcd: {  	v10 =	vld [tilespmem:s19+$0xFFFFFF50];
	v11 =	vpop (erf)  }
0xce: {  	v12 =	vperm.xlane v11, v0;
	v13 =	vperm.xlane v11, v1;
	v14 =	vld [tilespmem:s19+$0xFFFFFF00]  }
0xcf: {  	v11 =	vperm.xlane v11, v2;
	v15 =	vld [tilespmem:s19+$0xFFFFFF20]  }
0xd0: {  	v8 =	vmul.f32 v8, v12;
	v7 =	vmul.f32 v7, v12  }
0xd1: {  	v6 =	vmul.f32 v6, v11;
	v9 =	vmul.f32 v9, v13  }
0xd2: {  	v5 =	vmul.f32 v5, v11;
	[tilespmem:s19+$0xFFFFFEE0] =	vst v8;
	v8 =	vmul.f32 v10, v11  }
0xd3: {  	v4 =	vmul.f32 v4, v13;
	[tilespmem:s19+$0xFFFFFEF0] =	vst v7;
	v7 =	vmul.f32 v14, v12  }
0xd4: {  	v10 =	vmul.f32 v15, v13;
	[tilespmem:s19+$0xFFFFFF30] =	vst v9  }
0xd5: {  	[tilespmem:s19+$0xFFFFFF40] =	vst v6  }
0xd6: {  	[tilespmem:s19+$0xFFFFFF10] =	vst v4  }
0xd7: {  	[tilespmem:s19+$0xFFFFFF50] =	vst v8  }
0xd8: {  	[tilespmem:s19+$0xFFFFFF60] =	vst v5  }
0xd9: {  	[tilespmem:s19+$0xFFFFFF00] =	vst v7  }
0xda: {  	[tilespmem:s19+$0xFFFFFF20] =	vst v10  }
0xdb: {  	v4 =	vld [tilespmem:s13+$0x1C0]  }
0xdc: {  	v5 =	vld [tilespmem:s13+$0x6C0];
	_ =	sdelay $0x4  }
0xdd: {  	v4 =	vadd.f32 v5, v4;
	_ =	sdelay $0x1  }
0xde: {  	v5 =	vmul.f32 $2.000000030e-01, v4  }
0xdf: {  	vm0 =	vge.f32 v4, $0.0e+00  }
0xe0: {  	v4 =	vsel vm0, v4, v5  }
0xe1: {  	v4 =	vmul.f32 $1.442695020e+00, v4;
	_ =	sdelay $0x1  }
0xe2: {  	(erf) = vpow2.f32 v4;
	_ =	sdelay $0x2  }
0xe3: {  	v4 =	vld [tilespmem:s19+$0xFFFFFFD0]  }
0xe4: {  	v5 =	vld [tilespmem:s19+$0xFFFFFFA0]  }
0xe5: {  	v6 =	vld [tilespmem:s19+$0xFFFFFFF0]  }
0xe6: {  	v7 =	vld [tilespmem:s19+$0xFFFFFF80]  }
0xe7: {  	v8 =	vld [tilespmem:s19+$0xFFFFFF70]  }
0xe8: {  	v9 =	vld [tilespmem:s19+$0xFFFFFFE0]  }
0xe9: {  	v10 =	vld [tilespmem:s19+$0xFFFFFF90];
	v11 =	vpop (erf)  }
0xea: {  	v12 =	vperm.xlane v11, v0;
	v13 =	vperm.xlane v11, v1;
	v14 =	vld [tilespmem:s19+$0xFFFFFFB0]  }
0xeb: {  	v11 =	vperm.xlane v11, v2;
	v15 =	vld [tilespmem:s19+$0xFFFFFFC0]  }
0xec: {  	v8 =	vmul.f32 v8, v12;
	v7 =	vmul.f32 v7, v12  }
0xed: {  	v6 =	vmul.f32 v6, v11;
	v9 =	vmul.f32 v9, v11  }
0xee: {  	v5 =	vmul.f32 v5, v13;
	[tilespmem:s19+$0xFFFFFF80] =	vst v7;
	v7 =	vmul.f32 v10, v12  }
0xef: {  	v4 =	vmul.f32 v4, v11;
	v10 =	vmul.f32 v14, v13;
	[tilespmem:s19+$0xFFFFFFE0] =	vst v9  }
0xf0: {  	[tilespmem:s19+$0xFFFFFF70] =	vst v8;
	v8 =	vmul.f32 v15, v13  }
0xf1: {  	[tilespmem:s19+$0xFFFFFF90] =	vst v7  }
0xf2: {  	[tilespmem:s19+$0xFFFFFFD0] =	vst v4  }
0xf3: {  	[tilespmem:s19+$0xFFFFFFF0] =	vst v6  }
0xf4: {  	[tilespmem:s19+$0xFFFFFFB0] =	vst v10  }
0xf5: {  	[tilespmem:s19+$0xFFFFFFC0] =	vst v8  }
0xf6: {  	[tilespmem:s19+$0xFFFFFFA0] =	vst v5  }
0xf7: {  	v4 =	vld [tilespmem:s13+$0x1D0]  }
0xf8: {  	v5 =	vld [tilespmem:s13+$0x6D0];
	_ =	sdelay $0x4  }
0xf9: {  	v4 =	vadd.f32 v5, v4;
	_ =	sdelay $0x1  }
0xfa: {  	v5 =	vmul.f32 $2.000000030e-01, v4  }
0xfb: {  	vm0 =	vge.f32 v4, $0.0e+00  }
0xfc: {  	v4 =	vsel vm0, v4, v5  }
0xfd: {  	v4 =	vmul.f32 $1.442695020e+00, v4;
	_ =	sdelay $0x1  }
0xfe: {  	(erf) = vpow2.f32 v4;
	_ =	sdelay $0x2  }
0xff: {  	v4 =	vld [tilespmem:s19+$0x50]  }
0x100: {  	v5 =	vld [tilespmem:s19+$0x80]  }
0x101: {  	v6 =	vld [tilespmem:s19+$0x70]  }
0x102: {  	v7 =	vld [tilespmem:s19+$0x10]  }
0x103: {  	v8 =	vld [tilespmem:s19+$0x0]  }
0x104: {  	v9 =	vld [tilespmem:s19+$0x60]  }
0x105: {  	v10 =	vld [tilespmem:s19+$0x20];
	v11 =	vpop (erf)  }
0x106: {  	v12 =	vperm.xlane v11, v0;
	v13 =	vperm.xlane v11, v1;
	v14 =	vld [tilespmem:s19+$0x40]  }
0x107: {  	v11 =	vperm.xlane v11, v2;
	v15 =	vld [tilespmem:s19+$0x30]  }
0x108: {  	v8 =	vmul.f32 v8, v12;
	v7 =	vmul.f32 v7, v12  }
0x109: {  	v6 =	vmul.f32 v6, v11;
	v9 =	vmul.f32 v9, v11  }
0x10a: {  	v5 =	vmul.f32 v5, v11;
	[tilespmem:s19+$0x0] =	vst v8;
	v8 =	vmul.f32 v10, v12  }
0x10b: {  	v11 =	vmul.f32 v4, v13;
	v10 =	vmul.f32 v14, v13;
	[tilespmem:s19+$0x70] =	vst v6  }
0x10c: {  	[tilespmem:s19+$0x10] =	vst v7;
	v4 =	vmul.f32 v15, v13  }
.Ltmp0:
0x10d: {  	[tilespmem:s19+$0x80] =	vst v5;
	(pc) =	sbr.rel @p0 .LBB2_3-.Ltmp0, $4  }
0x10e: {  	[tilespmem:s19+$0x50] =	vst v11  }
0x10f: {  	[tilespmem:s19+$0x60] =	vst v9  }
0x110: {  	[tilespmem:s19+$0x40] =	vst v10  }
0x111: {  	[tilespmem:s19+$0x20] =	vst v8  }
0x112: {  	[tilespmem:s14+$0x30] =	vst v4  }
0x113: {  	v4 =	vld [tilespmem:s13+$0x1E0]  }
0x114: {  	v5 =	vld [tilespmem:s13+$0x6E0];
	_ =	sdelay $0x4  }
0x115: {  	v4 =	vadd.f32 v5, v4;
	_ =	sdelay $0x1  }
0x116: {  	v5 =	vmul.f32 $2.000000030e-01, v4  }
0x117: {  	vm0 =	vge.f32 v4, $0.0e+00  }
0x118: {  	v4 =	vsel vm0, v4, v5  }
0x119: {  	v4 =	vmul.f32 $1.442695020e+00, v4;
	_ =	sdelay $0x1  }
0x11a: {  	(erf) = vpow2.f32 v4;
	_ =	sdelay $0x6  }
0x11b: {  	v5 =	vld [tilespmem:s14+$0x90]  }
0x11c: {  	v6 =	vld [tilespmem:s14+$0xA0]  }
0x11d: {  	v7 =	vld [tilespmem:s14+$0x110];
	v8 =	vpop (erf)  }
0x11e: {  	v4 =	vld [tilespmem:s14+$0x100];
	v10 =	vperm.xlane v8, v0  }
0x11f: {  	v11 =	vld [tilespmem:s14+$0xE0]  }
0x120: {  	v9 =	vld [tilespmem:s14+$0xF0];
	v13 =	vperm.xlane v8, v2;
	v5 =	vmul.f32 v5, v10  }
0x121: {  	v12 =	vld [tilespmem:s14+$0xB0];
	v6 =	vmul.f32 v6, v10  }
0x122: {  	v14 =	vld [tilespmem:s14+$0xC0];
	v8 =	vperm.xlane v8, v1;
	v7 =	vmul.f32 v7, v13;
	[tilespmem:s14+$0x90] =	vst v5  }
0x123: {  	v15 =	vld [tilespmem:s14+$0xD0];
	v4 =	vmul.f32 v4, v13;
	[tilespmem:s14+$0xA0] =	vst v6  }
0x124: {  	v5 =	vmul.f32 v11, v8;
	[tilespmem:s14+$0x110] =	vst v7  }
0x125: {  	v6 =	vmul.f32 v9, v13;
	[tilespmem:s14+$0x100] =	vst v4  }
0x126: {  	v4 =	vmul.f32 v12, v10;
	[tilespmem:s14+$0xE0] =	vst v5  }
0x127: {  	v5 =	vmul.f32 v14, v8;
	[tilespmem:s14+$0xF0] =	vst v6  }
0x128: {  	v6 =	vmul.f32 v15, v8;
	[tilespmem:s14+$0xB0] =	vst v4  }
0x129: {  	[tilespmem:s14+$0xC0] =	vst v5  }
0x12a: {  	[tilespmem:s14+$0xD0] =	vst v6  }
0x12b: {  	[spmem:s2] =	stream.indirect.scatter.add.f32 [tilespmem:s18], [sflag:$0x7], $0x90, s16, s16, $0xb8;
	[tilespmem:$0x1D7E0] =	vst v63  }
0x12c: {  	_ =	swait.ge [sflag:s31], $0x2D00  }
0x12d: {  	[sflag:s31] =	ssyncset.done $0x0  }
0x12e: {  	[sflag:s31] =	ssyncadd.s32 $0xFFFFD300  }
0x12f: {  	_ =	swait.ge [sflag:s0], $0x500  }
0x130: {  	[sflag:s0] =	ssyncset.done $0x0  }
0x131: {  	[sflag:s0] =	ssyncadd.s32 $0xFFFFFB00  }
0x132: {  	_ =	swait.ge [sflag:s1], $0x500  }
0x133: {  	[sflag:s1] =	ssyncset.done $0x0  }
0x134: {  	s13 =	simm.s32 $0x30;
	[sflag:s1] =	ssyncadd.s32 $0xFFFFFB00  }
0x135: {  	v4 =	vld [tilespmem:s13+$0xBB0]  }
0x136: {  	v5 =	vld [tilespmem:s13+$0x10B0];
	_ =	sdelay $0x4  }
0x137: {  	v4 =	vadd.f32 v5, v4;
	_ =	sdelay $0x1  }
0x138: {  	v5 =	vmul.f32 $2.000000030e-01, v4  }
0x139: {  	vm13 =	vge.f32 v4, $0.0e+00  }
0x13a: {  	v4 =	vsel vm13, v4, v5  }
0x13b: {  	v4 =	vmul.f32 $1.442695020e+00, v4;
	_ =	sdelay $0x1  }
0x13c: {  	(erf) = vpow2.f32 v4;
	_ =	sdelay $0x5  }
0x13d: {  	s14 =	simm.s32 $0x4400  }
0x13e: {  	v5 =	vld [tilespmem:s14+$0xFFFFFEE0]  }
0x13f: {  	v6 =	vld [tilespmem:s14+$0xFFFFFEF0]  }
0x140: {  	v7 =	vld [tilespmem:s14+$0xFFFFFF30];
	v40 =	vpop (erf)  }
0x141: {  	v4 =	vld [tilespmem:s14+$0xFFFFFF10];
	v42 =	vperm.xlane v40, v0  }
0x142: {  	v41 =	vld [tilespmem:s14+$0xFFFFFF40]  }
0x143: {  	v44 =	vld [tilespmem:s14+$0xFFFFFF50];
	v45 =	vperm.xlane v40, v1;
	v5 =	vmul.f32 v5, v42  }
0x144: {  	v46 =	vld [tilespmem:s14+$0xFFFFFF00];
	v6 =	vmul.f32 v6, v42  }
0x145: {  	v43 =	vld [tilespmem:s14+$0xFFFFFF60];
	v8 =	vperm.xlane v40, v2;
	v7 =	vmul.f32 v7, v45;
	[tilespmem:s14+$0xFFFFFEE0] =	vst v5  }
0x146: {  	v47 =	vld [tilespmem:s14+$0xFFFFFF20];
	v4 =	vmul.f32 v4, v45;
	[tilespmem:s14+$0xFFFFFEF0] =	vst v6  }
0x147: {  	v5 =	vmul.f32 v41, v8;
	[tilespmem:s14+$0xFFFFFF30] =	vst v7  }
0x148: {  	v6 =	vmul.f32 v44, v8;
	[tilespmem:s14+$0xFFFFFF10] =	vst v4  }
0x149: {  	v4 =	vmul.f32 v46, v42;
	[tilespmem:s14+$0xFFFFFF40] =	vst v5  }
0x14a: {  	v5 =	vmul.f32 v43, v8;
	[tilespmem:s14+$0xFFFFFF50] =	vst v6  }
0x14b: {  	v6 =	vmul.f32 v47, v45;
	[tilespmem:s14+$0xFFFFFF00] =	vst v4  }
0x14c: {  	[tilespmem:s14+$0xFFFFFF60] =	vst v5  }
0x14d: {  	[tilespmem:s14+$0xFFFFFF20] =	vst v6  }
0x14e: {  	v4 =	vld [tilespmem:s13+$0xBC0]  }
0x14f: {  	v5 =	vld [tilespmem:s13+$0x10C0];
	_ =	sdelay $0x4  }
0x150: {  	v4 =	vadd.f32 v5, v4;
	_ =	sdelay $0x1  }
0x151: {  	v5 =	vmul.f32 $2.000000030e-01, v4  }
0x152: {  	vm14 =	vge.f32 v4, $0.0e+00  }
0x153: {  	v4 =	vsel vm14, v4, v5  }
0x154: {  	v4 =	vmul.f32 $1.442695020e+00, v4;
	_ =	sdelay $0x1  }
0x155: {  	(erf) = vpow2.f32 v4;
	_ =	sdelay $0x6  }
0x156: {  	v5 =	vld [tilespmem:s14+$0xFFFFFF80]  }
0x157: {  	v6 =	vld [tilespmem:s14+$0xFFFFFFE0]  }
0x158: {  	v7 =	vld [tilespmem:s14+$0xFFFFFF70];
	v48 =	vpop (erf)  }
0x159: {  	v4 =	vld [tilespmem:s14+$0xFFFFFFD0];
	v50 =	vperm.xlane v48, v0  }
0x15a: {  	v49 =	vld [tilespmem:s14+$0xFFFFFF90];
	v52 =	vperm.xlane v48, v2  }
0x15b: {  	v53 =	vld [tilespmem:s14+$0xFFFFFFF0];
	v5 =	vmul.f32 v5, v50  }
0x15c: {  	v54 =	vld [tilespmem:s14+$0xFFFFFFB0];
	v6 =	vmul.f32 v6, v52  }
0x15d: {  	v55 =	vld [tilespmem:s14+$0xFFFFFFC0];
	v7 =	vmul.f32 v7, v50;
	[tilespmem:s14+$0xFFFFFF80] =	vst v5  }
0x15e: {  	v51 =	vld [tilespmem:s14+$0xFFFFFFA0];
	v4 =	vmul.f32 v4, v52;
	[tilespmem:s14+$0xFFFFFFE0] =	vst v6  }
0x15f: {  	v5 =	vmul.f32 v49, v50;
	v6 =	vperm.xlane v48, v1;
	[tilespmem:s14+$0xFFFFFF70] =	vst v7  }
0x160: {  	v7 =	vmul.f32 v53, v52;
	[tilespmem:s14+$0xFFFFFFD0] =	vst v4  }
0x161: {  	[tilespmem:s14+$0xFFFFFF90] =	vst v5;
	v5 =	vmul.f32 v54, v6  }
0x162: {  	v4 =	vmul.f32 v55, v6;
	[tilespmem:s14+$0xFFFFFFF0] =	vst v7  }
0x163: {  	v6 =	vmul.f32 v51, v6;
	[tilespmem:s14+$0xFFFFFFB0] =	vst v5  }
0x164: {  	[tilespmem:s14+$0xFFFFFFC0] =	vst v4  }
0x165: {  	[tilespmem:s14+$0xFFFFFFA0] =	vst v6  }
0x166: {  	v4 =	vld [tilespmem:s13+$0xBD0]  }
0x167: {  	v5 =	vld [tilespmem:s13+$0x10D0];
	_ =	sdelay $0x4  }
0x168: {  	v4 =	vadd.f32 v5, v4;
	_ =	sdelay $0x1  }
0x169: {  	v5 =	vmul.f32 $2.000000030e-01, v4  }
0x16a: {  	vm15 =	vge.f32 v4, $0.0e+00  }
0x16b: {  	v4 =	vsel vm15, v4, v5  }
0x16c: {  	v4 =	vmul.f32 $1.442695020e+00, v4;
	_ =	sdelay $0x1  }
0x16d: {  	(erf) = vpow2.f32 v4;
	_ =	sdelay $0x6  }
0x16e: {  	v6 =	vld [tilespmem:s14+$0x0]  }
0x16f: {  	v7 =	vld [tilespmem:s14+$0x70]  }
0x170: {  	v56 =	vld [tilespmem:s14+$0x10];
	v57 =	vpop (erf)  }
0x171: {  	v5 =	vld [tilespmem:s14+$0x80];
	v59 =	vperm.xlane v57, v0  }
0x172: {  	v4 =	vld [tilespmem:s14+$0x50];
	v61 =	vperm.xlane v57, v2  }
0x173: {  	v58 =	vld [tilespmem:s14+$0x60];
	v6 =	vmul.f32 v6, v59  }
0x174: {  	v62 =	vld [tilespmem:s14+$0x40];
	v7 =	vmul.f32 v7, v61  }
0x175: {  	v60 =	vld [tilespmem:s14+$0x20];
	v9 =	vperm.xlane v57, v1;
	v8 =	vmul.f32 v56, v59;
	[tilespmem:s14+$0x0] =	vst v6  }
0x176: {  	v5 =	vmul.f32 v5, v61;
	[tilespmem:s14+$0x70] =	vst v7  }
0x177: {  	v63 =	vld [tilespmem:s14+$0x30];
	v4 =	vmul.f32 v4, v9;
	[tilespmem:s14+$0x10] =	vst v8  }
0x178: {  	v6 =	vmul.f32 v58, v61;
	[tilespmem:s14+$0x80] =	vst v5  }
0x179: {  	v5 =	vmul.f32 v62, v9;
	[tilespmem:s14+$0x50] =	vst v4  }
0x17a: {  	v7 =	vmul.f32 v60, v59;
	[tilespmem:s14+$0x60] =	vst v6  }
0x17b: {  	[tilespmem:s14+$0x40] =	vst v5  }
0x17c: {  	s17 =	simm.s32 $0x1C0;
	s19 =	simm.s32 $0x4400;
	v4 =	vmul.f32 v63, v9;
	[tilespmem:s14+$0x20] =	vst v7  }
.LBB2_5:
0x17d: {  	p0 =	sne.s32 s17, $0x13C0  }
0x17e: {  	[tilespmem:s14+$0x30] =	vst v4;
	s19 =	sadd.s32 $0x240, s19;
	s20 =	smov.u32 s17;
	s17 =	sadd.s32 $0x100, s17  }
0x17f: {  	v4 =	vld [tilespmem:s13+$0xBE0]  }
0x180: {  	v5 =	vld [tilespmem:s13+$0x10E0];
	_ =	sdelay $0x4  }
0x181: {  	v4 =	vadd.f32 v5, v4;
	_ =	sdelay $0x1  }
0x182: {  	v5 =	vmul.f32 $2.000000030e-01, v4  }
0x183: {  	vm0 =	vge.f32 v4, $0.0e+00  }
0x184: {  	v4 =	vsel vm0, v4, v5  }
0x185: {  	v4 =	vmul.f32 $1.442695020e+00, v4;
	_ =	sdelay $0x1  }
0x186: {  	(erf) = vpow2.f32 v4;
	_ =	sdelay $0x2  }
0x187: {  	v4 =	vld [tilespmem:s14+$0x100]  }
0x188: {  	v5 =	vld [tilespmem:s14+$0x90]  }
0x189: {  	v6 =	vld [tilespmem:s14+$0x110]  }
0x18a: {  	v7 =	vld [tilespmem:s14+$0xA0]  }
0x18b: {  	v8 =	vld [tilespmem:s14+$0xF0]  }
0x18c: {  	v9 =	vld [tilespmem:s14+$0xB0]  }
0x18d: {  	v10 =	vld [tilespmem:s14+$0xC0];
	v11 =	vpop (erf)  }
0x18e: {  	v12 =	vperm.xlane v11, v0;
	v13 =	vperm.xlane v11, v1;
	v14 =	vld [tilespmem:s14+$0xD0]  }
0x18f: {  	v11 =	vperm.xlane v11, v2;
	v15 =	vld [tilespmem:s14+$0xE0]  }
0x190: {  	v5 =	vmul.f32 v5, v12;
	v7 =	vmul.f32 v7, v12  }
0x191: {  	v6 =	vmul.f32 v6, v11;
	v9 =	vmul.f32 v9, v12  }
0x192: {  	v8 =	vmul.f32 v8, v11;
	[tilespmem:s14+$0x90] =	vst v5;
	v5 =	vmul.f32 v10, v13  }
0x193: {  	v4 =	vmul.f32 v4, v11;
	[tilespmem:s14+$0xA0] =	vst v7;
	v7 =	vmul.f32 v14, v13  }
0x194: {  	v10 =	vmul.f32 v15, v13;
	[tilespmem:s14+$0x110] =	vst v6  }
0x195: {  	[tilespmem:s14+$0x100] =	vst v4  }
0x196: {  	[tilespmem:s14+$0xE0] =	vst v10  }
0x197: {  	[tilespmem:s14+$0xF0] =	vst v8  }
0x198: {  	[tilespmem:s14+$0xB0] =	vst v9  }
0x199: {  	[tilespmem:s14+$0xC0] =	vst v5  }
0x19a: {  	s13 =	sshra.s32 s20, $0x2;
	[tilespmem:s14+$0xD0] =	vst v7;
	s14 =	smov.u32 s19  }
0x19b: {  	v4 =	vld [tilespmem:s13+$0xBB0]  }
0x19c: {  	v5 =	vld [tilespmem:s13+$0x10B0];
	_ =	sdelay $0x4  }
0x19d: {  	v4 =	vadd.f32 v5, v4;
	_ =	sdelay $0x1  }
0x19e: {  	vm0 =	vge.f32 v4, $0.0e+00;
	v5 =	vmul.f32 $2.000000030e-01, v4;
	_ =	sdelay $0x1  }
0x19f: {  	v4 =	vsel vm0, v4, v5  }
0x1a0: {  	v4 =	vmul.f32 $1.442695020e+00, v4;
	_ =	sdelay $0x1  }
0x1a1: {  	(erf) = vpow2.f32 v4;
	_ =	sdelay $0x2  }
0x1a2: {  	v4 =	vld [tilespmem:s19+$0xFFFFFF10]  }
0x1a3: {  	v5 =	vld [tilespmem:s19+$0xFFFFFF60]  }
0x1a4: {  	v6 =	vld [tilespmem:s19+$0xFFFFFF40]  }
0x1a5: {  	v7 =	vld [tilespmem:s19+$0xFFFFFEF0]  }
0x1a6: {  	v8 =	vld [tilespmem:s19+$0xFFFFFEE0]  }
0x1a7: {  	v9 =	vld [tilespmem:s19+$0xFFFFFF30]  }
0x1a8: {  	v10 =	vld [tilespmem:s19+$0xFFFFFF50];
	v11 =	vpop (erf)  }
0x1a9: {  	v12 =	vperm.xlane v11, v0;
	v13 =	vperm.xlane v11, v1;
	v14 =	vld [tilespmem:s19+$0xFFFFFF00]  }
0x1aa: {  	v11 =	vperm.xlane v11, v2;
	v15 =	vld [tilespmem:s19+$0xFFFFFF20]  }
0x1ab: {  	v8 =	vmul.f32 v8, v12;
	v7 =	vmul.f32 v7, v12  }
0x1ac: {  	v6 =	vmul.f32 v6, v11;
	v9 =	vmul.f32 v9, v13  }
0x1ad: {  	v5 =	vmul.f32 v5, v11;
	[tilespmem:s19+$0xFFFFFEE0] =	vst v8;
	v8 =	vmul.f32 v10, v11  }
0x1ae: {  	v4 =	vmul.f32 v4, v13;
	[tilespmem:s19+$0xFFFFFEF0] =	vst v7;
	v7 =	vmul.f32 v14, v12  }
0x1af: {  	v10 =	vmul.f32 v15, v13;
	[tilespmem:s19+$0xFFFFFF30] =	vst v9  }
0x1b0: {  	[tilespmem:s19+$0xFFFFFF40] =	vst v6  }
0x1b1: {  	[tilespmem:s19+$0xFFFFFF10] =	vst v4  }
0x1b2: {  	[tilespmem:s19+$0xFFFFFF50] =	vst v8  }
0x1b3: {  	[tilespmem:s19+$0xFFFFFF60] =	vst v5  }
0x1b4: {  	[tilespmem:s19+$0xFFFFFF00] =	vst v7  }
0x1b5: {  	[tilespmem:s19+$0xFFFFFF20] =	vst v10  }
0x1b6: {  	v4 =	vld [tilespmem:s13+$0xBC0]  }
0x1b7: {  	v5 =	vld [tilespmem:s13+$0x10C0];
	_ =	sdelay $0x4  }
0x1b8: {  	v4 =	vadd.f32 v5, v4;
	_ =	sdelay $0x1  }
0x1b9: {  	v5 =	vmul.f32 $2.000000030e-01, v4  }
0x1ba: {  	vm0 =	vge.f32 v4, $0.0e+00  }
0x1bb: {  	v4 =	vsel vm0, v4, v5  }
0x1bc: {  	v4 =	vmul.f32 $1.442695020e+00, v4;
	_ =	sdelay $0x1  }
0x1bd: {  	(erf) = vpow2.f32 v4;
	_ =	sdelay $0x2  }
0x1be: {  	v4 =	vld [tilespmem:s19+$0xFFFFFFD0]  }
0x1bf: {  	v5 =	vld [tilespmem:s19+$0xFFFFFFA0]  }
0x1c0: {  	v6 =	vld [tilespmem:s19+$0xFFFFFFF0]  }
0x1c1: {  	v7 =	vld [tilespmem:s19+$0xFFFFFF80]  }
0x1c2: {  	v8 =	vld [tilespmem:s19+$0xFFFFFF70]  }
0x1c3: {  	v9 =	vld [tilespmem:s19+$0xFFFFFFE0]  }
0x1c4: {  	v10 =	vld [tilespmem:s19+$0xFFFFFF90];
	v11 =	vpop (erf)  }
0x1c5: {  	v12 =	vperm.xlane v11, v0;
	v13 =	vperm.xlane v11, v1;
	v14 =	vld [tilespmem:s19+$0xFFFFFFB0]  }
0x1c6: {  	v11 =	vperm.xlane v11, v2;
	v15 =	vld [tilespmem:s19+$0xFFFFFFC0]  }
0x1c7: {  	v8 =	vmul.f32 v8, v12;
	v7 =	vmul.f32 v7, v12  }
0x1c8: {  	v6 =	vmul.f32 v6, v11;
	v9 =	vmul.f32 v9, v11  }
0x1c9: {  	v5 =	vmul.f32 v5, v13;
	[tilespmem:s19+$0xFFFFFF80] =	vst v7;
	v7 =	vmul.f32 v10, v12  }
0x1ca: {  	v4 =	vmul.f32 v4, v11;
	v10 =	vmul.f32 v14, v13;
	[tilespmem:s19+$0xFFFFFFE0] =	vst v9  }
0x1cb: {  	[tilespmem:s19+$0xFFFFFF70] =	vst v8;
	v8 =	vmul.f32 v15, v13  }
0x1cc: {  	[tilespmem:s19+$0xFFFFFF90] =	vst v7  }
0x1cd: {  	[tilespmem:s19+$0xFFFFFFD0] =	vst v4  }
0x1ce: {  	[tilespmem:s19+$0xFFFFFFF0] =	vst v6  }
0x1cf: {  	[tilespmem:s19+$0xFFFFFFB0] =	vst v10  }
0x1d0: {  	[tilespmem:s19+$0xFFFFFFC0] =	vst v8  }
0x1d1: {  	[tilespmem:s19+$0xFFFFFFA0] =	vst v5  }
0x1d2: {  	v4 =	vld [tilespmem:s13+$0xBD0]  }
0x1d3: {  	v5 =	vld [tilespmem:s13+$0x10D0];
	_ =	sdelay $0x4  }
0x1d4: {  	v4 =	vadd.f32 v5, v4;
	_ =	sdelay $0x1  }
0x1d5: {  	v5 =	vmul.f32 $2.000000030e-01, v4  }
0x1d6: {  	vm0 =	vge.f32 v4, $0.0e+00  }
0x1d7: {  	v4 =	vsel vm0, v4, v5  }
0x1d8: {  	v4 =	vmul.f32 $1.442695020e+00, v4;
	_ =	sdelay $0x1  }
0x1d9: {  	(erf) = vpow2.f32 v4;
	_ =	sdelay $0x2  }
0x1da: {  	v4 =	vld [tilespmem:s19+$0x50]  }
0x1db: {  	v5 =	vld [tilespmem:s19+$0x80]  }
0x1dc: {  	v6 =	vld [tilespmem:s19+$0x70]  }
0x1dd: {  	v7 =	vld [tilespmem:s19+$0x10]  }
0x1de: {  	v8 =	vld [tilespmem:s19+$0x0]  }
0x1df: {  	v9 =	vld [tilespmem:s19+$0x60]  }
0x1e0: {  	v10 =	vld [tilespmem:s19+$0x20];
	v11 =	vpop (erf)  }
0x1e1: {  	v12 =	vperm.xlane v11, v0;
	v13 =	vperm.xlane v11, v1;
	v14 =	vld [tilespmem:s19+$0x40]  }
0x1e2: {  	v11 =	vperm.xlane v11, v2;
	v15 =	vld [tilespmem:s19+$0x30]  }
0x1e3: {  	v8 =	vmul.f32 v8, v12;
	v7 =	vmul.f32 v7, v12  }
0x1e4: {  	v6 =	vmul.f32 v6, v11;
	v9 =	vmul.f32 v9, v11  }
0x1e5: {  	v5 =	vmul.f32 v5, v11;
	[tilespmem:s19+$0x0] =	vst v8;
	v8 =	vmul.f32 v10, v12  }
0x1e6: {  	v11 =	vmul.f32 v4, v13;
	v10 =	vmul.f32 v14, v13;
	[tilespmem:s19+$0x70] =	vst v6  }
0x1e7: {  	[tilespmem:s19+$0x10] =	vst v7;
	v4 =	vmul.f32 v15, v13  }
.Ltmp1:
0x1e8: {  	[tilespmem:s19+$0x80] =	vst v5;
	(pc) =	sbr.rel @p0 .LBB2_5-.Ltmp1, $4  }
0x1e9: {  	[tilespmem:s19+$0x50] =	vst v11  }
0x1ea: {  	[tilespmem:s19+$0x60] =	vst v9  }
0x1eb: {  	[tilespmem:s19+$0x40] =	vst v10  }
0x1ec: {  	[tilespmem:s19+$0x20] =	vst v8  }
0x1ed: {  	[tilespmem:s14+$0x30] =	vst v4  }
0x1ee: {  	v4 =	vld [tilespmem:s13+$0xBE0]  }
0x1ef: {  	v5 =	vld [tilespmem:s13+$0x10E0];
	_ =	sdelay $0x4  }
0x1f0: {  	v4 =	vadd.f32 v5, v4;
	_ =	sdelay $0x1  }
0x1f1: {  	v5 =	vmul.f32 $2.000000030e-01, v4  }
0x1f2: {  	vm0 =	vge.f32 v4, $0.0e+00  }
0x1f3: {  	v4 =	vsel vm0, v4, v5  }
0x1f4: {  	v4 =	vmul.f32 $1.442695020e+00, v4;
	_ =	sdelay $0x1  }
0x1f5: {  	(erf) = vpow2.f32 v4;
	_ =	sdelay $0x6  }
0x1f6: {  	v5 =	vld [tilespmem:s14+$0x90]  }
0x1f7: {  	v6 =	vld [tilespmem:s14+$0xA0]  }
0x1f8: {  	v7 =	vld [tilespmem:s14+$0x110];
	v8 =	vpop (erf)  }
0x1f9: {  	v4 =	vld [tilespmem:s14+$0x100];
	v10 =	vperm.xlane v8, v0  }
0x1fa: {  	v9 =	vld [tilespmem:s14+$0xF0]  }
0x1fb: {  	v15 =	vld [tilespmem:s14+$0xD0];
	v13 =	vperm.xlane v8, v2;
	v5 =	vmul.f32 v5, v10  }
0x1fc: {  	v11 =	vld [tilespmem:s14+$0xE0];
	v6 =	vmul.f32 v6, v10  }
0x1fd: {  	v12 =	vld [tilespmem:s14+$0xB0];
	v7 =	vmul.f32 v7, v13;
	[tilespmem:s14+$0x90] =	vst v5  }
0x1fe: {  	v14 =	vld [tilespmem:s14+$0xC0];
	v8 =	vperm.xlane v8, v1;
	v4 =	vmul.f32 v4, v13;
	[tilespmem:s14+$0xA0] =	vst v6  }
0x1ff: {  	v62 =	vmul.f32 v9, v13;
	[tilespmem:s14+$0x110] =	vst v7  }
0x200: {  	v63 =	vmul.f32 v15, v8;
	[tilespmem:s14+$0x100] =	vst v4  }
0x201: {  	v5 =	vmul.f32 v11, v8;
	[tilespmem:s14+$0xF0] =	vst v62  }
0x202: {  	v4 =	vmul.f32 v12, v10;
	[tilespmem:s14+$0xD0] =	vst v63  }
0x203: {  	[tilespmem:s14+$0xE0] =	vst v5;
	v5 =	vmul.f32 v14, v8  }
0x204: {  	[tilespmem:s14+$0xB0] =	vst v4  }
0x205: {  	s10 =	sadd.s32 $0x1, s10;
	[tilespmem:s14+$0xC0] =	vst v5  }
0x206: {  	[spmem:s2] =	stream.indirect.scatter.add.f32 [tilespmem:s24], [sflag:$0x8], $0x90, s22, s16, $0xb8;
	[tilespmem:$0x1D7E0] =	vst v63  }
0x207: {  	p0 =	sne.s32 s10, $0x7D;
	_ =	swait.ge [sflag:s9], $0x2D00  }
.Ltmp2:
0x208: {  	[sflag:s9] =	ssyncset.done $0x0;
	(pc) =	sbr.rel @p0 .LBB2_2-.Ltmp2, $4  }
0x209: {  	[sflag:s9] =	ssyncadd.s32 $0xFFFFD300  }
0x20a: {  	_ =	swait.ge [sflag:s12], $0x2D00  }
0x20b: {  	[sflag:s12] =	ssyncset.done $0x0  }
0x20c: {  	[sflag:s12] =	ssyncadd.s32 $0xFFFFD300  }
0x20d: {  	[bflag:$0x0] =	sbarrier.arrive $0xFFFF  }
0x20e: {  	s17 =	rddreg [dreg:$0x4]  }
0x20f: {  	s10 =	rddreg [dreg:$0x5]  }
0x210: {  	s19 =	rddreg [dreg:$0x7]  }
0x211: {  	[hbm:s10], [sflag:s17] =	dma.local [spmem:s19], $0x2D00  }
0x212: {  	_ =	swait.ge [sflag:s15], $0x2D00  }
0x213: {  	s13 =	rddreg [dreg:$0x8]  }
0x214: {  	s20 =	rddreg [dreg:$0x6];
	s13 =	sadd.s32 $0x1, s13  }
0x215: {  	p0 =	sne.s32 s13, s20  }
.Ltmp3:
0x216: {  	_ = 	snop;
	(pc) =	sbr.rel @p0 .LBB2_1-.Ltmp3, $3  }
0x217: {  	_ =	sdelay $0x1  }
0x218: {  	[sflag:s15] =	ssyncset.done $0x0  }
0x219: {  	[sflag:s15] =	ssyncadd.s32 $0xFFFFD300  }
0x21a: {  	_ =	sfence.sel $0x180000  }
0x21b: {  	[bflag:$0x0] =	sbarrier.arrive $0xFFFF  }
0x21c: {  	_ =	strace $0x9000004A  }
0x21d: {  	s0 =	stileid.u32;
	[bflag:$0x2] =	sbarrier.arrive $0xFFFF  }
0x21e: {  	p0 =	sne.s32 s0, $0x0;
	s0 =	rddreg [dreg:$0x2]  }
0x21f: {  	s0 =	sadd.s32 @!p0 $0x100000, s0  }
0x220: {  	[sflag:s0] =	ssyncadd.tile.s32 @!p0 $0x1;
	_ =	shalt  }
.Lfunc_end2:
_tile_overlayer_lowered:
.L_overlay_start_2:
0x221: {  	(tag) =	ssettag $0x2  }
0x222: {  	s0 =	rddreg [dreg:$0x0];
	s2 =	stileid.u32  }
0x223: {  	s1 =	rddreg [dreg:$0x1];
	p0 =	sne.s32 s2, $0x0  }
0x224: {  	s3 =	rddreg [dreg:$0x2];
	[bflag:$0x3] =	sbarrier.arrive $0xFFFF;
	s2 =	simm.s32 @!p0 $0x1C09  }
0x225: {  	[timem:s3], [sflag:s2] =	dma.local @!p0 [hbm:s0], s1  }
0x226: {  	s0 =	simm.s32 @!p0 $0x9  }
0x227: {  	_ =	swait.ge @!p0 [sflag:s0], s1  }
0x228: {  	s1 =	ssub.s32 @!p0 $0x0, s1;
	[sflag:s0] =	ssyncset.done @!p0 $0x0  }
0x229: {  	[sflag:s0] =	ssyncadd.s32 @!p0 s1  }
0x22a: {  	[bflag:$0x3] =	sbarrier.arrive $0xFFFF  }
0x22b: {  	_ =	shalt  }

</sc_bundles>
